<compile_context>
chip_gen: v7x
topology: tpu7x:2x2x1
jax: 0.10.2.dev20260603
libtpu: 0.0.44.dev20260713+nightly
codegen_flags: <defaults>
</compile_context>

<pallas_src>
import functools
import math

import jax
import jax.numpy as jnp
from jax import lax
from jax.experimental import pallas as pl
from jax.experimental.pallas import tpu as pltpu
from jax.experimental.pallas import tpu_sc as plsc

EMB = 64
SCALE = math.sqrt(EMB)
GSZ = 128
PITCH = 129


def _make_transpose_kernel(V):
    info = plsc.get_sparse_core_info()
    NC, NS = info.num_cores, info.num_subcores
    NW = NC * NS
    W = 2 * GSZ
    WP = W + 1
    NT = V // W
    n_tail = V - NT * W
    n_loop = NT // NW + 2
    n_kk = n_loop // 2

    mesh = plsc.VectorSubcoreMesh(core_axis_name="c", subcore_axis_name="s")

    @functools.partial(
        pl.kernel,
        mesh=mesh,
        compiler_params=pltpu.CompilerParams(
            use_tc_tiling_on_sc=True, needs_layout_passes=False
        ),
        out_type=jax.ShapeDtypeStruct((V // 2, GSZ), jnp.float32),
        scratch_types=[
            pltpu.VMEM((EMB, WP), jnp.float32),
            pltpu.VMEM((EMB, WP), jnp.float32),
            pltpu.VMEM((W // 2, PITCH), jnp.float32),
            pltpu.VMEM((W // 2, PITCH), jnp.float32),
            pltpu.VMEM((n_tail // 2, GSZ), jnp.float32),
            pltpu.SemaphoreType.DMA,
            pltpu.SemaphoreType.DMA,
            pltpu.SemaphoreType.DMA,
            pltpu.SemaphoreType.DMA,
        ],
    )
    def k(tt_hbm, tail_hbm, ts_hbm, ib0, ib1, ow0, ow1, tbuf,
          g0, g1, s0, s1):
        wid = lax.axis_index("s") * NC + lax.axis_index("c")
        ibuf = (ib0, ib1)
        outw = (ow0, ow1)
        gsem = (g0, g1)
        ssem = (s0, s1)
        gdummy = ts_hbm.at[pl.ds(0, W // 2)]

        def vt(kk):
            return kk * NW + wid

        def fire(kk, b):
            @pl.when(vt(kk) < NT)
            def _():
                pltpu.async_copy(
                    tt_hbm.at[:, pl.ds(vt(kk) * W, W)],
                    ibuf[b].at[:, pl.ds(0, W)],
                    gsem[b],
                )

        iota16 = lax.iota(jnp.int32, 16)
        evecs4 = [iota16 + 16 * jj for jj in range(EMB // 16)]

        def trans_pass(b):
            @plsc.parallel_loop(0, W // 2, 1, unroll=4)
            def _(kp):
                c0 = lax.broadcast(2 * kp, (16,))
                c1 = lax.broadcast(2 * kp + 1, (16,))
                for j in range(2 * EMB // 16):
                    colv = c0 if j < EMB // 16 else c1
                    v = plsc.load_gather(
                        ibuf[b], [evecs4[j % (EMB // 16)], colv]
                    )
                    outw[b][kp, pl.ds(16 * j, 16)] = v * SCALE

        fire(0, 0)

        def body(kk2, _):
            for b in range(2):
                kk = 2 * kk2 + b
                o = 1 - b
                fire(kk + 1, o)
                if b == 0:

                    @pl.when(jnp.logical_and(kk2 >= 1, vt(kk - 2) < NT))
                    def _():
                        pltpu.make_async_copy(
                            outw[b].at[:, pl.ds(0, GSZ)], gdummy, ssem[b]
                        ).wait()

                else:

                    @pl.when(jnp.logical_and(kk2 >= 1, vt(kk - 2) < NT))
                    def _():
                        pltpu.make_async_copy(
                            outw[b].at[:, pl.ds(0, GSZ)], gdummy, ssem[b]
                        ).wait()

                @pl.when(vt(kk) < NT)
                def _():
                    pltpu.make_async_copy(
                        tt_hbm.at[:, pl.ds(0, W)],
                        ibuf[b].at[:, pl.ds(0, W)],
                        gsem[b],
                    ).wait()
                    trans_pass(b)
                    pltpu.async_copy(
                        outw[b].at[:, pl.ds(0, GSZ)],
                        ts_hbm.at[pl.ds(vt(kk) * (W // 2), W // 2)],
                        ssem[b],
                    )

            return 0

        lax.fori_loop(0, n_kk, body, 0)
        for kk in (n_loop - 2, n_loop - 1):

            @pl.when(vt(kk) < NT)
            def _():
                pltpu.make_async_copy(
                    outw[kk % 2].at[:, pl.ds(0, GSZ)], gdummy, ssem[kk % 2]
                ).wait()

        @pl.when(wid == 0)
        def _():
            pltpu.sync_copy(tail_hbm, tbuf)
            pltpu.sync_copy(tbuf, ts_hbm.at[pl.ds(NT * (W // 2),
                                                  n_tail // 2)])

    return k


def _make_gather_kernel(batch, hist, V):
    info = plsc.get_sparse_core_info()
    NC, NS = info.num_cores, info.num_subcores
    NW = NC * NS
    n_btile = batch // GSZ
    n_pairs = hist * n_btile
    per_w = n_pairs // NW
    assert n_pairs % (2 * NW) == 0 and batch % GSZ == 0 and EMB % 16 == 0
    n_kk = per_w // 2

    mesh = plsc.VectorSubcoreMesh(core_axis_name="c", subcore_axis_name="s")

    @functools.partial(
        pl.kernel,
        mesh=mesh,
        compiler_params=pltpu.CompilerParams(
            use_tc_tiling_on_sc=False, needs_layout_passes=False
        ),
        out_type=jax.ShapeDtypeStruct(
            (hist, EMB // 8, n_btile, 8, GSZ), jnp.float32
        ),
        scratch_types=[
            pltpu.VMEM((per_w, GSZ), jnp.int32),
            pltpu.VMEM((GSZ, EMB), jnp.float32),
            pltpu.VMEM((GSZ, EMB), jnp.float32),
            pltpu.VMEM((EMB // 8, 8, PITCH), jnp.float32),
            pltpu.VMEM((EMB // 8, 8, PITCH), jnp.float32),
            pltpu.SemaphoreType.DMA,
            pltpu.SemaphoreType.DMA,
            pltpu.SemaphoreType.DMA,
            pltpu.SemaphoreType.DMA,
        ],
    )
    def k(x_hbm, table_hbm, out_hbm, idx_v, rows0, rows1,
          ob0, ob1, g0, g1, s0, s1):
        wid = lax.axis_index("s") * NC + lax.axis_index("c")
        pltpu.sync_copy(x_hbm.at[wid], idx_v)

        rows = (rows0, rows1)
        obuf = (ob0, ob1)
        gsem = (g0, g1)
        ssem = (s0, s1)
        gdummy = out_hbm.at[0, :, 0]

        def fire(t, b):
            pltpu.async_copy(table_hbm.at[idx_v.at[t]], rows[b], gsem[b])

        iota16 = lax.iota(jnp.int32, 16)
        evecs = [(iota16 + 16 * j) // 8 for j in range(EMB // 16)]
        svecs = [lax.rem(iota16 + 16 * j, 8) for j in range(EMB // 16)]

        def scatter_pass(b):
            @plsc.parallel_loop(0, GSZ, 1, unroll=4)
            def _(l):
                colv = lax.broadcast(l, (16,))
                for j in range(EMB // 16):
                    v = rows[b][l, pl.ds(16 * j, 16)]
                    plsc.store_scatter(obuf[b], [evecs[j], svecs[j], colv], v)

        fire(0, 0)

        def body(kk, _):
            for b in range(2):
                cur = 2 * kk + b
                o = 1 - b
                if b == 0:
                    fire(cur + 1, o)
                else:

                    @pl.when(kk < n_kk - 1)
                    def _():
                        fire(cur + 1, o)

                pltpu.make_async_copy(
                    table_hbm.at[pl.ds(0, GSZ)], rows[b], gsem[b]
                ).wait()

                @pl.when(kk >= 1)
                def _():
                    pltpu.make_async_copy(
                        obuf[b].at[:, :, pl.ds(0, GSZ)], gdummy, ssem[b]
                    ).wait()

                scatter_pass(b)
                q = per_w * wid + cur
                h = 8 * (q // 256) + lax.rem(q, 8)
                bb = lax.rem(q, 256) // 8
                pltpu.async_copy(
                    obuf[b].at[:, :, pl.ds(0, GSZ)],
                    out_hbm.at[h, :, bb],
                    ssem[b],
                )
            return 0

        lax.fori_loop(0, n_kk, body, 0)
        pltpu.make_async_copy(
            ob0.at[:, :, pl.ds(0, GSZ)], gdummy, ssem[0]
        ).wait()
        pltpu.make_async_copy(
            ob1.at[:, :, pl.ds(0, GSZ)], gdummy, ssem[1]
        ).wait()

    def run(x, ts):
        x4 = x.reshape(batch // GSZ, GSZ, hist // 8, 8)
        x4 = jnp.transpose(x4, (2, 0, 3, 1))
        xt = x4.reshape(NW, per_w, GSZ)
        t64 = ts.reshape(V, EMB)
        return k(xt, t64)

    return run


def kernel(x, table):
    batch, hist = x.shape
    V = table.shape[0]
    NT = V // GSZ
    tail = (table[NT * GSZ:, :] * SCALE).reshape((V - NT * GSZ) // 2,
                                                 2 * EMB)
    ts = _make_transpose_kernel(V)(table.T, tail)
    o5 = _make_gather_kernel(batch, hist, V)(x.astype(jnp.int32), ts)
    return jnp.transpose(o5, (2, 4, 0, 1, 3)).reshape(batch, hist, EMB)

# --- scband reference (transcript-rebuilt; emitter-appended) ---
"""Pipeline reference for scband-input-embeddings-14783277432884 (READ-ONLY COPY).

The authoritative reference and input builder live on the scoring server;
editing this copy changes nothing except your own understanding.
"""

import math
import jax, jax.numpy as jnp
import numpy as np

EMB_SIZE = 64
VOCAB_SIZE = 1000000
BATCH = 4096
HIST = 200

def setup_inputs(seed: int = 0) -> dict:
    key = jax.random.key(seed)
    k1, k2 = jax.random.split(key)
    x = jax.random.randint(k1, (BATCH, HIST), 0, VOCAB_SIZE, dtype=jnp.int64 if jax.config.jax_enable_x64 else jnp.int32)
    table = jax.random.normal(k2, (VOCAB_SIZE, EMB_SIZE), dtype=jnp.float32)
    return {"x": x, "table": table}

def reference(x, table):
    # nn.Embedding lookup followed by scaling by sqrt(emb_size)
    emb = jnp.take(table, x, axis=0)
    return emb * math.sqrt(EMB_SIZE)

if __name__ == "__main__":
    import jax
    _d = setup_inputs()
    print(jax.jit(kernel)(*tuple(_d.values())))

</pallas_src>

<mosaic_0001>
#map = affine_map<(d0, d1) -> (0, 0, 0)>
#map1 = affine_map<(d0, d1) -> (0, 0)>
#map2 = affine_map<(d0, d1) -> (0, 0, 0, 0, 0)>
module attributes {stable_mosaic.version = 14 : i64} {
  func.func @k(%arg0: i32, %arg1: i32, %arg2: memref<32x200x128xi32, #tpu.memory_space<hbm>>, %arg3: memref<1000000x64xf32, #tpu.memory_space<hbm>>, %arg4: memref<200x8x32x8x128xf32, #tpu.memory_space<hbm>>, %arg5: memref<200x128xi32, #tpu.memory_space<vmem>>, %arg6: memref<128x64xf32, #tpu.memory_space<vmem>>, %arg7: memref<128x64xf32, #tpu.memory_space<vmem>>, %arg8: memref<8x8x129xf32, #tpu.memory_space<vmem>>, %arg9: memref<8x8x129xf32, #tpu.memory_space<vmem>>, %arg10: memref<!tpu.dma_semaphore, #tpu.memory_space<semaphore_mem>>, %arg11: memref<!tpu.dma_semaphore, #tpu.memory_space<semaphore_mem>>, %arg12: memref<!tpu.dma_semaphore, #tpu.memory_space<semaphore_mem>>, %arg13: memref<!tpu.dma_semaphore, #tpu.memory_space<semaphore_mem>>) attributes {dimension_semantics = [#tpu.dimension_semantics<core_parallel>, #tpu.dimension_semantics<subcore_parallel>], iteration_bounds = array<i64: 2, 16>, scalar_prefetch = 0 : i64, scratch_operands = 9 : i64, tpu.core_type = #tpu.core_type<sc_vector_subcore>, window_params = [{transform_indices = #map}, {transform_indices = #map1}, {transform_indices = #map2}]} {
    %mul3A = arith.constant 2 : i32
    %mul3A_0 = arith.muli %arg1, %mul3A : i32
    %add3A = arith.addi %mul3A_0, %arg0 : i32
    "tpu.region"() ({
      %run_scoped3A = tpu.sem_alloc : memref<!tpu.dma_semaphore, #tpu.memory_space<semaphore_mem>>
      %dma_start3A_206 = arith.constant 0 : i32
      %dma_start3A_207 = arith.constant 0 : i32
      %dma_start3A_208 = tpu.memref_slice %arg2[%add3A, %dma_start3A_206, %dma_start3A_207] : memref<32x200x128xi32, #tpu.memory_space<hbm>> -> memref<1x200x128xi32, #tpu.memory_space<hbm>>
      %dma_start3A_209 = tpu.memref_squeeze %dma_start3A_208 : memref<1x200x128xi32, #tpu.memory_space<hbm>> -> memref<200x128xi32, #tpu.memory_space<hbm>>
      %dma_start3A_210 = arith.constant 0 : i32
      %dma_start3A_211 = arith.constant 0 : i32
      %dma_start3A_212 = tpu.memref_slice %arg2[%add3A, %dma_start3A_210, %dma_start3A_211] : memref<32x200x128xi32, #tpu.memory_space<hbm>> -> memref<1x200x128xi32, #tpu.memory_space<hbm>>
      %dma_start3A_213 = tpu.memref_squeeze %dma_start3A_212 : memref<1x200x128xi32, #tpu.memory_space<hbm>> -> memref<200x128xi32, #tpu.memory_space<hbm>>
      tpu.enqueue_dma source(%dma_start3A_213 : memref<200x128xi32, #tpu.memory_space<hbm>>) target(%arg5 : memref<200x128xi32, #tpu.memory_space<vmem>>) target_semaphore(%run_scoped3A : memref<!tpu.dma_semaphore, #tpu.memory_space<semaphore_mem>>)
      %dma_wait3A_214 = arith.constant 0 : i32
      %dma_wait3A_215 = arith.constant 0 : i32
      %dma_wait3A_216 = tpu.memref_slice %arg2[%add3A, %dma_wait3A_214, %dma_wait3A_215] : memref<32x200x128xi32, #tpu.memory_space<hbm>> -> memref<1x200x128xi32, #tpu.memory_space<hbm>>
      %dma_wait3A_217 = tpu.memref_squeeze %dma_wait3A_216 : memref<1x200x128xi32, #tpu.memory_space<hbm>> -> memref<200x128xi32, #tpu.memory_space<hbm>>
      %dma_wait3A_218 = arith.constant 0 : i32
      %dma_wait3A_219 = arith.constant 0 : i32
      %dma_wait3A_220 = tpu.memref_slice %arg2[%add3A, %dma_wait3A_218, %dma_wait3A_219] : memref<32x200x128xi32, #tpu.memory_space<hbm>> -> memref<1x200x128xi32, #tpu.memory_space<hbm>>
      %dma_wait3A_221 = tpu.memref_squeeze %dma_wait3A_220 : memref<1x200x128xi32, #tpu.memory_space<hbm>> -> memref<200x128xi32, #tpu.memory_space<hbm>>
      tpu.wait_dma2 semaphore(%run_scoped3A : memref<!tpu.dma_semaphore, #tpu.memory_space<semaphore_mem>>) src(%dma_wait3A_221 : memref<200x128xi32, #tpu.memory_space<hbm>>) dst(%arg5 : memref<200x128xi32, #tpu.memory_space<vmem>>)
      tpu.yield
    }) : () -> ()
    %iota3A = tpu.iota {dimensions = array<i32: 0>} : vector<16xi32>
    %add3A_1 = arith.constant 0 : i32
    %add3A_2 = vector.broadcast %add3A_1 : i32 to vector<16xi32>
    %add3A_3 = arith.addi %iota3A, %add3A_2 : vector<16xi32>
    %jit3A = arith.constant 8 : i32
    %div3A = vector.broadcast %jit3A : i32 to vector<16xi32>
    %div3A_4 = arith.divsi %add3A_3, %div3A : vector<16xi32>
    %sign3A = arith.constant 0 : i32
    %sign3A_5 = vector.broadcast %sign3A : i32 to vector<16xi32>
    %sign3A_6 = arith.cmpi sgt, %add3A_3, %sign3A_5 : vector<16xi32>
    %sign3A_7 = arith.extui %sign3A_6 : vector<16xi1> to vector<16xi32>
    %sign3A_8 = arith.constant 0 : i32
    %sign3A_9 = vector.broadcast %sign3A_8 : i32 to vector<16xi32>
    %sign3A_10 = arith.cmpi slt, %add3A_3, %sign3A_9 : vector<16xi32>
    %sign3A_11 = arith.extui %sign3A_10 : vector<16xi1> to vector<16xi32>
    %sign3A_12 = arith.subi %sign3A_7, %sign3A_11 : vector<16xi32>
    %sign3A_13 = arith.constant 0 : i32
    %sign3A_14 = arith.cmpi sgt, %jit3A, %sign3A_13 : i32
    %sign3A_15 = arith.extui %sign3A_14 : i1 to i32
    %sign3A_16 = arith.constant 0 : i32
    %sign3A_17 = arith.cmpi slt, %jit3A, %sign3A_16 : i32
    %sign3A_18 = arith.extui %sign3A_17 : i1 to i32
    %sign3A_19 = arith.subi %sign3A_15, %sign3A_18 : i32
    %ne3A = vector.broadcast %sign3A_19 : i32 to vector<16xi32>
    %ne3A_20 = arith.cmpi ne, %sign3A_12, %ne3A : vector<16xi32>
    %rem3A = vector.broadcast %jit3A : i32 to vector<16xi32>
    %rem3A_21 = arith.remsi %add3A_3, %rem3A : vector<16xi32>
    %ne3A_22 = arith.constant 0 : i32
    %ne3A_23 = vector.broadcast %ne3A_22 : i32 to vector<16xi32>
    %ne3A_24 = arith.cmpi ne, %rem3A_21, %ne3A_23 : vector<16xi32>
    %and3A = arith.andi %ne3A_20, %ne3A_24 : vector<16xi1>
    %sub3A = arith.constant 1 : i32
    %sub3A_25 = vector.broadcast %sub3A : i32 to vector<16xi32>
    %sub3A_26 = arith.subi %div3A_4, %sub3A_25 : vector<16xi32>
    %select_n3A = arith.select %and3A, %sub3A_26, %div3A_4 : vector<16xi1>, vector<16xi32>
    %add3A_27 = arith.constant 16 : i32
    %add3A_28 = vector.broadcast %add3A_27 : i32 to vector<16xi32>
    %add3A_29 = arith.addi %iota3A, %add3A_28 : vector<16xi32>
    %jit3A_30 = arith.constant 8 : i32
    %div3A_31 = vector.broadcast %jit3A_30 : i32 to vector<16xi32>
    %div3A_32 = arith.divsi %add3A_29, %div3A_31 : vector<16xi32>
    %sign3A_33 = arith.constant 0 : i32
    %sign3A_34 = vector.broadcast %sign3A_33 : i32 to vector<16xi32>
    %sign3A_35 = arith.cmpi sgt, %add3A_29, %sign3A_34 : vector<16xi32>
    %sign3A_36 = arith.extui %sign3A_35 : vector<16xi1> to vector<16xi32>
    %sign3A_37 = arith.constant 0 : i32
    %sign3A_38 = vector.broadcast %sign3A_37 : i32 to vector<16xi32>
    %sign3A_39 = arith.cmpi slt, %add3A_29, %sign3A_38 : vector<16xi32>
    %sign3A_40 = arith.extui %sign3A_39 : vector<16xi1> to vector<16xi32>
    %sign3A_41 = arith.subi %sign3A_36, %sign3A_40 : vector<16xi32>
    %sign3A_42 = arith.constant 0 : i32
    %sign3A_43 = arith.cmpi sgt, %jit3A_30, %sign3A_42 : i32
    %sign3A_44 = arith.extui %sign3A_43 : i1 to i32
    %sign3A_45 = arith.constant 0 : i32
    %sign3A_46 = arith.cmpi slt, %jit3A_30, %sign3A_45 : i32
    %sign3A_47 = arith.extui %sign3A_46 : i1 to i32
    %sign3A_48 = arith.subi %sign3A_44, %sign3A_47 : i32
    %ne3A_49 = vector.broadcast %sign3A_48 : i32 to vector<16xi32>
    %ne3A_50 = arith.cmpi ne, %sign3A_41, %ne3A_49 : vector<16xi32>
    %rem3A_51 = vector.broadcast %jit3A_30 : i32 to vector<16xi32>
    %rem3A_52 = arith.remsi %add3A_29, %rem3A_51 : vector<16xi32>
    %ne3A_53 = arith.constant 0 : i32
    %ne3A_54 = vector.broadcast %ne3A_53 : i32 to vector<16xi32>
    %ne3A_55 = arith.cmpi ne, %rem3A_52, %ne3A_54 : vector<16xi32>
    %and3A_56 = arith.andi %ne3A_50, %ne3A_55 : vector<16xi1>
    %sub3A_57 = arith.constant 1 : i32
    %sub3A_58 = vector.broadcast %sub3A_57 : i32 to vector<16xi32>
    %sub3A_59 = arith.subi %div3A_32, %sub3A_58 : vector<16xi32>
    %select_n3A_60 = arith.select %and3A_56, %sub3A_59, %div3A_32 : vector<16xi1>, vector<16xi32>
    %add3A_61 = arith.constant 32 : i32
    %add3A_62 = vector.broadcast %add3A_61 : i32 to vector<16xi32>
    %add3A_63 = arith.addi %iota3A, %add3A_62 : vector<16xi32>
    %jit3A_64 = arith.constant 8 : i32
    %div3A_65 = vector.broadcast %jit3A_64 : i32 to vector<16xi32>
    %div3A_66 = arith.divsi %add3A_63, %div3A_65 : vector<16xi32>
    %sign3A_67 = arith.constant 0 : i32
    %sign3A_68 = vector.broadcast %sign3A_67 : i32 to vector<16xi32>
    %sign3A_69 = arith.cmpi sgt, %add3A_63, %sign3A_68 : vector<16xi32>
    %sign3A_70 = arith.extui %sign3A_69 : vector<16xi1> to vector<16xi32>
    %sign3A_71 = arith.constant 0 : i32
    %sign3A_72 = vector.broadcast %sign3A_71 : i32 to vector<16xi32>
    %sign3A_73 = arith.cmpi slt, %add3A_63, %sign3A_72 : vector<16xi32>
    %sign3A_74 = arith.extui %sign3A_73 : vector<16xi1> to vector<16xi32>
    %sign3A_75 = arith.subi %sign3A_70, %sign3A_74 : vector<16xi32>
    %sign3A_76 = arith.constant 0 : i32
    %sign3A_77 = arith.cmpi sgt, %jit3A_64, %sign3A_76 : i32
    %sign3A_78 = arith.extui %sign3A_77 : i1 to i32
    %sign3A_79 = arith.constant 0 : i32
    %sign3A_80 = arith.cmpi slt, %jit3A_64, %sign3A_79 : i32
    %sign3A_81 = arith.extui %sign3A_80 : i1 to i32
    %sign3A_82 = arith.subi %sign3A_78, %sign3A_81 : i32
    %ne3A_83 = vector.broadcast %sign3A_82 : i32 to vector<16xi32>
    %ne3A_84 = arith.cmpi ne, %sign3A_75, %ne3A_83 : vector<16xi32>
    %rem3A_85 = vector.broadcast %jit3A_64 : i32 to vector<16xi32>
    %rem3A_86 = arith.remsi %add3A_63, %rem3A_85 : vector<16xi32>
    %ne3A_87 = arith.constant 0 : i32
    %ne3A_88 = vector.broadcast %ne3A_87 : i32 to vector<16xi32>
    %ne3A_89 = arith.cmpi ne, %rem3A_86, %ne3A_88 : vector<16xi32>
    %and3A_90 = arith.andi %ne3A_84, %ne3A_89 : vector<16xi1>
    %sub3A_91 = arith.constant 1 : i32
    %sub3A_92 = vector.broadcast %sub3A_91 : i32 to vector<16xi32>
    %sub3A_93 = arith.subi %div3A_66, %sub3A_92 : vector<16xi32>
    %select_n3A_94 = arith.select %and3A_90, %sub3A_93, %div3A_66 : vector<16xi1>, vector<16xi32>
    %add3A_95 = arith.constant 48 : i32
    %add3A_96 = vector.broadcast %add3A_95 : i32 to vector<16xi32>
    %add3A_97 = arith.addi %iota3A, %add3A_96 : vector<16xi32>
    %jit3A_98 = arith.constant 8 : i32
    %div3A_99 = vector.broadcast %jit3A_98 : i32 to vector<16xi32>
    %div3A_100 = arith.divsi %add3A_97, %div3A_99 : vector<16xi32>
    %sign3A_101 = arith.constant 0 : i32
    %sign3A_102 = vector.broadcast %sign3A_101 : i32 to vector<16xi32>
    %sign3A_103 = arith.cmpi sgt, %add3A_97, %sign3A_102 : vector<16xi32>
    %sign3A_104 = arith.extui %sign3A_103 : vector<16xi1> to vector<16xi32>
    %sign3A_105 = arith.constant 0 : i32
    %sign3A_106 = vector.broadcast %sign3A_105 : i32 to vector<16xi32>
    %sign3A_107 = arith.cmpi slt, %add3A_97, %sign3A_106 : vector<16xi32>
    %sign3A_108 = arith.extui %sign3A_107 : vector<16xi1> to vector<16xi32>
    %sign3A_109 = arith.subi %sign3A_104, %sign3A_108 : vector<16xi32>
    %sign3A_110 = arith.constant 0 : i32
    %sign3A_111 = arith.cmpi sgt, %jit3A_98, %sign3A_110 : i32
    %sign3A_112 = arith.extui %sign3A_111 : i1 to i32
    %sign3A_113 = arith.constant 0 : i32
    %sign3A_114 = arith.cmpi slt, %jit3A_98, %sign3A_113 : i32
    %sign3A_115 = arith.extui %sign3A_114 : i1 to i32
    %sign3A_116 = arith.subi %sign3A_112, %sign3A_115 : i32
    %ne3A_117 = vector.broadcast %sign3A_116 : i32 to vector<16xi32>
    %ne3A_118 = arith.cmpi ne, %sign3A_109, %ne3A_117 : vector<16xi32>
    %rem3A_119 = vector.broadcast %jit3A_98 : i32 to vector<16xi32>
    %rem3A_120 = arith.remsi %add3A_97, %rem3A_119 : vector<16xi32>
    %ne3A_121 = arith.constant 0 : i32
    %ne3A_122 = vector.broadcast %ne3A_121 : i32 to vector<16xi32>
    %ne3A_123 = arith.cmpi ne, %rem3A_120, %ne3A_122 : vector<16xi32>
    %and3A_124 = arith.andi %ne3A_118, %ne3A_123 : vector<16xi1>
    %sub3A_125 = arith.constant 1 : i32
    %sub3A_126 = vector.broadcast %sub3A_125 : i32 to vector<16xi32>
    %sub3A_127 = arith.subi %div3A_100, %sub3A_126 : vector<16xi32>
    %select_n3A_128 = arith.select %and3A_124, %sub3A_127, %div3A_100 : vector<16xi1>, vector<16xi32>
    %add3A_129 = arith.constant 0 : i32
    %add3A_130 = vector.broadcast %add3A_129 : i32 to vector<16xi32>
    %add3A_131 = arith.addi %iota3A, %add3A_130 : vector<16xi32>
    %rem3A_132 = arith.constant 8 : i32
    %rem3A_133 = vector.broadcast %rem3A_132 : i32 to vector<16xi32>
    %rem3A_134 = arith.remsi %add3A_131, %rem3A_133 : vector<16xi32>
    %add3A_135 = arith.constant 16 : i32
    %add3A_136 = vector.broadcast %add3A_135 : i32 to vector<16xi32>
    %add3A_137 = arith.addi %iota3A, %add3A_136 : vector<16xi32>
    %rem3A_138 = arith.constant 8 : i32
    %rem3A_139 = vector.broadcast %rem3A_138 : i32 to vector<16xi32>
    %rem3A_140 = arith.remsi %add3A_137, %rem3A_139 : vector<16xi32>
    %add3A_141 = arith.constant 32 : i32
    %add3A_142 = vector.broadcast %add3A_141 : i32 to vector<16xi32>
    %add3A_143 = arith.addi %iota3A, %add3A_142 : vector<16xi32>
    %rem3A_144 = arith.constant 8 : i32
    %rem3A_145 = vector.broadcast %rem3A_144 : i32 to vector<16xi32>
    %rem3A_146 = arith.remsi %add3A_143, %rem3A_145 : vector<16xi32>
    %add3A_147 = arith.constant 48 : i32
    %add3A_148 = vector.broadcast %add3A_147 : i32 to vector<16xi32>
    %add3A_149 = arith.addi %iota3A, %add3A_148 : vector<16xi32>
    %rem3A_150 = arith.constant 8 : i32
    %rem3A_151 = vector.broadcast %rem3A_150 : i32 to vector<16xi32>
    %rem3A_152 = arith.remsi %add3A_149, %rem3A_151 : vector<16xi32>
    %dma_start3A = arith.constant 0 : i32
    %dma_start3A_153 = arith.constant 0 : i32
    %dma_start3A_154 = tpu.memref_slice %arg5[%dma_start3A, %dma_start3A_153] : memref<200x128xi32, #tpu.memory_space<vmem>> -> memref<1x128xi32, #tpu.memory_space<vmem>>
    %dma_start3A_155 = tpu.memref_squeeze %dma_start3A_154 : memref<1x128xi32, #tpu.memory_space<vmem>> -> memref<128xi32, #tpu.memory_space<vmem>>
    %dma_start3A_156 = arith.constant 0 : i32
    %dma_start3A_157 = arith.constant 0 : i32
    %dma_start3A_158 = tpu.memref_slice %arg3[%dma_start3A_156, %dma_start3A_157] : memref<1000000x64xf32, #tpu.memory_space<hbm>> -> memref<1000000x64xf32, #tpu.memory_space<hbm>>
    tpu.enqueue_indirect_dma source(%dma_start3A_158 : memref<1000000x64xf32, #tpu.memory_space<hbm>>) target(%arg6 : memref<128x64xf32, #tpu.memory_space<vmem>>) offsets(%dma_start3A_155 : memref<128xi32, #tpu.memory_space<vmem>>) semaphore(%arg10 : memref<!tpu.dma_semaphore, #tpu.memory_space<semaphore_mem>>)
    %scan3A = arith.constant 0 : i32
    %scan3A_159 = arith.constant 0 : i32
    %scan3A_160 = arith.constant 0 : i32
    %scan3A_161 = arith.constant 0 : i32
    %scan3A_162 = arith.constant 100 : i32
    %scan3A_163 = arith.addi %scan3A_161, %scan3A_162 : i32
    %scan3A_164 = arith.constant 1 : i32
    %scan3A_165 = scf.for %scan3A_206 = %scan3A_161 to %scan3A_163 step %scan3A_164 iter_args(%scan3A_207 = %scan3A_160) -> (i32)  : i32 {
      %mul3A_208 = arith.constant 2 : i32
      %mul3A_209 = arith.muli %mul3A_208, %scan3A_206 : i32
      %add3A_210 = arith.constant 0 : i32
      %add3A_211 = arith.addi %mul3A_209, %add3A_210 : i32
      %add3A_212 = arith.constant 1 : i32
      %add3A_213 = arith.addi %add3A_211, %add3A_212 : i32
      %dma_start3A_214 = arith.constant 0 : i32
      %dma_start3A_215 = tpu.memref_slice %arg5[%add3A_213, %dma_start3A_214] : memref<200x128xi32, #tpu.memory_space<vmem>> -> memref<1x128xi32, #tpu.memory_space<vmem>>
      %dma_start3A_216 = tpu.memref_squeeze %dma_start3A_215 : memref<1x128xi32, #tpu.memory_space<vmem>> -> memref<128xi32, #tpu.memory_space<vmem>>
      %dma_start3A_217 = arith.constant 0 : i32
      %dma_start3A_218 = arith.constant 0 : i32
      %dma_start3A_219 = tpu.memref_slice %arg3[%dma_start3A_217, %dma_start3A_218] : memref<1000000x64xf32, #tpu.memory_space<hbm>> -> memref<1000000x64xf32, #tpu.memory_space<hbm>>
      tpu.enqueue_indirect_dma source(%dma_start3A_219 : memref<1000000x64xf32, #tpu.memory_space<hbm>>) target(%arg7 : memref<128x64xf32, #tpu.memory_space<vmem>>) offsets(%dma_start3A_216 : memref<128xi32, #tpu.memory_space<vmem>>) semaphore(%arg11 : memref<!tpu.dma_semaphore, #tpu.memory_space<semaphore_mem>>)
      %dma_wait3A_220 = arith.constant 0 : i32
      %dma_wait3A_221 = arith.constant 0 : i32
      %dma_wait3A_222 = tpu.memref_slice %arg3[%dma_wait3A_220, %dma_wait3A_221] : memref<1000000x64xf32, #tpu.memory_space<hbm>> -> memref<128x64xf32, #tpu.memory_space<hbm>>
      %dma_wait3A_223 = arith.constant 0 : i32
      %dma_wait3A_224 = arith.constant 0 : i32
      %dma_wait3A_225 = tpu.memref_slice %arg3[%dma_wait3A_223, %dma_wait3A_224] : memref<1000000x64xf32, #tpu.memory_space<hbm>> -> memref<128x64xf32, #tpu.memory_space<hbm>>
      tpu.wait_dma2 semaphore(%arg10 : memref<!tpu.dma_semaphore, #tpu.memory_space<semaphore_mem>>) src(%dma_wait3A_225 : memref<128x64xf32, #tpu.memory_space<hbm>>) dst(%arg6 : memref<128x64xf32, #tpu.memory_space<vmem>>)
      %ge3A = arith.constant 1 : i32
      %ge3A_226 = arith.cmpi sge, %scan3A_206, %ge3A : i32
      %convert_element_type3A = arith.extui %ge3A_226 : i1 to i32
      %cond3A = arith.constant 0 : i32
      %cond3A_227 = arith.cmpi ne, %convert_element_type3A, %cond3A : i32
      scf.if %cond3A_227 {
        %dma_wait3A_405 = arith.constant 0 : i32
        %dma_wait3A_406 = arith.constant 0 : i32
        %dma_wait3A_407 = arith.constant 0 : i32
        %dma_wait3A_408 = tpu.memref_slice %arg8[%dma_wait3A_405, %dma_wait3A_406, %dma_wait3A_407] : memref<8x8x129xf32, #tpu.memory_space<vmem>> -> memref<8x8x128xf32, #tpu.memory_space<vmem>>
        %dma_wait3A_409 = arith.constant 0 : i32
        %dma_wait3A_410 = arith.constant 0 : i32
        %dma_wait3A_411 = arith.constant 0 : i32
        %dma_wait3A_412 = tpu.memref_slice %arg4[%scan3A, %dma_wait3A_409, %scan3A_159, %dma_wait3A_410, %dma_wait3A_411] : memref<200x8x32x8x128xf32, #tpu.memory_space<hbm>> -> memref<1x8x1x8x128xf32, #tpu.memory_space<hbm>>
        %dma_wait3A_413 = tpu.memref_squeeze %dma_wait3A_412 : memref<1x8x1x8x128xf32, #tpu.memory_space<hbm>> -> memref<8x8x128xf32, #tpu.memory_space<hbm>>
        %dma_wait3A_414 = arith.constant 0 : i32
        %dma_wait3A_415 = arith.constant 0 : i32
        %dma_wait3A_416 = arith.constant 0 : i32
        %dma_wait3A_417 = tpu.memref_slice %arg4[%scan3A, %dma_wait3A_414, %scan3A_159, %dma_wait3A_415, %dma_wait3A_416] : memref<200x8x32x8x128xf32, #tpu.memory_space<hbm>> -> memref<1x8x1x8x128xf32, #tpu.memory_space<hbm>>
        %dma_wait3A_418 = tpu.memref_squeeze %dma_wait3A_417 : memref<1x8x1x8x128xf32, #tpu.memory_space<hbm>> -> memref<8x8x128xf32, #tpu.memory_space<hbm>>
        %dma_wait3A_419 = arith.constant 0 : i32
        %dma_wait3A_420 = arith.constant 0 : i32
        %dma_wait3A_421 = arith.constant 0 : i32
        %dma_wait3A_422 = tpu.memref_slice %arg8[%dma_wait3A_419, %dma_wait3A_420, %dma_wait3A_421] : memref<8x8x129xf32, #tpu.memory_space<vmem>> -> memref<8x8x128xf32, #tpu.memory_space<vmem>>
        tpu.wait_dma2 semaphore(%arg12 : memref<!tpu.dma_semaphore, #tpu.memory_space<semaphore_mem>>) src(%dma_wait3A_422 : memref<8x8x128xf32, #tpu.memory_space<vmem>>) dst(%dma_wait3A_418 : memref<8x8x128xf32, #tpu.memory_space<hbm>>)
      } else {
      }
      %parallel_loop3A = arith.constant 0 : i32
      %parallel_loop3A_228 = arith.constant 128 : i32
      %parallel_loop3A_229 = arith.constant 1 : i32
      scf.for %parallel_loop3A_405 = %parallel_loop3A to %parallel_loop3A_228 step %parallel_loop3A_229  : i32 {
        %parallel_loop3A_406 = vector.broadcast %parallel_loop3A_405 : i32 to vector<16xi32>
        %parallel_loop3A_407 = arith.index_cast %parallel_loop3A_405 : i32 to index
        %parallel_loop3A_408 = arith.constant 0 : index
        %parallel_loop3A_409 = tpu.vector_load %arg6[%parallel_loop3A_407, %parallel_loop3A_408] {strides = array<i32>} : memref<128x64xf32, #tpu.memory_space<vmem>>, vector<16xf32>,
        tpu.vector_store_idx %arg8[%select_n3A, %rem3A_134, %parallel_loop3A_406], %parallel_loop3A_409 : memref<8x8x129xf32, #tpu.memory_space<vmem>>[vector<16xi32>, vector<16xi32>, vector<16xi32>], vector<16xf32>,
        %parallel_loop3A_410 = arith.index_cast %parallel_loop3A_405 : i32 to index
        %parallel_loop3A_411 = arith.constant 16 : index
        %parallel_loop3A_412 = tpu.vector_load %arg6[%parallel_loop3A_410, %parallel_loop3A_411] {strides = array<i32>} : memref<128x64xf32, #tpu.memory_space<vmem>>, vector<16xf32>,
        tpu.vector_store_idx %arg8[%select_n3A_60, %rem3A_140, %parallel_loop3A_406], %parallel_loop3A_412 : memref<8x8x129xf32, #tpu.memory_space<vmem>>[vector<16xi32>, vector<16xi32>, vector<16xi32>], vector<16xf32>,
        %parallel_loop3A_413 = arith.index_cast %parallel_loop3A_405 : i32 to index
        %parallel_loop3A_414 = arith.constant 32 : index
        %parallel_loop3A_415 = tpu.vector_load %arg6[%parallel_loop3A_413, %parallel_loop3A_414] {strides = array<i32>} : memref<128x64xf32, #tpu.memory_space<vmem>>, vector<16xf32>,
        tpu.vector_store_idx %arg8[%select_n3A_94, %rem3A_146, %parallel_loop3A_406], %parallel_loop3A_415 : memref<8x8x129xf32, #tpu.memory_space<vmem>>[vector<16xi32>, vector<16xi32>, vector<16xi32>], vector<16xf32>,
        %parallel_loop3A_416 = arith.index_cast %parallel_loop3A_405 : i32 to index
        %parallel_loop3A_417 = arith.constant 48 : index
        %parallel_loop3A_418 = tpu.vector_load %arg6[%parallel_loop3A_416, %parallel_loop3A_417] {strides = array<i32>} : memref<128x64xf32, #tpu.memory_space<vmem>>, vector<16xf32>,
        tpu.vector_store_idx %arg8[%select_n3A_128, %rem3A_152, %parallel_loop3A_406], %parallel_loop3A_418 : memref<8x8x129xf32, #tpu.memory_space<vmem>>[vector<16xi32>, vector<16xi32>, vector<16xi32>], vector<16xf32>,
      } {sc.loop_unroll_factor = 4 : i64, sc.parallel_access}
      %mul3A_230 = arith.constant 200 : i32
      %mul3A_231 = arith.muli %mul3A_230, %add3A : i32
      %add3A_232 = arith.addi %mul3A_231, %add3A_211 : i32
      %jit3A_233 = arith.constant 256 : i32
      %div3A_234 = arith.divsi %add3A_232, %jit3A_233 : i32
      %sign3A_235 = arith.constant 0 : i32
      %sign3A_236 = arith.cmpi sgt, %add3A_232, %sign3A_235 : i32
      %sign3A_237 = arith.extui %sign3A_236 : i1 to i32
      %sign3A_238 = arith.constant 0 : i32
      %sign3A_239 = arith.cmpi slt, %add3A_232, %sign3A_238 : i32
      %sign3A_240 = arith.extui %sign3A_239 : i1 to i32
      %sign3A_241 = arith.subi %sign3A_237, %sign3A_240 : i32
      %sign3A_242 = arith.constant 0 : i32
      %sign3A_243 = arith.cmpi sgt, %jit3A_233, %sign3A_242 : i32
      %sign3A_244 = arith.extui %sign3A_243 : i1 to i32
      %sign3A_245 = arith.constant 0 : i32
      %sign3A_246 = arith.cmpi slt, %jit3A_233, %sign3A_245 : i32
      %sign3A_247 = arith.extui %sign3A_246 : i1 to i32
      %sign3A_248 = arith.subi %sign3A_244, %sign3A_247 : i32
      %ne3A_249 = arith.cmpi ne, %sign3A_241, %sign3A_248 : i32
      %rem3A_250 = arith.remsi %add3A_232, %jit3A_233 : i32
      %ne3A_251 = arith.constant 0 : i32
      %ne3A_252 = arith.cmpi ne, %rem3A_250, %ne3A_251 : i32
      %and3A_253 = arith.andi %ne3A_249, %ne3A_252 : i1
      %sub3A_254 = arith.constant 1 : i32
      %sub3A_255 = arith.subi %div3A_234, %sub3A_254 : i32
      %select_n3A_256 = arith.select %and3A_253, %sub3A_255, %div3A_234 : i32
      %mul3A_257 = arith.constant 8 : i32
      %mul3A_258 = arith.muli %mul3A_257, %select_n3A_256 : i32
      %rem3A_259 = arith.constant 8 : i32
      %rem3A_260 = arith.remsi %add3A_232, %rem3A_259 : i32
      %add3A_261 = arith.addi %mul3A_258, %rem3A_260 : i32
      %rem3A_262 = arith.constant 256 : i32
      %rem3A_263 = arith.remsi %add3A_232, %rem3A_262 : i32
      %jit3A_264 = arith.constant 8 : i32
      %div3A_265 = arith.divsi %rem3A_263, %jit3A_264 : i32
      %sign3A_266 = arith.constant 0 : i32
      %sign3A_267 = arith.cmpi sgt, %rem3A_263, %sign3A_266 : i32
      %sign3A_268 = arith.extui %sign3A_267 : i1 to i32
      %sign3A_269 = arith.constant 0 : i32
      %sign3A_270 = arith.cmpi slt, %rem3A_263, %sign3A_269 : i32
      %sign3A_271 = arith.extui %sign3A_270 : i1 to i32
      %sign3A_272 = arith.subi %sign3A_268, %sign3A_271 : i32
      %sign3A_273 = arith.constant 0 : i32
      %sign3A_274 = arith.cmpi sgt, %jit3A_264, %sign3A_273 : i32
      %sign3A_275 = arith.extui %sign3A_274 : i1 to i32
      %sign3A_276 = arith.constant 0 : i32
      %sign3A_277 = arith.cmpi slt, %jit3A_264, %sign3A_276 : i32
      %sign3A_278 = arith.extui %sign3A_277 : i1 to i32
      %sign3A_279 = arith.subi %sign3A_275, %sign3A_278 : i32
      %ne3A_280 = arith.cmpi ne, %sign3A_272, %sign3A_279 : i32
      %rem3A_281 = arith.remsi %rem3A_263, %jit3A_264 : i32
      %ne3A_282 = arith.constant 0 : i32
      %ne3A_283 = arith.cmpi ne, %rem3A_281, %ne3A_282 : i32
      %and3A_284 = arith.andi %ne3A_280, %ne3A_283 : i1
      %sub3A_285 = arith.constant 1 : i32
      %sub3A_286 = arith.subi %div3A_265, %sub3A_285 : i32
      %select_n3A_287 = arith.select %and3A_284, %sub3A_286, %div3A_265 : i32
      %dma_start3A_288 = arith.constant 0 : i32
      %dma_start3A_289 = arith.constant 0 : i32
      %dma_start3A_290 = arith.constant 0 : i32
      %dma_start3A_291 = tpu.memref_slice %arg8[%dma_start3A_288, %dma_start3A_289, %dma_start3A_290] : memref<8x8x129xf32, #tpu.memory_space<vmem>> -> memref<8x8x128xf32, #tpu.memory_space<vmem>>
      %dma_start3A_292 = arith.constant 0 : i32
      %dma_start3A_293 = arith.constant 0 : i32
      %dma_start3A_294 = arith.constant 0 : i32
      %dma_start3A_295 = tpu.memref_slice %arg4[%add3A_261, %dma_start3A_292, %select_n3A_287, %dma_start3A_293, %dma_start3A_294] : memref<200x8x32x8x128xf32, #tpu.memory_space<hbm>> -> memref<1x8x1x8x128xf32, #tpu.memory_space<hbm>>
      %dma_start3A_296 = tpu.memref_squeeze %dma_start3A_295 : memref<1x8x1x8x128xf32, #tpu.memory_space<hbm>> -> memref<8x8x128xf32, #tpu.memory_space<hbm>>
      %dma_start3A_297 = arith.constant 0 : i32
      %dma_start3A_298 = arith.constant 0 : i32
      %dma_start3A_299 = arith.constant 0 : i32
      %dma_start3A_300 = tpu.memref_slice %arg4[%add3A_261, %dma_start3A_297, %select_n3A_287, %dma_start3A_298, %dma_start3A_299] : memref<200x8x32x8x128xf32, #tpu.memory_space<hbm>> -> memref<1x8x1x8x128xf32, #tpu.memory_space<hbm>>
      %dma_start3A_301 = tpu.memref_squeeze %dma_start3A_300 : memref<1x8x1x8x128xf32, #tpu.memory_space<hbm>> -> memref<8x8x128xf32, #tpu.memory_space<hbm>>
      %dma_start3A_302 = arith.constant 0 : i32
      %dma_start3A_303 = arith.constant 0 : i32
      %dma_start3A_304 = arith.constant 0 : i32
      %dma_start3A_305 = tpu.memref_slice %arg8[%dma_start3A_302, %dma_start3A_303, %dma_start3A_304] : memref<8x8x129xf32, #tpu.memory_space<vmem>> -> memref<8x8x128xf32, #tpu.memory_space<vmem>>
      tpu.enqueue_dma source(%dma_start3A_305 : memref<8x8x128xf32, #tpu.memory_space<vmem>>) target(%dma_start3A_301 : memref<8x8x128xf32, #tpu.memory_space<hbm>>) target_semaphore(%arg12 : memref<!tpu.dma_semaphore, #tpu.memory_space<semaphore_mem>>)
      %mul3A_306 = arith.constant 2 : i32
      %mul3A_307 = arith.muli %mul3A_306, %scan3A_206 : i32
      %add3A_308 = arith.constant 1 : i32
      %add3A_309 = arith.addi %mul3A_307, %add3A_308 : i32
      %lt3A = arith.constant 99 : i32
      %lt3A_310 = arith.cmpi slt, %scan3A_206, %lt3A : i32
      %convert_element_type3A_311 = arith.extui %lt3A_310 : i1 to i32
      %cond3A_312 = arith.constant 0 : i32
      %cond3A_313 = arith.cmpi ne, %convert_element_type3A_311, %cond3A_312 : i32
      scf.if %cond3A_313 {
        %add3A_405 = arith.constant 1 : i32
        %add3A_406 = arith.addi %add3A_309, %add3A_405 : i32
        %dma_start3A_407 = arith.constant 0 : i32
        %dma_start3A_408 = tpu.memref_slice %arg5[%add3A_406, %dma_start3A_407] : memref<200x128xi32, #tpu.memory_space<vmem>> -> memref<1x128xi32, #tpu.memory_space<vmem>>
        %dma_start3A_409 = tpu.memref_squeeze %dma_start3A_408 : memref<1x128xi32, #tpu.memory_space<vmem>> -> memref<128xi32, #tpu.memory_space<vmem>>
        %dma_start3A_410 = arith.constant 0 : i32
        %dma_start3A_411 = arith.constant 0 : i32
        %dma_start3A_412 = tpu.memref_slice %arg3[%dma_start3A_410, %dma_start3A_411] : memref<1000000x64xf32, #tpu.memory_space<hbm>> -> memref<1000000x64xf32, #tpu.memory_space<hbm>>
        tpu.enqueue_indirect_dma source(%dma_start3A_412 : memref<1000000x64xf32, #tpu.memory_space<hbm>>) target(%arg6 : memref<128x64xf32, #tpu.memory_space<vmem>>) offsets(%dma_start3A_409 : memref<128xi32, #tpu.memory_space<vmem>>) semaphore(%arg10 : memref<!tpu.dma_semaphore, #tpu.memory_space<semaphore_mem>>)
      } else {
      }
      %dma_wait3A_314 = arith.constant 0 : i32
      %dma_wait3A_315 = arith.constant 0 : i32
      %dma_wait3A_316 = tpu.memref_slice %arg3[%dma_wait3A_314, %dma_wait3A_315] : memref<1000000x64xf32, #tpu.memory_space<hbm>> -> memref<128x64xf32, #tpu.memory_space<hbm>>
      %dma_wait3A_317 = arith.constant 0 : i32
      %dma_wait3A_318 = arith.constant 0 : i32
      %dma_wait3A_319 = tpu.memref_slice %arg3[%dma_wait3A_317, %dma_wait3A_318] : memref<1000000x64xf32, #tpu.memory_space<hbm>> -> memref<128x64xf32, #tpu.memory_space<hbm>>
      tpu.wait_dma2 semaphore(%arg11 : memref<!tpu.dma_semaphore, #tpu.memory_space<semaphore_mem>>) src(%dma_wait3A_319 : memref<128x64xf32, #tpu.memory_space<hbm>>) dst(%arg7 : memref<128x64xf32, #tpu.memory_space<vmem>>)
      %ge3A_320 = arith.constant 1 : i32
      %ge3A_321 = arith.cmpi sge, %scan3A_206, %ge3A_320 : i32
      %convert_element_type3A_322 = arith.extui %ge3A_321 : i1 to i32
      %cond3A_323 = arith.constant 0 : i32
      %cond3A_324 = arith.cmpi ne, %convert_element_type3A_322, %cond3A_323 : i32
      scf.if %cond3A_324 {
        %dma_wait3A_405 = arith.constant 0 : i32
        %dma_wait3A_406 = arith.constant 0 : i32
        %dma_wait3A_407 = arith.constant 0 : i32
        %dma_wait3A_408 = tpu.memref_slice %arg9[%dma_wait3A_405, %dma_wait3A_406, %dma_wait3A_407] : memref<8x8x129xf32, #tpu.memory_space<vmem>> -> memref<8x8x128xf32, #tpu.memory_space<vmem>>
        %dma_wait3A_409 = arith.constant 0 : i32
        %dma_wait3A_410 = arith.constant 0 : i32
        %dma_wait3A_411 = arith.constant 0 : i32
        %dma_wait3A_412 = tpu.memref_slice %arg4[%scan3A, %dma_wait3A_409, %scan3A_159, %dma_wait3A_410, %dma_wait3A_411] : memref<200x8x32x8x128xf32, #tpu.memory_space<hbm>> -> memref<1x8x1x8x128xf32, #tpu.memory_space<hbm>>
        %dma_wait3A_413 = tpu.memref_squeeze %dma_wait3A_412 : memref<1x8x1x8x128xf32, #tpu.memory_space<hbm>> -> memref<8x8x128xf32, #tpu.memory_space<hbm>>
        %dma_wait3A_414 = arith.constant 0 : i32
        %dma_wait3A_415 = arith.constant 0 : i32
        %dma_wait3A_416 = arith.constant 0 : i32
        %dma_wait3A_417 = tpu.memref_slice %arg4[%scan3A, %dma_wait3A_414, %scan3A_159, %dma_wait3A_415, %dma_wait3A_416] : memref<200x8x32x8x128xf32, #tpu.memory_space<hbm>> -> memref<1x8x1x8x128xf32, #tpu.memory_space<hbm>>
        %dma_wait3A_418 = tpu.memref_squeeze %dma_wait3A_417 : memref<1x8x1x8x128xf32, #tpu.memory_space<hbm>> -> memref<8x8x128xf32, #tpu.memory_space<hbm>>
        %dma_wait3A_419 = arith.constant 0 : i32
        %dma_wait3A_420 = arith.constant 0 : i32
        %dma_wait3A_421 = arith.constant 0 : i32
        %dma_wait3A_422 = tpu.memref_slice %arg9[%dma_wait3A_419, %dma_wait3A_420, %dma_wait3A_421] : memref<8x8x129xf32, #tpu.memory_space<vmem>> -> memref<8x8x128xf32, #tpu.memory_space<vmem>>
        tpu.wait_dma2 semaphore(%arg13 : memref<!tpu.dma_semaphore, #tpu.memory_space<semaphore_mem>>) src(%dma_wait3A_422 : memref<8x8x128xf32, #tpu.memory_space<vmem>>) dst(%dma_wait3A_418 : memref<8x8x128xf32, #tpu.memory_space<hbm>>)
      } else {
      }
      %parallel_loop3A_325 = arith.constant 0 : i32
      %parallel_loop3A_326 = arith.constant 128 : i32
      %parallel_loop3A_327 = arith.constant 1 : i32
      scf.for %parallel_loop3A_405 = %parallel_loop3A_325 to %parallel_loop3A_326 step %parallel_loop3A_327  : i32 {
        %parallel_loop3A_406 = vector.broadcast %parallel_loop3A_405 : i32 to vector<16xi32>
        %parallel_loop3A_407 = arith.index_cast %parallel_loop3A_405 : i32 to index
        %parallel_loop3A_408 = arith.constant 0 : index
        %parallel_loop3A_409 = tpu.vector_load %arg7[%parallel_loop3A_407, %parallel_loop3A_408] {strides = array<i32>} : memref<128x64xf32, #tpu.memory_space<vmem>>, vector<16xf32>,
        tpu.vector_store_idx %arg9[%select_n3A, %rem3A_134, %parallel_loop3A_406], %parallel_loop3A_409 : memref<8x8x129xf32, #tpu.memory_space<vmem>>[vector<16xi32>, vector<16xi32>, vector<16xi32>], vector<16xf32>,
        %parallel_loop3A_410 = arith.index_cast %parallel_loop3A_405 : i32 to index
        %parallel_loop3A_411 = arith.constant 16 : index
        %parallel_loop3A_412 = tpu.vector_load %arg7[%parallel_loop3A_410, %parallel_loop3A_411] {strides = array<i32>} : memref<128x64xf32, #tpu.memory_space<vmem>>, vector<16xf32>,
        tpu.vector_store_idx %arg9[%select_n3A_60, %rem3A_140, %parallel_loop3A_406], %parallel_loop3A_412 : memref<8x8x129xf32, #tpu.memory_space<vmem>>[vector<16xi32>, vector<16xi32>, vector<16xi32>], vector<16xf32>,
        %parallel_loop3A_413 = arith.index_cast %parallel_loop3A_405 : i32 to index
        %parallel_loop3A_414 = arith.constant 32 : index
        %parallel_loop3A_415 = tpu.vector_load %arg7[%parallel_loop3A_413, %parallel_loop3A_414] {strides = array<i32>} : memref<128x64xf32, #tpu.memory_space<vmem>>, vector<16xf32>,
        tpu.vector_store_idx %arg9[%select_n3A_94, %rem3A_146, %parallel_loop3A_406], %parallel_loop3A_415 : memref<8x8x129xf32, #tpu.memory_space<vmem>>[vector<16xi32>, vector<16xi32>, vector<16xi32>], vector<16xf32>,
        %parallel_loop3A_416 = arith.index_cast %parallel_loop3A_405 : i32 to index
        %parallel_loop3A_417 = arith.constant 48 : index
        %parallel_loop3A_418 = tpu.vector_load %arg7[%parallel_loop3A_416, %parallel_loop3A_417] {strides = array<i32>} : memref<128x64xf32, #tpu.memory_space<vmem>>, vector<16xf32>,
        tpu.vector_store_idx %arg9[%select_n3A_128, %rem3A_152, %parallel_loop3A_406], %parallel_loop3A_418 : memref<8x8x129xf32, #tpu.memory_space<vmem>>[vector<16xi32>, vector<16xi32>, vector<16xi32>], vector<16xf32>,
      } {sc.loop_unroll_factor = 4 : i64, sc.parallel_access}
      %mul3A_328 = arith.constant 200 : i32
      %mul3A_329 = arith.muli %mul3A_328, %add3A : i32
      %add3A_330 = arith.addi %mul3A_329, %add3A_309 : i32
      %jit3A_331 = arith.constant 256 : i32
      %div3A_332 = arith.divsi %add3A_330, %jit3A_331 : i32
      %sign3A_333 = arith.constant 0 : i32
      %sign3A_334 = arith.cmpi sgt, %add3A_330, %sign3A_333 : i32
      %sign3A_335 = arith.extui %sign3A_334 : i1 to i32
      %sign3A_336 = arith.constant 0 : i32
      %sign3A_337 = arith.cmpi slt, %add3A_330, %sign3A_336 : i32
      %sign3A_338 = arith.extui %sign3A_337 : i1 to i32
      %sign3A_339 = arith.subi %sign3A_335, %sign3A_338 : i32
      %sign3A_340 = arith.constant 0 : i32
      %sign3A_341 = arith.cmpi sgt, %jit3A_331, %sign3A_340 : i32
      %sign3A_342 = arith.extui %sign3A_341 : i1 to i32
      %sign3A_343 = arith.constant 0 : i32
      %sign3A_344 = arith.cmpi slt, %jit3A_331, %sign3A_343 : i32
      %sign3A_345 = arith.extui %sign3A_344 : i1 to i32
      %sign3A_346 = arith.subi %sign3A_342, %sign3A_345 : i32
      %ne3A_347 = arith.cmpi ne, %sign3A_339, %sign3A_346 : i32
      %rem3A_348 = arith.remsi %add3A_330, %jit3A_331 : i32
      %ne3A_349 = arith.constant 0 : i32
      %ne3A_350 = arith.cmpi ne, %rem3A_348, %ne3A_349 : i32
      %and3A_351 = arith.andi %ne3A_347, %ne3A_350 : i1
      %sub3A_352 = arith.constant 1 : i32
      %sub3A_353 = arith.subi %div3A_332, %sub3A_352 : i32
      %select_n3A_354 = arith.select %and3A_351, %sub3A_353, %div3A_332 : i32
      %mul3A_355 = arith.constant 8 : i32
      %mul3A_356 = arith.muli %mul3A_355, %select_n3A_354 : i32
      %rem3A_357 = arith.constant 8 : i32
      %rem3A_358 = arith.remsi %add3A_330, %rem3A_357 : i32
      %add3A_359 = arith.addi %mul3A_356, %rem3A_358 : i32
      %rem3A_360 = arith.constant 256 : i32
      %rem3A_361 = arith.remsi %add3A_330, %rem3A_360 : i32
      %jit3A_362 = arith.constant 8 : i32
      %div3A_363 = arith.divsi %rem3A_361, %jit3A_362 : i32
      %sign3A_364 = arith.constant 0 : i32
      %sign3A_365 = arith.cmpi sgt, %rem3A_361, %sign3A_364 : i32
      %sign3A_366 = arith.extui %sign3A_365 : i1 to i32
      %sign3A_367 = arith.constant 0 : i32
      %sign3A_368 = arith.cmpi slt, %rem3A_361, %sign3A_367 : i32
      %sign3A_369 = arith.extui %sign3A_368 : i1 to i32
      %sign3A_370 = arith.subi %sign3A_366, %sign3A_369 : i32
      %sign3A_371 = arith.constant 0 : i32
      %sign3A_372 = arith.cmpi sgt, %jit3A_362, %sign3A_371 : i32
      %sign3A_373 = arith.extui %sign3A_372 : i1 to i32
      %sign3A_374 = arith.constant 0 : i32
      %sign3A_375 = arith.cmpi slt, %jit3A_362, %sign3A_374 : i32
      %sign3A_376 = arith.extui %sign3A_375 : i1 to i32
      %sign3A_377 = arith.subi %sign3A_373, %sign3A_376 : i32
      %ne3A_378 = arith.cmpi ne, %sign3A_370, %sign3A_377 : i32
      %rem3A_379 = arith.remsi %rem3A_361, %jit3A_362 : i32
      %ne3A_380 = arith.constant 0 : i32
      %ne3A_381 = arith.cmpi ne, %rem3A_379, %ne3A_380 : i32
      %and3A_382 = arith.andi %ne3A_378, %ne3A_381 : i1
      %sub3A_383 = arith.constant 1 : i32
      %sub3A_384 = arith.subi %div3A_363, %sub3A_383 : i32
      %select_n3A_385 = arith.select %and3A_382, %sub3A_384, %div3A_363 : i32
      %dma_start3A_386 = arith.constant 0 : i32
      %dma_start3A_387 = arith.constant 0 : i32
      %dma_start3A_388 = arith.constant 0 : i32
      %dma_start3A_389 = tpu.memref_slice %arg9[%dma_start3A_386, %dma_start3A_387, %dma_start3A_388] : memref<8x8x129xf32, #tpu.memory_space<vmem>> -> memref<8x8x128xf32, #tpu.memory_space<vmem>>
      %dma_start3A_390 = arith.constant 0 : i32
      %dma_start3A_391 = arith.constant 0 : i32
      %dma_start3A_392 = arith.constant 0 : i32
      %dma_start3A_393 = tpu.memref_slice %arg4[%add3A_359, %dma_start3A_390, %select_n3A_385, %dma_start3A_391, %dma_start3A_392] : memref<200x8x32x8x128xf32, #tpu.memory_space<hbm>> -> memref<1x8x1x8x128xf32, #tpu.memory_space<hbm>>
      %dma_start3A_394 = tpu.memref_squeeze %dma_start3A_393 : memref<1x8x1x8x128xf32, #tpu.memory_space<hbm>> -> memref<8x8x128xf32, #tpu.memory_space<hbm>>
      %dma_start3A_395 = arith.constant 0 : i32
      %dma_start3A_396 = arith.constant 0 : i32
      %dma_start3A_397 = arith.constant 0 : i32
      %dma_start3A_398 = tpu.memref_slice %arg4[%add3A_359, %dma_start3A_395, %select_n3A_385, %dma_start3A_396, %dma_start3A_397] : memref<200x8x32x8x128xf32, #tpu.memory_space<hbm>> -> memref<1x8x1x8x128xf32, #tpu.memory_space<hbm>>
      %dma_start3A_399 = tpu.memref_squeeze %dma_start3A_398 : memref<1x8x1x8x128xf32, #tpu.memory_space<hbm>> -> memref<8x8x128xf32, #tpu.memory_space<hbm>>
      %dma_start3A_400 = arith.constant 0 : i32
      %dma_start3A_401 = arith.constant 0 : i32
      %dma_start3A_402 = arith.constant 0 : i32
      %dma_start3A_403 = tpu.memref_slice %arg9[%dma_start3A_400, %dma_start3A_401, %dma_start3A_402] : memref<8x8x129xf32, #tpu.memory_space<vmem>> -> memref<8x8x128xf32, #tpu.memory_space<vmem>>
      tpu.enqueue_dma source(%dma_start3A_403 : memref<8x8x128xf32, #tpu.memory_space<vmem>>) target(%dma_start3A_399 : memref<8x8x128xf32, #tpu.memory_space<hbm>>) target_semaphore(%arg13 : memref<!tpu.dma_semaphore, #tpu.memory_space<semaphore_mem>>)
      %scan3A_404 = arith.constant 0 : i32
      scf.yield %scan3A_404 : i32
    }
    %scan3A_166 = arith.constant 100 : i32
    %dma_wait3A = arith.constant 0 : i32
    %dma_wait3A_167 = arith.constant 0 : i32
    %dma_wait3A_168 = arith.constant 0 : i32
    %dma_wait3A_169 = arith.constant 0 : i32
    %dma_wait3A_170 = arith.constant 0 : i32
    %dma_wait3A_171 = tpu.memref_slice %arg8[%dma_wait3A_168, %dma_wait3A_169, %dma_wait3A_170] : memref<8x8x129xf32, #tpu.memory_space<vmem>> -> memref<8x8x128xf32, #tpu.memory_space<vmem>>
    %dma_wait3A_172 = arith.constant 0 : i32
    %dma_wait3A_173 = arith.constant 0 : i32
    %dma_wait3A_174 = arith.constant 0 : i32
    %dma_wait3A_175 = tpu.memref_slice %arg4[%dma_wait3A, %dma_wait3A_172, %dma_wait3A_167, %dma_wait3A_173, %dma_wait3A_174] : memref<200x8x32x8x128xf32, #tpu.memory_space<hbm>> -> memref<1x8x1x8x128xf32, #tpu.memory_space<hbm>>
    %dma_wait3A_176 = tpu.memref_squeeze %dma_wait3A_175 : memref<1x8x1x8x128xf32, #tpu.memory_space<hbm>> -> memref<8x8x128xf32, #tpu.memory_space<hbm>>
    %dma_wait3A_177 = arith.constant 0 : i32
    %dma_wait3A_178 = arith.constant 0 : i32
    %dma_wait3A_179 = arith.constant 0 : i32
    %dma_wait3A_180 = tpu.memref_slice %arg4[%dma_wait3A, %dma_wait3A_177, %dma_wait3A_167, %dma_wait3A_178, %dma_wait3A_179] : memref<200x8x32x8x128xf32, #tpu.memory_space<hbm>> -> memref<1x8x1x8x128xf32, #tpu.memory_space<hbm>>
    %dma_wait3A_181 = tpu.memref_squeeze %dma_wait3A_180 : memref<1x8x1x8x128xf32, #tpu.memory_space<hbm>> -> memref<8x8x128xf32, #tpu.memory_space<hbm>>
    %dma_wait3A_182 = arith.constant 0 : i32
    %dma_wait3A_183 = arith.constant 0 : i32
    %dma_wait3A_184 = arith.constant 0 : i32
    %dma_wait3A_185 = tpu.memref_slice %arg8[%dma_wait3A_182, %dma_wait3A_183, %dma_wait3A_184] : memref<8x8x129xf32, #tpu.memory_space<vmem>> -> memref<8x8x128xf32, #tpu.memory_space<vmem>>
    tpu.wait_dma2 semaphore(%arg12 : memref<!tpu.dma_semaphore, #tpu.memory_space<semaphore_mem>>) src(%dma_wait3A_185 : memref<8x8x128xf32, #tpu.memory_space<vmem>>) dst(%dma_wait3A_181 : memref<8x8x128xf32, #tpu.memory_space<hbm>>)
    %dma_wait3A_186 = arith.constant 0 : i32
    %dma_wait3A_187 = arith.constant 0 : i32
    %dma_wait3A_188 = arith.constant 0 : i32
    %dma_wait3A_189 = arith.constant 0 : i32
    %dma_wait3A_190 = arith.constant 0 : i32
    %dma_wait3A_191 = tpu.memref_slice %arg9[%dma_wait3A_188, %dma_wait3A_189, %dma_wait3A_190] : memref<8x8x129xf32, #tpu.memory_space<vmem>> -> memref<8x8x128xf32, #tpu.memory_space<vmem>>
    %dma_wait3A_192 = arith.constant 0 : i32
    %dma_wait3A_193 = arith.constant 0 : i32
    %dma_wait3A_194 = arith.constant 0 : i32
    %dma_wait3A_195 = tpu.memref_slice %arg4[%dma_wait3A_186, %dma_wait3A_192, %dma_wait3A_187, %dma_wait3A_193, %dma_wait3A_194] : memref<200x8x32x8x128xf32, #tpu.memory_space<hbm>> -> memref<1x8x1x8x128xf32, #tpu.memory_space<hbm>>
    %dma_wait3A_196 = tpu.memref_squeeze %dma_wait3A_195 : memref<1x8x1x8x128xf32, #tpu.memory_space<hbm>> -> memref<8x8x128xf32, #tpu.memory_space<hbm>>
    %dma_wait3A_197 = arith.constant 0 : i32
    %dma_wait3A_198 = arith.constant 0 : i32
    %dma_wait3A_199 = arith.constant 0 : i32
    %dma_wait3A_200 = tpu.memref_slice %arg4[%dma_wait3A_186, %dma_wait3A_197, %dma_wait3A_187, %dma_wait3A_198, %dma_wait3A_199] : memref<200x8x32x8x128xf32, #tpu.memory_space<hbm>> -> memref<1x8x1x8x128xf32, #tpu.memory_space<hbm>>
    %dma_wait3A_201 = tpu.memref_squeeze %dma_wait3A_200 : memref<1x8x1x8x128xf32, #tpu.memory_space<hbm>> -> memref<8x8x128xf32, #tpu.memory_space<hbm>>
    %dma_wait3A_202 = arith.constant 0 : i32
    %dma_wait3A_203 = arith.constant 0 : i32
    %dma_wait3A_204 = arith.constant 0 : i32
    %dma_wait3A_205 = tpu.memref_slice %arg9[%dma_wait3A_202, %dma_wait3A_203, %dma_wait3A_204] : memref<8x8x129xf32, #tpu.memory_space<vmem>> -> memref<8x8x128xf32, #tpu.memory_space<vmem>>
    tpu.wait_dma2 semaphore(%arg13 : memref<!tpu.dma_semaphore, #tpu.memory_space<semaphore_mem>>) src(%dma_wait3A_205 : memref<8x8x128xf32, #tpu.memory_space<vmem>>) dst(%dma_wait3A_201 : memref<8x8x128xf32, #tpu.memory_space<hbm>>)
    return
  }
}

#map = affine_map<(d0, d1) -> (0, 0)>
module attributes {stable_mosaic.version = 14 : i64} {
  func.func @k(%arg0: i32, %arg1: i32, %arg2: memref<64x1000000xf32, #tpu.memory_space<hbm>>, %arg3: memref<32x128xf32, #tpu.memory_space<hbm>>, %arg4: memref<500000x128xf32, #tpu.memory_space<hbm>>, %arg5: memref<64x257xf32, #tpu.memory_space<vmem>>, %arg6: memref<64x257xf32, #tpu.memory_space<vmem>>, %arg7: memref<128x129xf32, #tpu.memory_space<vmem>>, %arg8: memref<128x129xf32, #tpu.memory_space<vmem>>, %arg9: memref<32x128xf32, #tpu.memory_space<vmem>>, %arg10: memref<!tpu.dma_semaphore, #tpu.memory_space<semaphore_mem>>, %arg11: memref<!tpu.dma_semaphore, #tpu.memory_space<semaphore_mem>>, %arg12: memref<!tpu.dma_semaphore, #tpu.memory_space<semaphore_mem>>, %arg13: memref<!tpu.dma_semaphore, #tpu.memory_space<semaphore_mem>>) attributes {dimension_semantics = [#tpu.dimension_semantics<core_parallel>, #tpu.dimension_semantics<subcore_parallel>], iteration_bounds = array<i64: 2, 16>, scalar_prefetch = 0 : i64, scratch_operands = 9 : i64, tpu.core_type = #tpu.core_type<sc_vector_subcore>, window_params = [{transform_indices = #map}, {transform_indices = #map}, {transform_indices = #map}]} {
    %mul3A = arith.constant 2 : i32
    %mul3A_0 = arith.muli %arg1, %mul3A : i32
    %add3A = arith.addi %mul3A_0, %arg0 : i32
    %iota3A = tpu.iota {dimensions = array<i32: 0>} : vector<16xi32>
    %add3A_1 = arith.constant 0 : i32
    %add3A_2 = vector.broadcast %add3A_1 : i32 to vector<16xi32>
    %add3A_3 = arith.addi %iota3A, %add3A_2 : vector<16xi32>
    %add3A_4 = arith.constant 16 : i32
    %add3A_5 = vector.broadcast %add3A_4 : i32 to vector<16xi32>
    %add3A_6 = arith.addi %iota3A, %add3A_5 : vector<16xi32>
    %add3A_7 = arith.constant 32 : i32
    %add3A_8 = vector.broadcast %add3A_7 : i32 to vector<16xi32>
    %add3A_9 = arith.addi %iota3A, %add3A_8 : vector<16xi32>
    %add3A_10 = arith.constant 48 : i32
    %add3A_11 = vector.broadcast %add3A_10 : i32 to vector<16xi32>
    %add3A_12 = arith.addi %iota3A, %add3A_11 : vector<16xi32>
    %add3A_13 = arith.constant 0 : i32
    %add3A_14 = arith.addi %add3A_13, %add3A : i32
    %lt3A = arith.constant 3906 : i32
    %lt3A_15 = arith.cmpi slt, %add3A_14, %lt3A : i32
    %convert_element_type3A = arith.extui %lt3A_15 : i1 to i32
    %cond3A = arith.constant 0 : i32
    %cond3A_16 = arith.cmpi ne, %convert_element_type3A, %cond3A : i32
    scf.if %cond3A_16 {
      %add3A_41 = arith.constant 0 : i32
      %add3A_42 = arith.addi %add3A_41, %add3A : i32
      %mul3A_43 = arith.constant 256 : i32
      %mul3A_44 = arith.muli %add3A_42, %mul3A_43 : i32
      %dma_start3A = arith.constant 0 : i32
      %dma_start3A_45 = arith.constant 0 : i32
      %dma_start3A_46 = tpu.memref_slice %arg5[%dma_start3A, %dma_start3A_45] : memref<64x257xf32, #tpu.memory_space<vmem>> -> memref<64x256xf32, #tpu.memory_space<vmem>>
      %dma_start3A_47 = arith.constant 0 : i32
      %dma_start3A_48 = tpu.memref_slice %arg2[%dma_start3A_47, %mul3A_44] : memref<64x1000000xf32, #tpu.memory_space<hbm>> -> memref<64x256xf32, #tpu.memory_space<hbm>>
      %dma_start3A_49 = arith.constant 0 : i32
      %dma_start3A_50 = arith.constant 0 : i32
      %dma_start3A_51 = tpu.memref_slice %arg5[%dma_start3A_49, %dma_start3A_50] : memref<64x257xf32, #tpu.memory_space<vmem>> -> memref<64x256xf32, #tpu.memory_space<vmem>>
      %dma_start3A_52 = arith.constant 0 : i32
      %dma_start3A_53 = tpu.memref_slice %arg2[%dma_start3A_52, %mul3A_44] : memref<64x1000000xf32, #tpu.memory_space<hbm>> -> memref<64x256xf32, #tpu.memory_space<hbm>>
      tpu.enqueue_dma source(%dma_start3A_53 : memref<64x256xf32, #tpu.memory_space<hbm>>) target(%dma_start3A_51 : memref<64x256xf32, #tpu.memory_space<vmem>>) target_semaphore(%arg10 : memref<!tpu.dma_semaphore, #tpu.memory_space<semaphore_mem>>)
    } else {
    }
    %scan3A = arith.constant 0 : i32
    %scan3A_17 = arith.constant 0 : i32
    %scan3A_18 = arith.constant 62 : i32
    %scan3A_19 = arith.addi %scan3A_17, %scan3A_18 : i32
    %scan3A_20 = arith.constant 1 : i32
    %scan3A_21 = scf.for %scan3A_41 = %scan3A_17 to %scan3A_19 step %scan3A_20 iter_args(%scan3A_42 = %scan3A) -> (i32)  : i32 {
      %mul3A_43 = arith.constant 2 : i32
      %mul3A_44 = arith.muli %mul3A_43, %scan3A_41 : i32
      %add3A_45 = arith.constant 0 : i32
      %add3A_46 = arith.addi %mul3A_44, %add3A_45 : i32
      %add3A_47 = arith.constant 1 : i32
      %add3A_48 = arith.addi %add3A_46, %add3A_47 : i32
      %mul3A_49 = arith.constant 32 : i32
      %mul3A_50 = arith.muli %add3A_48, %mul3A_49 : i32
      %add3A_51 = arith.addi %mul3A_50, %add3A : i32
      %lt3A_52 = arith.constant 3906 : i32
      %lt3A_53 = arith.cmpi slt, %add3A_51, %lt3A_52 : i32
      %convert_element_type3A_54 = arith.extui %lt3A_53 : i1 to i32
      %cond3A_55 = arith.constant 0 : i32
      %cond3A_56 = arith.cmpi ne, %convert_element_type3A_54, %cond3A_55 : i32
      scf.if %cond3A_56 {
        %mul3A_111 = arith.constant 32 : i32
        %mul3A_112 = arith.muli %add3A_48, %mul3A_111 : i32
        %add3A_113 = arith.addi %mul3A_112, %add3A : i32
        %mul3A_114 = arith.constant 256 : i32
        %mul3A_115 = arith.muli %add3A_113, %mul3A_114 : i32
        %dma_start3A = arith.constant 0 : i32
        %dma_start3A_116 = arith.constant 0 : i32
        %dma_start3A_117 = tpu.memref_slice %arg6[%dma_start3A, %dma_start3A_116] : memref<64x257xf32, #tpu.memory_space<vmem>> -> memref<64x256xf32, #tpu.memory_space<vmem>>
        %dma_start3A_118 = arith.constant 0 : i32
        %dma_start3A_119 = tpu.memref_slice %arg2[%dma_start3A_118, %mul3A_115] : memref<64x1000000xf32, #tpu.memory_space<hbm>> -> memref<64x256xf32, #tpu.memory_space<hbm>>
        %dma_start3A_120 = arith.constant 0 : i32
        %dma_start3A_121 = arith.constant 0 : i32
        %dma_start3A_122 = tpu.memref_slice %arg6[%dma_start3A_120, %dma_start3A_121] : memref<64x257xf32, #tpu.memory_space<vmem>> -> memref<64x256xf32, #tpu.memory_space<vmem>>
        %dma_start3A_123 = arith.constant 0 : i32
        %dma_start3A_124 = tpu.memref_slice %arg2[%dma_start3A_123, %mul3A_115] : memref<64x1000000xf32, #tpu.memory_space<hbm>> -> memref<64x256xf32, #tpu.memory_space<hbm>>
        tpu.enqueue_dma source(%dma_start3A_124 : memref<64x256xf32, #tpu.memory_space<hbm>>) target(%dma_start3A_122 : memref<64x256xf32, #tpu.memory_space<vmem>>) target_semaphore(%arg11 : memref<!tpu.dma_semaphore, #tpu.memory_space<semaphore_mem>>)
      } else {
      }
      %ge3A = arith.constant 1 : i32
      %ge3A_57 = arith.cmpi sge, %scan3A_41, %ge3A : i32
      %sub3A = arith.constant 2 : i32
      %sub3A_58 = arith.subi %add3A_46, %sub3A : i32
      %mul3A_59 = arith.constant 32 : i32
      %mul3A_60 = arith.muli %sub3A_58, %mul3A_59 : i32
      %add3A_61 = arith.addi %mul3A_60, %add3A : i32
      %lt3A_62 = arith.constant 3906 : i32
      %lt3A_63 = arith.cmpi slt, %add3A_61, %lt3A_62 : i32
      %and3A = arith.andi %ge3A_57, %lt3A_63 : i1
      %convert_element_type3A_64 = arith.extui %and3A : i1 to i32
      %cond3A_65 = arith.constant 0 : i32
      %cond3A_66 = arith.cmpi ne, %convert_element_type3A_64, %cond3A_65 : i32
      scf.if %cond3A_66 {
        %dma_wait3A = arith.constant 0 : i32
        %dma_wait3A_111 = arith.constant 0 : i32
        %dma_wait3A_112 = tpu.memref_slice %arg7[%dma_wait3A, %dma_wait3A_111] : memref<128x129xf32, #tpu.memory_space<vmem>> -> memref<128x128xf32, #tpu.memory_space<vmem>>
        %dma_wait3A_113 = arith.constant 0 : i32
        %dma_wait3A_114 = arith.constant 0 : i32
        %dma_wait3A_115 = tpu.memref_slice %arg4[%dma_wait3A_113, %dma_wait3A_114] : memref<500000x128xf32, #tpu.memory_space<hbm>> -> memref<128x128xf32, #tpu.memory_space<hbm>>
        %dma_wait3A_116 = arith.constant 0 : i32
        %dma_wait3A_117 = arith.constant 0 : i32
        %dma_wait3A_118 = tpu.memref_slice %arg4[%dma_wait3A_116, %dma_wait3A_117] : memref<500000x128xf32, #tpu.memory_space<hbm>> -> memref<128x128xf32, #tpu.memory_space<hbm>>
        %dma_wait3A_119 = arith.constant 0 : i32
        %dma_wait3A_120 = arith.constant 0 : i32
        %dma_wait3A_121 = tpu.memref_slice %arg7[%dma_wait3A_119, %dma_wait3A_120] : memref<128x129xf32, #tpu.memory_space<vmem>> -> memref<128x128xf32, #tpu.memory_space<vmem>>
        tpu.wait_dma2 semaphore(%arg12 : memref<!tpu.dma_semaphore, #tpu.memory_space<semaphore_mem>>) src(%dma_wait3A_121 : memref<128x128xf32, #tpu.memory_space<vmem>>) dst(%dma_wait3A_118 : memref<128x128xf32, #tpu.memory_space<hbm>>)
      } else {
      }
      %mul3A_67 = arith.constant 32 : i32
      %mul3A_68 = arith.muli %add3A_46, %mul3A_67 : i32
      %add3A_69 = arith.addi %mul3A_68, %add3A : i32
      %lt3A_70 = arith.constant 3906 : i32
      %lt3A_71 = arith.cmpi slt, %add3A_69, %lt3A_70 : i32
      %convert_element_type3A_72 = arith.extui %lt3A_71 : i1 to i32
      %cond3A_73 = arith.constant 0 : i32
      %cond3A_74 = arith.cmpi ne, %convert_element_type3A_72, %cond3A_73 : i32
      scf.if %cond3A_74 {
        %dma_wait3A = arith.constant 0 : i32
        %dma_wait3A_111 = arith.constant 0 : i32
        %dma_wait3A_112 = tpu.memref_slice %arg5[%dma_wait3A, %dma_wait3A_111] : memref<64x257xf32, #tpu.memory_space<vmem>> -> memref<64x256xf32, #tpu.memory_space<vmem>>
        %dma_wait3A_113 = arith.constant 0 : i32
        %dma_wait3A_114 = arith.constant 0 : i32
        %dma_wait3A_115 = tpu.memref_slice %arg2[%dma_wait3A_113, %dma_wait3A_114] : memref<64x1000000xf32, #tpu.memory_space<hbm>> -> memref<64x256xf32, #tpu.memory_space<hbm>>
        %dma_wait3A_116 = arith.constant 0 : i32
        %dma_wait3A_117 = arith.constant 0 : i32
        %dma_wait3A_118 = tpu.memref_slice %arg5[%dma_wait3A_116, %dma_wait3A_117] : memref<64x257xf32, #tpu.memory_space<vmem>> -> memref<64x256xf32, #tpu.memory_space<vmem>>
        %dma_wait3A_119 = arith.constant 0 : i32
        %dma_wait3A_120 = arith.constant 0 : i32
        %dma_wait3A_121 = tpu.memref_slice %arg2[%dma_wait3A_119, %dma_wait3A_120] : memref<64x1000000xf32, #tpu.memory_space<hbm>> -> memref<64x256xf32, #tpu.memory_space<hbm>>
        tpu.wait_dma2 semaphore(%arg10 : memref<!tpu.dma_semaphore, #tpu.memory_space<semaphore_mem>>) src(%dma_wait3A_121 : memref<64x256xf32, #tpu.memory_space<hbm>>) dst(%dma_wait3A_118 : memref<64x256xf32, #tpu.memory_space<vmem>>)
        %parallel_loop3A = arith.constant 0 : i32
        %parallel_loop3A_122 = arith.constant 128 : i32
        %parallel_loop3A_123 = arith.constant 1 : i32
        scf.for %parallel_loop3A_138 = %parallel_loop3A to %parallel_loop3A_122 step %parallel_loop3A_123  : i32 {
          %parallel_loop3A_139 = arith.constant 2 : i32
          %parallel_loop3A_140 = arith.muli %parallel_loop3A_139, %parallel_loop3A_138 : i32
          %parallel_loop3A_141 = vector.broadcast %parallel_loop3A_140 : i32 to vector<16xi32>
          %parallel_loop3A_142 = arith.constant 2 : i32
          %parallel_loop3A_143 = arith.muli %parallel_loop3A_142, %parallel_loop3A_138 : i32
          %parallel_loop3A_144 = arith.constant 1 : i32
          %parallel_loop3A_145 = arith.addi %parallel_loop3A_143, %parallel_loop3A_144 : i32
          %parallel_loop3A_146 = vector.broadcast %parallel_loop3A_145 : i32 to vector<16xi32>
          %parallel_loop3A_147 = tpu.vector_load_idx %arg5[%add3A_3, %parallel_loop3A_141] : memref<64x257xf32, #tpu.memory_space<vmem>>[vector<16xi32>, vector<16xi32>], vector<16xf32>,
          %parallel_loop3A_148 = arith.constant 8.000000e+00 : f32
          %parallel_loop3A_149 = vector.broadcast %parallel_loop3A_148 : f32 to vector<16xf32>
          %parallel_loop3A_150 = arith.mulf %parallel_loop3A_147, %parallel_loop3A_149 : vector<16xf32>
          %parallel_loop3A_151 = arith.index_cast %parallel_loop3A_138 : i32 to index
          %parallel_loop3A_152 = arith.constant 0 : index
          %parallel_loop3A_153 = tpu.vector_load %arg7[%parallel_loop3A_151, %parallel_loop3A_152] {strides = array<i32>} : memref<128x129xf32, #tpu.memory_space<vmem>>, vector<16xf32>,
          tpu.vector_store %arg7[%parallel_loop3A_151, %parallel_loop3A_152], %parallel_loop3A_150 {strides = array<i32>} : memref<128x129xf32, #tpu.memory_space<vmem>>, vector<16xf32>,
          %parallel_loop3A_154 = tpu.vector_load_idx %arg5[%add3A_6, %parallel_loop3A_141] : memref<64x257xf32, #tpu.memory_space<vmem>>[vector<16xi32>, vector<16xi32>], vector<16xf32>,
          %parallel_loop3A_155 = arith.constant 8.000000e+00 : f32
          %parallel_loop3A_156 = vector.broadcast %parallel_loop3A_155 : f32 to vector<16xf32>
          %parallel_loop3A_157 = arith.mulf %parallel_loop3A_154, %parallel_loop3A_156 : vector<16xf32>
          %parallel_loop3A_158 = arith.index_cast %parallel_loop3A_138 : i32 to index
          %parallel_loop3A_159 = arith.constant 16 : index
          %parallel_loop3A_160 = tpu.vector_load %arg7[%parallel_loop3A_158, %parallel_loop3A_159] {strides = array<i32>} : memref<128x129xf32, #tpu.memory_space<vmem>>, vector<16xf32>,
          tpu.vector_store %arg7[%parallel_loop3A_158, %parallel_loop3A_159], %parallel_loop3A_157 {strides = array<i32>} : memref<128x129xf32, #tpu.memory_space<vmem>>, vector<16xf32>,
          %parallel_loop3A_161 = tpu.vector_load_idx %arg5[%add3A_9, %parallel_loop3A_141] : memref<64x257xf32, #tpu.memory_space<vmem>>[vector<16xi32>, vector<16xi32>], vector<16xf32>,
          %parallel_loop3A_162 = arith.constant 8.000000e+00 : f32
          %parallel_loop3A_163 = vector.broadcast %parallel_loop3A_162 : f32 to vector<16xf32>
          %parallel_loop3A_164 = arith.mulf %parallel_loop3A_161, %parallel_loop3A_163 : vector<16xf32>
          %parallel_loop3A_165 = arith.index_cast %parallel_loop3A_138 : i32 to index
          %parallel_loop3A_166 = arith.constant 32 : index
          %parallel_loop3A_167 = tpu.vector_load %arg7[%parallel_loop3A_165, %parallel_loop3A_166] {strides = array<i32>} : memref<128x129xf32, #tpu.memory_space<vmem>>, vector<16xf32>,
          tpu.vector_store %arg7[%parallel_loop3A_165, %parallel_loop3A_166], %parallel_loop3A_164 {strides = array<i32>} : memref<128x129xf32, #tpu.memory_space<vmem>>, vector<16xf32>,
          %parallel_loop3A_168 = tpu.vector_load_idx %arg5[%add3A_12, %parallel_loop3A_141] : memref<64x257xf32, #tpu.memory_space<vmem>>[vector<16xi32>, vector<16xi32>], vector<16xf32>,
          %parallel_loop3A_169 = arith.constant 8.000000e+00 : f32
          %parallel_loop3A_170 = vector.broadcast %parallel_loop3A_169 : f32 to vector<16xf32>
          %parallel_loop3A_171 = arith.mulf %parallel_loop3A_168, %parallel_loop3A_170 : vector<16xf32>
          %parallel_loop3A_172 = arith.index_cast %parallel_loop3A_138 : i32 to index
          %parallel_loop3A_173 = arith.constant 48 : index
          %parallel_loop3A_174 = tpu.vector_load %arg7[%parallel_loop3A_172, %parallel_loop3A_173] {strides = array<i32>} : memref<128x129xf32, #tpu.memory_space<vmem>>, vector<16xf32>,
          tpu.vector_store %arg7[%parallel_loop3A_172, %parallel_loop3A_173], %parallel_loop3A_171 {strides = array<i32>} : memref<128x129xf32, #tpu.memory_space<vmem>>, vector<16xf32>,
          %parallel_loop3A_175 = tpu.vector_load_idx %arg5[%add3A_3, %parallel_loop3A_146] : memref<64x257xf32, #tpu.memory_space<vmem>>[vector<16xi32>, vector<16xi32>], vector<16xf32>,
          %parallel_loop3A_176 = arith.constant 8.000000e+00 : f32
          %parallel_loop3A_177 = vector.broadcast %parallel_loop3A_176 : f32 to vector<16xf32>
          %parallel_loop3A_178 = arith.mulf %parallel_loop3A_175, %parallel_loop3A_177 : vector<16xf32>
          %parallel_loop3A_179 = arith.index_cast %parallel_loop3A_138 : i32 to index
          %parallel_loop3A_180 = arith.constant 64 : index
          %parallel_loop3A_181 = tpu.vector_load %arg7[%parallel_loop3A_179, %parallel_loop3A_180] {strides = array<i32>} : memref<128x129xf32, #tpu.memory_space<vmem>>, vector<16xf32>,
          tpu.vector_store %arg7[%parallel_loop3A_179, %parallel_loop3A_180], %parallel_loop3A_178 {strides = array<i32>} : memref<128x129xf32, #tpu.memory_space<vmem>>, vector<16xf32>,
          %parallel_loop3A_182 = tpu.vector_load_idx %arg5[%add3A_6, %parallel_loop3A_146] : memref<64x257xf32, #tpu.memory_space<vmem>>[vector<16xi32>, vector<16xi32>], vector<16xf32>,
          %parallel_loop3A_183 = arith.constant 8.000000e+00 : f32
          %parallel_loop3A_184 = vector.broadcast %parallel_loop3A_183 : f32 to vector<16xf32>
          %parallel_loop3A_185 = arith.mulf %parallel_loop3A_182, %parallel_loop3A_184 : vector<16xf32>
          %parallel_loop3A_186 = arith.index_cast %parallel_loop3A_138 : i32 to index
          %parallel_loop3A_187 = arith.constant 80 : index
          %parallel_loop3A_188 = tpu.vector_load %arg7[%parallel_loop3A_186, %parallel_loop3A_187] {strides = array<i32>} : memref<128x129xf32, #tpu.memory_space<vmem>>, vector<16xf32>,
          tpu.vector_store %arg7[%parallel_loop3A_186, %parallel_loop3A_187], %parallel_loop3A_185 {strides = array<i32>} : memref<128x129xf32, #tpu.memory_space<vmem>>, vector<16xf32>,
          %parallel_loop3A_189 = tpu.vector_load_idx %arg5[%add3A_9, %parallel_loop3A_146] : memref<64x257xf32, #tpu.memory_space<vmem>>[vector<16xi32>, vector<16xi32>], vector<16xf32>,
          %parallel_loop3A_190 = arith.constant 8.000000e+00 : f32
          %parallel_loop3A_191 = vector.broadcast %parallel_loop3A_190 : f32 to vector<16xf32>
          %parallel_loop3A_192 = arith.mulf %parallel_loop3A_189, %parallel_loop3A_191 : vector<16xf32>
          %parallel_loop3A_193 = arith.index_cast %parallel_loop3A_138 : i32 to index
          %parallel_loop3A_194 = arith.constant 96 : index
          %parallel_loop3A_195 = tpu.vector_load %arg7[%parallel_loop3A_193, %parallel_loop3A_194] {strides = array<i32>} : memref<128x129xf32, #tpu.memory_space<vmem>>, vector<16xf32>,
          tpu.vector_store %arg7[%parallel_loop3A_193, %parallel_loop3A_194], %parallel_loop3A_192 {strides = array<i32>} : memref<128x129xf32, #tpu.memory_space<vmem>>, vector<16xf32>,
          %parallel_loop3A_196 = tpu.vector_load_idx %arg5[%add3A_12, %parallel_loop3A_146] : memref<64x257xf32, #tpu.memory_space<vmem>>[vector<16xi32>, vector<16xi32>], vector<16xf32>,
          %parallel_loop3A_197 = arith.constant 8.000000e+00 : f32
          %parallel_loop3A_198 = vector.broadcast %parallel_loop3A_197 : f32 to vector<16xf32>
          %parallel_loop3A_199 = arith.mulf %parallel_loop3A_196, %parallel_loop3A_198 : vector<16xf32>
          %parallel_loop3A_200 = arith.index_cast %parallel_loop3A_138 : i32 to index
          %parallel_loop3A_201 = arith.constant 112 : index
          %parallel_loop3A_202 = tpu.vector_load %arg7[%parallel_loop3A_200, %parallel_loop3A_201] {strides = array<i32>} : memref<128x129xf32, #tpu.memory_space<vmem>>, vector<16xf32>,
          tpu.vector_store %arg7[%parallel_loop3A_200, %parallel_loop3A_201], %parallel_loop3A_199 {strides = array<i32>} : memref<128x129xf32, #tpu.memory_space<vmem>>, vector<16xf32>,
        } {sc.loop_unroll_factor = 4 : i64, sc.parallel_access}
        %mul3A_124 = arith.constant 32 : i32
        %mul3A_125 = arith.muli %add3A_46, %mul3A_124 : i32
        %add3A_126 = arith.addi %mul3A_125, %add3A : i32
        %mul3A_127 = arith.constant 128 : i32
        %mul3A_128 = arith.muli %add3A_126, %mul3A_127 : i32
        %dma_start3A = arith.constant 0 : i32
        %dma_start3A_129 = arith.constant 0 : i32
        %dma_start3A_130 = tpu.memref_slice %arg7[%dma_start3A, %dma_start3A_129] : memref<128x129xf32, #tpu.memory_space<vmem>> -> memref<128x128xf32, #tpu.memory_space<vmem>>
        %dma_start3A_131 = arith.constant 0 : i32
        %dma_start3A_132 = tpu.memref_slice %arg4[%mul3A_128, %dma_start3A_131] : memref<500000x128xf32, #tpu.memory_space<hbm>> -> memref<128x128xf32, #tpu.memory_space<hbm>>
        %dma_start3A_133 = arith.constant 0 : i32
        %dma_start3A_134 = tpu.memref_slice %arg4[%mul3A_128, %dma_start3A_133] : memref<500000x128xf32, #tpu.memory_space<hbm>> -> memref<128x128xf32, #tpu.memory_space<hbm>>
        %dma_start3A_135 = arith.constant 0 : i32
        %dma_start3A_136 = arith.constant 0 : i32
        %dma_start3A_137 = tpu.memref_slice %arg7[%dma_start3A_135, %dma_start3A_136] : memref<128x129xf32, #tpu.memory_space<vmem>> -> memref<128x128xf32, #tpu.memory_space<vmem>>
        tpu.enqueue_dma source(%dma_start3A_137 : memref<128x128xf32, #tpu.memory_space<vmem>>) target(%dma_start3A_134 : memref<128x128xf32, #tpu.memory_space<hbm>>) target_semaphore(%arg12 : memref<!tpu.dma_semaphore, #tpu.memory_space<semaphore_mem>>)
      } else {
      }
      %mul3A_75 = arith.constant 2 : i32
      %mul3A_76 = arith.muli %mul3A_75, %scan3A_41 : i32
      %add3A_77 = arith.constant 1 : i32
      %add3A_78 = arith.addi %mul3A_76, %add3A_77 : i32
      %add3A_79 = arith.constant 1 : i32
      %add3A_80 = arith.addi %add3A_78, %add3A_79 : i32
      %mul3A_81 = arith.constant 32 : i32
      %mul3A_82 = arith.muli %add3A_80, %mul3A_81 : i32
      %add3A_83 = arith.addi %mul3A_82, %add3A : i32
      %lt3A_84 = arith.constant 3906 : i32
      %lt3A_85 = arith.cmpi slt, %add3A_83, %lt3A_84 : i32
      %convert_element_type3A_86 = arith.extui %lt3A_85 : i1 to i32
      %cond3A_87 = arith.constant 0 : i32
      %cond3A_88 = arith.cmpi ne, %convert_element_type3A_86, %cond3A_87 : i32
      scf.if %cond3A_88 {
        %mul3A_111 = arith.constant 32 : i32
        %mul3A_112 = arith.muli %add3A_80, %mul3A_111 : i32
        %add3A_113 = arith.addi %mul3A_112, %add3A : i32
        %mul3A_114 = arith.constant 256 : i32
        %mul3A_115 = arith.muli %add3A_113, %mul3A_114 : i32
        %dma_start3A = arith.constant 0 : i32
        %dma_start3A_116 = arith.constant 0 : i32
        %dma_start3A_117 = tpu.memref_slice %arg5[%dma_start3A, %dma_start3A_116] : memref<64x257xf32, #tpu.memory_space<vmem>> -> memref<64x256xf32, #tpu.memory_space<vmem>>
        %dma_start3A_118 = arith.constant 0 : i32
        %dma_start3A_119 = tpu.memref_slice %arg2[%dma_start3A_118, %mul3A_115] : memref<64x1000000xf32, #tpu.memory_space<hbm>> -> memref<64x256xf32, #tpu.memory_space<hbm>>
        %dma_start3A_120 = arith.constant 0 : i32
        %dma_start3A_121 = arith.constant 0 : i32
        %dma_start3A_122 = tpu.memref_slice %arg5[%dma_start3A_120, %dma_start3A_121] : memref<64x257xf32, #tpu.memory_space<vmem>> -> memref<64x256xf32, #tpu.memory_space<vmem>>
        %dma_start3A_123 = arith.constant 0 : i32
        %dma_start3A_124 = tpu.memref_slice %arg2[%dma_start3A_123, %mul3A_115] : memref<64x1000000xf32, #tpu.memory_space<hbm>> -> memref<64x256xf32, #tpu.memory_space<hbm>>
        tpu.enqueue_dma source(%dma_start3A_124 : memref<64x256xf32, #tpu.memory_space<hbm>>) target(%dma_start3A_122 : memref<64x256xf32, #tpu.memory_space<vmem>>) target_semaphore(%arg10 : memref<!tpu.dma_semaphore, #tpu.memory_space<semaphore_mem>>)
      } else {
      }
      %ge3A_89 = arith.constant 1 : i32
      %ge3A_90 = arith.cmpi sge, %scan3A_41, %ge3A_89 : i32
      %sub3A_91 = arith.constant 2 : i32
      %sub3A_92 = arith.subi %add3A_78, %sub3A_91 : i32
      %mul3A_93 = arith.constant 32 : i32
      %mul3A_94 = arith.muli %sub3A_92, %mul3A_93 : i32
      %add3A_95 = arith.addi %mul3A_94, %add3A : i32
      %lt3A_96 = arith.constant 3906 : i32
      %lt3A_97 = arith.cmpi slt, %add3A_95, %lt3A_96 : i32
      %and3A_98 = arith.andi %ge3A_90, %lt3A_97 : i1
      %convert_element_type3A_99 = arith.extui %and3A_98 : i1 to i32
      %cond3A_100 = arith.constant 0 : i32
      %cond3A_101 = arith.cmpi ne, %convert_element_type3A_99, %cond3A_100 : i32
      scf.if %cond3A_101 {
        %dma_wait3A = arith.constant 0 : i32
        %dma_wait3A_111 = arith.constant 0 : i32
        %dma_wait3A_112 = tpu.memref_slice %arg8[%dma_wait3A, %dma_wait3A_111] : memref<128x129xf32, #tpu.memory_space<vmem>> -> memref<128x128xf32, #tpu.memory_space<vmem>>
        %dma_wait3A_113 = arith.constant 0 : i32
        %dma_wait3A_114 = arith.constant 0 : i32
        %dma_wait3A_115 = tpu.memref_slice %arg4[%dma_wait3A_113, %dma_wait3A_114] : memref<500000x128xf32, #tpu.memory_space<hbm>> -> memref<128x128xf32, #tpu.memory_space<hbm>>
        %dma_wait3A_116 = arith.constant 0 : i32
        %dma_wait3A_117 = arith.constant 0 : i32
        %dma_wait3A_118 = tpu.memref_slice %arg4[%dma_wait3A_116, %dma_wait3A_117] : memref<500000x128xf32, #tpu.memory_space<hbm>> -> memref<128x128xf32, #tpu.memory_space<hbm>>
        %dma_wait3A_119 = arith.constant 0 : i32
        %dma_wait3A_120 = arith.constant 0 : i32
        %dma_wait3A_121 = tpu.memref_slice %arg8[%dma_wait3A_119, %dma_wait3A_120] : memref<128x129xf32, #tpu.memory_space<vmem>> -> memref<128x128xf32, #tpu.memory_space<vmem>>
        tpu.wait_dma2 semaphore(%arg13 : memref<!tpu.dma_semaphore, #tpu.memory_space<semaphore_mem>>) src(%dma_wait3A_121 : memref<128x128xf32, #tpu.memory_space<vmem>>) dst(%dma_wait3A_118 : memref<128x128xf32, #tpu.memory_space<hbm>>)
      } else {
      }
      %mul3A_102 = arith.constant 32 : i32
      %mul3A_103 = arith.muli %add3A_78, %mul3A_102 : i32
      %add3A_104 = arith.addi %mul3A_103, %add3A : i32
      %lt3A_105 = arith.constant 3906 : i32
      %lt3A_106 = arith.cmpi slt, %add3A_104, %lt3A_105 : i32
      %convert_element_type3A_107 = arith.extui %lt3A_106 : i1 to i32
      %cond3A_108 = arith.constant 0 : i32
      %cond3A_109 = arith.cmpi ne, %convert_element_type3A_107, %cond3A_108 : i32
      scf.if %cond3A_109 {
        %dma_wait3A = arith.constant 0 : i32
        %dma_wait3A_111 = arith.constant 0 : i32
        %dma_wait3A_112 = tpu.memref_slice %arg6[%dma_wait3A, %dma_wait3A_111] : memref<64x257xf32, #tpu.memory_space<vmem>> -> memref<64x256xf32, #tpu.memory_space<vmem>>
        %dma_wait3A_113 = arith.constant 0 : i32
        %dma_wait3A_114 = arith.constant 0 : i32
        %dma_wait3A_115 = tpu.memref_slice %arg2[%dma_wait3A_113, %dma_wait3A_114] : memref<64x1000000xf32, #tpu.memory_space<hbm>> -> memref<64x256xf32, #tpu.memory_space<hbm>>
        %dma_wait3A_116 = arith.constant 0 : i32
        %dma_wait3A_117 = arith.constant 0 : i32
        %dma_wait3A_118 = tpu.memref_slice %arg6[%dma_wait3A_116, %dma_wait3A_117] : memref<64x257xf32, #tpu.memory_space<vmem>> -> memref<64x256xf32, #tpu.memory_space<vmem>>
        %dma_wait3A_119 = arith.constant 0 : i32
        %dma_wait3A_120 = arith.constant 0 : i32
        %dma_wait3A_121 = tpu.memref_slice %arg2[%dma_wait3A_119, %dma_wait3A_120] : memref<64x1000000xf32, #tpu.memory_space<hbm>> -> memref<64x256xf32, #tpu.memory_space<hbm>>
        tpu.wait_dma2 semaphore(%arg11 : memref<!tpu.dma_semaphore, #tpu.memory_space<semaphore_mem>>) src(%dma_wait3A_121 : memref<64x256xf32, #tpu.memory_space<hbm>>) dst(%dma_wait3A_118 : memref<64x256xf32, #tpu.memory_space<vmem>>)
        %parallel_loop3A = arith.constant 0 : i32
        %parallel_loop3A_122 = arith.constant 128 : i32
        %parallel_loop3A_123 = arith.constant 1 : i32
        scf.for %parallel_loop3A_138 = %parallel_loop3A to %parallel_loop3A_122 step %parallel_loop3A_123  : i32 {
          %parallel_loop3A_139 = arith.constant 2 : i32
          %parallel_loop3A_140 = arith.muli %parallel_loop3A_139, %parallel_loop3A_138 : i32
          %parallel_loop3A_141 = vector.broadcast %parallel_loop3A_140 : i32 to vector<16xi32>
          %parallel_loop3A_142 = arith.constant 2 : i32
          %parallel_loop3A_143 = arith.muli %parallel_loop3A_142, %parallel_loop3A_138 : i32
          %parallel_loop3A_144 = arith.constant 1 : i32
          %parallel_loop3A_145 = arith.addi %parallel_loop3A_143, %parallel_loop3A_144 : i32
          %parallel_loop3A_146 = vector.broadcast %parallel_loop3A_145 : i32 to vector<16xi32>
          %parallel_loop3A_147 = tpu.vector_load_idx %arg6[%add3A_3, %parallel_loop3A_141] : memref<64x257xf32, #tpu.memory_space<vmem>>[vector<16xi32>, vector<16xi32>], vector<16xf32>,
          %parallel_loop3A_148 = arith.constant 8.000000e+00 : f32
          %parallel_loop3A_149 = vector.broadcast %parallel_loop3A_148 : f32 to vector<16xf32>
          %parallel_loop3A_150 = arith.mulf %parallel_loop3A_147, %parallel_loop3A_149 : vector<16xf32>
          %parallel_loop3A_151 = arith.index_cast %parallel_loop3A_138 : i32 to index
          %parallel_loop3A_152 = arith.constant 0 : index
          %parallel_loop3A_153 = tpu.vector_load %arg8[%parallel_loop3A_151, %parallel_loop3A_152] {strides = array<i32>} : memref<128x129xf32, #tpu.memory_space<vmem>>, vector<16xf32>,
          tpu.vector_store %arg8[%parallel_loop3A_151, %parallel_loop3A_152], %parallel_loop3A_150 {strides = array<i32>} : memref<128x129xf32, #tpu.memory_space<vmem>>, vector<16xf32>,
          %parallel_loop3A_154 = tpu.vector_load_idx %arg6[%add3A_6, %parallel_loop3A_141] : memref<64x257xf32, #tpu.memory_space<vmem>>[vector<16xi32>, vector<16xi32>], vector<16xf32>,
          %parallel_loop3A_155 = arith.constant 8.000000e+00 : f32
          %parallel_loop3A_156 = vector.broadcast %parallel_loop3A_155 : f32 to vector<16xf32>
          %parallel_loop3A_157 = arith.mulf %parallel_loop3A_154, %parallel_loop3A_156 : vector<16xf32>
          %parallel_loop3A_158 = arith.index_cast %parallel_loop3A_138 : i32 to index
          %parallel_loop3A_159 = arith.constant 16 : index
          %parallel_loop3A_160 = tpu.vector_load %arg8[%parallel_loop3A_158, %parallel_loop3A_159] {strides = array<i32>} : memref<128x129xf32, #tpu.memory_space<vmem>>, vector<16xf32>,
          tpu.vector_store %arg8[%parallel_loop3A_158, %parallel_loop3A_159], %parallel_loop3A_157 {strides = array<i32>} : memref<128x129xf32, #tpu.memory_space<vmem>>, vector<16xf32>,
          %parallel_loop3A_161 = tpu.vector_load_idx %arg6[%add3A_9, %parallel_loop3A_141] : memref<64x257xf32, #tpu.memory_space<vmem>>[vector<16xi32>, vector<16xi32>], vector<16xf32>,
          %parallel_loop3A_162 = arith.constant 8.000000e+00 : f32
          %parallel_loop3A_163 = vector.broadcast %parallel_loop3A_162 : f32 to vector<16xf32>
          %parallel_loop3A_164 = arith.mulf %parallel_loop3A_161, %parallel_loop3A_163 : vector<16xf32>
          %parallel_loop3A_165 = arith.index_cast %parallel_loop3A_138 : i32 to index
          %parallel_loop3A_166 = arith.constant 32 : index
          %parallel_loop3A_167 = tpu.vector_load %arg8[%parallel_loop3A_165, %parallel_loop3A_166] {strides = array<i32>} : memref<128x129xf32, #tpu.memory_space<vmem>>, vector<16xf32>,
          tpu.vector_store %arg8[%parallel_loop3A_165, %parallel_loop3A_166], %parallel_loop3A_164 {strides = array<i32>} : memref<128x129xf32, #tpu.memory_space<vmem>>, vector<16xf32>,
          %parallel_loop3A_168 = tpu.vector_load_idx %arg6[%add3A_12, %parallel_loop3A_141] : memref<64x257xf32, #tpu.memory_space<vmem>>[vector<16xi32>, vector<16xi32>], vector<16xf32>,
          %parallel_loop3A_169 = arith.constant 8.000000e+00 : f32
          %parallel_loop3A_170 = vector.broadcast %parallel_loop3A_169 : f32 to vector<16xf32>
          %parallel_loop3A_171 = arith.mulf %parallel_loop3A_168, %parallel_loop3A_170 : vector<16xf32>
          %parallel_loop3A_172 = arith.index_cast %parallel_loop3A_138 : i32 to index
          %parallel_loop3A_173 = arith.constant 48 : index
          %parallel_loop3A_174 = tpu.vector_load %arg8[%parallel_loop3A_172, %parallel_loop3A_173] {strides = array<i32>} : memref<128x129xf32, #tpu.memory_space<vmem>>, vector<16xf32>,
          tpu.vector_store %arg8[%parallel_loop3A_172, %parallel_loop3A_173], %parallel_loop3A_171 {strides = array<i32>} : memref<128x129xf32, #tpu.memory_space<vmem>>, vector<16xf32>,
          %parallel_loop3A_175 = tpu.vector_load_idx %arg6[%add3A_3, %parallel_loop3A_146] : memref<64x257xf32, #tpu.memory_space<vmem>>[vector<16xi32>, vector<16xi32>], vector<16xf32>,
          %parallel_loop3A_176 = arith.constant 8.000000e+00 : f32
          %parallel_loop3A_177 = vector.broadcast %parallel_loop3A_176 : f32 to vector<16xf32>
          %parallel_loop3A_178 = arith.mulf %parallel_loop3A_175, %parallel_loop3A_177 : vector<16xf32>
          %parallel_loop3A_179 = arith.index_cast %parallel_loop3A_138 : i32 to index
          %parallel_loop3A_180 = arith.constant 64 : index
          %parallel_loop3A_181 = tpu.vector_load %arg8[%parallel_loop3A_179, %parallel_loop3A_180] {strides = array<i32>} : memref<128x129xf32, #tpu.memory_space<vmem>>, vector<16xf32>,
          tpu.vector_store %arg8[%parallel_loop3A_179, %parallel_loop3A_180], %parallel_loop3A_178 {strides = array<i32>} : memref<128x129xf32, #tpu.memory_space<vmem>>, vector<16xf32>,
          %parallel_loop3A_182 = tpu.vector_load_idx %arg6[%add3A_6, %parallel_loop3A_146] : memref<64x257xf32, #tpu.memory_space<vmem>>[vector<16xi32>, vector<16xi32>], vector<16xf32>,
          %parallel_loop3A_183 = arith.constant 8.000000e+00 : f32
          %parallel_loop3A_184 = vector.broadcast %parallel_loop3A_183 : f32 to vector<16xf32>
          %parallel_loop3A_185 = arith.mulf %parallel_loop3A_182, %parallel_loop3A_184 : vector<16xf32>
          %parallel_loop3A_186 = arith.index_cast %parallel_loop3A_138 : i32 to index
          %parallel_loop3A_187 = arith.constant 80 : index
          %parallel_loop3A_188 = tpu.vector_load %arg8[%parallel_loop3A_186, %parallel_loop3A_187] {strides = array<i32>} : memref<128x129xf32, #tpu.memory_space<vmem>>, vector<16xf32>,
          tpu.vector_store %arg8[%parallel_loop3A_186, %parallel_loop3A_187], %parallel_loop3A_185 {strides = array<i32>} : memref<128x129xf32, #tpu.memory_space<vmem>>, vector<16xf32>,
          %parallel_loop3A_189 = tpu.vector_load_idx %arg6[%add3A_9, %parallel_loop3A_146] : memref<64x257xf32, #tpu.memory_space<vmem>>[vector<16xi32>, vector<16xi32>], vector<16xf32>,
          %parallel_loop3A_190 = arith.constant 8.000000e+00 : f32
          %parallel_loop3A_191 = vector.broadcast %parallel_loop3A_190 : f32 to vector<16xf32>
          %parallel_loop3A_192 = arith.mulf %parallel_loop3A_189, %parallel_loop3A_191 : vector<16xf32>
          %parallel_loop3A_193 = arith.index_cast %parallel_loop3A_138 : i32 to index
          %parallel_loop3A_194 = arith.constant 96 : index
          %parallel_loop3A_195 = tpu.vector_load %arg8[%parallel_loop3A_193, %parallel_loop3A_194] {strides = array<i32>} : memref<128x129xf32, #tpu.memory_space<vmem>>, vector<16xf32>,
          tpu.vector_store %arg8[%parallel_loop3A_193, %parallel_loop3A_194], %parallel_loop3A_192 {strides = array<i32>} : memref<128x129xf32, #tpu.memory_space<vmem>>, vector<16xf32>,
          %parallel_loop3A_196 = tpu.vector_load_idx %arg6[%add3A_12, %parallel_loop3A_146] : memref<64x257xf32, #tpu.memory_space<vmem>>[vector<16xi32>, vector<16xi32>], vector<16xf32>,
          %parallel_loop3A_197 = arith.constant 8.000000e+00 : f32
          %parallel_loop3A_198 = vector.broadcast %parallel_loop3A_197 : f32 to vector<16xf32>
          %parallel_loop3A_199 = arith.mulf %parallel_loop3A_196, %parallel_loop3A_198 : vector<16xf32>
          %parallel_loop3A_200 = arith.index_cast %parallel_loop3A_138 : i32 to index
          %parallel_loop3A_201 = arith.constant 112 : index
          %parallel_loop3A_202 = tpu.vector_load %arg8[%parallel_loop3A_200, %parallel_loop3A_201] {strides = array<i32>} : memref<128x129xf32, #tpu.memory_space<vmem>>, vector<16xf32>,
          tpu.vector_store %arg8[%parallel_loop3A_200, %parallel_loop3A_201], %parallel_loop3A_199 {strides = array<i32>} : memref<128x129xf32, #tpu.memory_space<vmem>>, vector<16xf32>,
        } {sc.loop_unroll_factor = 4 : i64, sc.parallel_access}
        %mul3A_124 = arith.constant 32 : i32
        %mul3A_125 = arith.muli %add3A_78, %mul3A_124 : i32
        %add3A_126 = arith.addi %mul3A_125, %add3A : i32
        %mul3A_127 = arith.constant 128 : i32
        %mul3A_128 = arith.muli %add3A_126, %mul3A_127 : i32
        %dma_start3A = arith.constant 0 : i32
        %dma_start3A_129 = arith.constant 0 : i32
        %dma_start3A_130 = tpu.memref_slice %arg8[%dma_start3A, %dma_start3A_129] : memref<128x129xf32, #tpu.memory_space<vmem>> -> memref<128x128xf32, #tpu.memory_space<vmem>>
        %dma_start3A_131 = arith.constant 0 : i32
        %dma_start3A_132 = tpu.memref_slice %arg4[%mul3A_128, %dma_start3A_131] : memref<500000x128xf32, #tpu.memory_space<hbm>> -> memref<128x128xf32, #tpu.memory_space<hbm>>
        %dma_start3A_133 = arith.constant 0 : i32
        %dma_start3A_134 = tpu.memref_slice %arg4[%mul3A_128, %dma_start3A_133] : memref<500000x128xf32, #tpu.memory_space<hbm>> -> memref<128x128xf32, #tpu.memory_space<hbm>>
        %dma_start3A_135 = arith.constant 0 : i32
        %dma_start3A_136 = arith.constant 0 : i32
        %dma_start3A_137 = tpu.memref_slice %arg8[%dma_start3A_135, %dma_start3A_136] : memref<128x129xf32, #tpu.memory_space<vmem>> -> memref<128x128xf32, #tpu.memory_space<vmem>>
        tpu.enqueue_dma source(%dma_start3A_137 : memref<128x128xf32, #tpu.memory_space<vmem>>) target(%dma_start3A_134 : memref<128x128xf32, #tpu.memory_space<hbm>>) target_semaphore(%arg13 : memref<!tpu.dma_semaphore, #tpu.memory_space<semaphore_mem>>)
      } else {
      }
      %scan3A_110 = arith.constant 0 : i32
      scf.yield %scan3A_110 : i32
    }
    %scan3A_22 = arith.constant 62 : i32
    %add3A_23 = arith.constant 3904 : i32
    %add3A_24 = arith.addi %add3A_23, %add3A : i32
    %lt3A_25 = arith.constant 3906 : i32
    %lt3A_26 = arith.cmpi slt, %add3A_24, %lt3A_25 : i32
    %convert_element_type3A_27 = arith.extui %lt3A_26 : i1 to i32
    %cond3A_28 = arith.constant 0 : i32
    %cond3A_29 = arith.cmpi ne, %convert_element_type3A_27, %cond3A_28 : i32
    scf.if %cond3A_29 {
      %dma_wait3A = arith.constant 0 : i32
      %dma_wait3A_41 = arith.constant 0 : i32
      %dma_wait3A_42 = tpu.memref_slice %arg7[%dma_wait3A, %dma_wait3A_41] : memref<128x129xf32, #tpu.memory_space<vmem>> -> memref<128x128xf32, #tpu.memory_space<vmem>>
      %dma_wait3A_43 = arith.constant 0 : i32
      %dma_wait3A_44 = arith.constant 0 : i32
      %dma_wait3A_45 = tpu.memref_slice %arg4[%dma_wait3A_43, %dma_wait3A_44] : memref<500000x128xf32, #tpu.memory_space<hbm>> -> memref<128x128xf32, #tpu.memory_space<hbm>>
      %dma_wait3A_46 = arith.constant 0 : i32
      %dma_wait3A_47 = arith.constant 0 : i32
      %dma_wait3A_48 = tpu.memref_slice %arg4[%dma_wait3A_46, %dma_wait3A_47] : memref<500000x128xf32, #tpu.memory_space<hbm>> -> memref<128x128xf32, #tpu.memory_space<hbm>>
      %dma_wait3A_49 = arith.constant 0 : i32
      %dma_wait3A_50 = arith.constant 0 : i32
      %dma_wait3A_51 = tpu.memref_slice %arg7[%dma_wait3A_49, %dma_wait3A_50] : memref<128x129xf32, #tpu.memory_space<vmem>> -> memref<128x128xf32, #tpu.memory_space<vmem>>
      tpu.wait_dma2 semaphore(%arg12 : memref<!tpu.dma_semaphore, #tpu.memory_space<semaphore_mem>>) src(%dma_wait3A_51 : memref<128x128xf32, #tpu.memory_space<vmem>>) dst(%dma_wait3A_48 : memref<128x128xf32, #tpu.memory_space<hbm>>)
    } else {
    }
    %add3A_30 = arith.constant 3936 : i32
    %add3A_31 = arith.addi %add3A_30, %add3A : i32
    %lt3A_32 = arith.constant 3906 : i32
    %lt3A_33 = arith.cmpi slt, %add3A_31, %lt3A_32 : i32
    %convert_element_type3A_34 = arith.extui %lt3A_33 : i1 to i32
    %cond3A_35 = arith.constant 0 : i32
    %cond3A_36 = arith.cmpi ne, %convert_element_type3A_34, %cond3A_35 : i32
    scf.if %cond3A_36 {
      %dma_wait3A = arith.constant 0 : i32
      %dma_wait3A_41 = arith.constant 0 : i32
      %dma_wait3A_42 = tpu.memref_slice %arg8[%dma_wait3A, %dma_wait3A_41] : memref<128x129xf32, #tpu.memory_space<vmem>> -> memref<128x128xf32, #tpu.memory_space<vmem>>
      %dma_wait3A_43 = arith.constant 0 : i32
      %dma_wait3A_44 = arith.constant 0 : i32
      %dma_wait3A_45 = tpu.memref_slice %arg4[%dma_wait3A_43, %dma_wait3A_44] : memref<500000x128xf32, #tpu.memory_space<hbm>> -> memref<128x128xf32, #tpu.memory_space<hbm>>
      %dma_wait3A_46 = arith.constant 0 : i32
      %dma_wait3A_47 = arith.constant 0 : i32
      %dma_wait3A_48 = tpu.memref_slice %arg4[%dma_wait3A_46, %dma_wait3A_47] : memref<500000x128xf32, #tpu.memory_space<hbm>> -> memref<128x128xf32, #tpu.memory_space<hbm>>
      %dma_wait3A_49 = arith.constant 0 : i32
      %dma_wait3A_50 = arith.constant 0 : i32
      %dma_wait3A_51 = tpu.memref_slice %arg8[%dma_wait3A_49, %dma_wait3A_50] : memref<128x129xf32, #tpu.memory_space<vmem>> -> memref<128x128xf32, #tpu.memory_space<vmem>>
      tpu.wait_dma2 semaphore(%arg13 : memref<!tpu.dma_semaphore, #tpu.memory_space<semaphore_mem>>) src(%dma_wait3A_51 : memref<128x128xf32, #tpu.memory_space<vmem>>) dst(%dma_wait3A_48 : memref<128x128xf32, #tpu.memory_space<hbm>>)
    } else {
    }
    %eq3A = arith.constant 0 : i32
    %eq3A_37 = arith.cmpi eq, %add3A, %eq3A : i32
    %convert_element_type3A_38 = arith.extui %eq3A_37 : i1 to i32
    %cond3A_39 = arith.constant 0 : i32
    %cond3A_40 = arith.cmpi ne, %convert_element_type3A_38, %cond3A_39 : i32
    scf.if %cond3A_40 {
      "tpu.region"() ({
        %run_scoped3A = tpu.sem_alloc : memref<!tpu.dma_semaphore, #tpu.memory_space<semaphore_mem>>
        tpu.enqueue_dma source(%arg3 : memref<32x128xf32, #tpu.memory_space<hbm>>) target(%arg9 : memref<32x128xf32, #tpu.memory_space<vmem>>) target_semaphore(%run_scoped3A : memref<!tpu.dma_semaphore, #tpu.memory_space<semaphore_mem>>)
        tpu.wait_dma2 semaphore(%run_scoped3A : memref<!tpu.dma_semaphore, #tpu.memory_space<semaphore_mem>>) src(%arg3 : memref<32x128xf32, #tpu.memory_space<hbm>>) dst(%arg9 : memref<32x128xf32, #tpu.memory_space<vmem>>)
        tpu.yield
      }) : () -> ()
      "tpu.region"() ({
        %run_scoped3A = tpu.sem_alloc : memref<!tpu.dma_semaphore, #tpu.memory_space<semaphore_mem>>
        %dma_start3A = arith.constant 499968 : i32
        %dma_start3A_41 = arith.constant 0 : i32
        %dma_start3A_42 = tpu.memref_slice %arg4[%dma_start3A, %dma_start3A_41] : memref<500000x128xf32, #tpu.memory_space<hbm>> -> memref<32x128xf32, #tpu.memory_space<hbm>>
        %dma_start3A_43 = arith.constant 499968 : i32
        %dma_start3A_44 = arith.constant 0 : i32
        %dma_start3A_45 = tpu.memref_slice %arg4[%dma_start3A_43, %dma_start3A_44] : memref<500000x128xf32, #tpu.memory_space<hbm>> -> memref<32x128xf32, #tpu.memory_space<hbm>>
        tpu.enqueue_dma source(%arg9 : memref<32x128xf32, #tpu.memory_space<vmem>>) target(%dma_start3A_45 : memref<32x128xf32, #tpu.memory_space<hbm>>) target_semaphore(%run_scoped3A : memref<!tpu.dma_semaphore, #tpu.memory_space<semaphore_mem>>)
        %dma_wait3A = arith.constant 499968 : i32
        %dma_wait3A_46 = arith.constant 0 : i32
        %dma_wait3A_47 = tpu.memref_slice %arg4[%dma_wait3A, %dma_wait3A_46] : memref<500000x128xf32, #tpu.memory_space<hbm>> -> memref<32x128xf32, #tpu.memory_space<hbm>>
        %dma_wait3A_48 = arith.constant 499968 : i32
        %dma_wait3A_49 = arith.constant 0 : i32
        %dma_wait3A_50 = tpu.memref_slice %arg4[%dma_wait3A_48, %dma_wait3A_49] : memref<500000x128xf32, #tpu.memory_space<hbm>> -> memref<32x128xf32, #tpu.memory_space<hbm>>
        tpu.wait_dma2 semaphore(%run_scoped3A : memref<!tpu.dma_semaphore, #tpu.memory_space<semaphore_mem>>) src(%arg9 : memref<32x128xf32, #tpu.memory_space<vmem>>) dst(%dma_wait3A_50 : memref<32x128xf32, #tpu.memory_space<hbm>>)
        tpu.yield
      }) : () -> ()
    } else {
    }
    return
  }
}

</mosaic_0001>

<sc_bundles>
// kernel: kernel.4.cloned.1.call-start
scs
__scs_entry_jumppad:
0x0: {  	(pc) =	sbr.rel $0x88, $3  }
0x1: {  	(tag) =	ssettag $0x0;
	lr =	simm.s32 $0x1  }
0x2: {  	[smem:$0x3F9F] =	sst lr;
	_ =	strace $0xD0000000  }
0x3: {  	_ = 	snop  }
0x4: {  	_ = 	snop  }
0x5: {  	_ = 	snop  }
0x6: {  	_ = 	snop  }
0x7: {  	_ = 	snop  }
__scs_overlays_trampoline_lowered:
0x8: {  	[smem:$0x3FAE] =	sst s0  }
0x9: {  	[smem:$0x3FAF] =	sst s1  }
0xa: {  	[smem:$0x3FB0] =	sst s2  }
0xb: {  	[smem:$0x3FB1] =	sst s3  }
0xc: {  	[smem:$0x3FB2] =	sst s4  }
0xd: {  	[smem:$0x3FB3] =	sst s5  }
0xe: {  	[smem:$0x3FB4] =	sst s6  }
0xf: {  	[smem:$0x3FB5] =	sst s7  }
0x10: {  	[smem:$0x3FB6] =	sst s8  }
0x11: {  	[smem:$0x3FB7] =	sst s9;
	s0 =	simm.s32 @!p0 $0x0  }
0x12: {  	s1 =	sld [smem:$0x3F9D];
	s0 =	simm.s32 @p0 $0x1  }
0x13: {  	[smem:$0x3FB8] =	sst s0;
	s0 =	simm.s32 @!p1 $0x0  }
0x14: {  	s2 =	sld [smem:$0x3F9C];
	s0 =	simm.s32 @p1 $0x1  }
0x15: {  	[smem:$0x3FB9] =	sst s0;
	s0 =	simm.s32 @!p2 $0x0  }
0x16: {  	s3 =	sld [smem:$0x3FDB];
	s0 =	simm.s32 @p2 $0x1  }
0x17: {  	s4 =	simm.s32 $0x1BF5;
	[smem:$0x3FBB] =	sst s0  }
0x18: {  	s0 =	sld [smem:$0x3F9E];
	_ =	swait.ge [sflag:s4], $0x0  }
0x19: {  	s7 =	sld [smem:$0x3F9F]  }
0x1a: {  	s8 =	sadd.s32 $0xFFFFE003, lr  }
0x1b: {  	s9 =	sadd.s32 $0xFFFFFEF7, lr;
	s5 =	simm.s32 $0xFFFFFFFF;
	p2 =	slt.u32 s8, $0xFFFFF086  }
0x1c: {  	p1 =	slt.u32 s9, $0xF7A;
	s5 =	simm.s32 @!p2 $0x0  }
0x1d: {  	s5 =	simm.s32 @p1 $0x1;
	p0 =	seq.s32 s7, s2  }
0x1e: {  	s7 =	smul.u32 @!p0 $0xF7A, s2;
	p2 =	seq.s32 @!p0 s5, $0x0  }
0x1f: {  	s9 =	smul.u32 $0xF7A, s1;
	s8 =	simm.s32 @!p0 $0x1BF5;
	p2 =	por !p2, p0  }
0x20: {  	[sflag:s8] =	ssyncset.s32 @!p0 $0xFFFFF086;
	s6 =	sadd.s32 @!p0 s3, s7;
	s7 =	simm.s32 @!p0 $0x108  }
0x21: {  	s3 =	sadd.s32 s3, s9;
	s6 =	sadd.s32 @!p0 $0x88, s6;
	s7 =	simm.s32 @p2 $0x1082  }
0x22: {  	[simem:s7], [sflag:s8] =	dma.local @!p0 [hbm:s6], $0xF7A  }
0x23: {  	s9 =	sor.u32 $0xD0000000, s2;
	s6 =	simm.s32 $0x108;
	_ =	swait.ge @!p0 [sflag:s8], $0x0  }
0x24: {  	s3 =	sadd.s32 $0x88, s3;
	s6 =	simm.s32 @!p1 $0x1082;
	[sflag:s4] =	ssyncset.s32 $0xFFFFF086  }
0x25: {  	[simem:s6], [sflag:s4] =	dma.local [hbm:s3], $0xF7A  }
0x26: {  	[smem:$0x3F9F] =	sst s1;
	(tag) =	ssettag s2;
	_ =	strace s9  }
0x27: {  	s1 =	sld [smem:$0x3FAF]  }
0x28: {  	s2 =	sld [smem:$0x3FB0]  }
0x29: {  	s4 =	sld [smem:$0x3FB2]  }
0x2a: {  	p0 =	seq.s32 s5, $0x0;
	s5 =	sld [smem:$0x3FB3]  }
0x2b: {  	s6 =	sld [smem:$0x3FB4]  }
0x2c: {  	s7 =	sld [smem:$0x3FB5]  }
0x2d: {  	s3 =	simm.s32 $0x108;
	s8 =	sld [smem:$0x3FB6]  }
0x2e: {  	s3 =	simm.s32 @!p0 $0x1082;
	s9 =	sld [smem:$0x3FB7]  }
0x2f: {  	lr =	sadd.s32 s0, s3;
	s0 =	sld [smem:$0x3FAE]  }
0x30: {  	s3 =	sld [smem:$0x3FB1]  }
0x31: {  	[smem:$0x3FBA] =	sst s10  }
0x32: {  	s10 =	sld [smem:$0x3FB8];
	_ =	sdelay $0x3  }
0x33: {  	p0 =	seq.s32 s10, $0x1;
	s10 =	sld [smem:$0x3FBA];
	_ =	sdelay $0x3  }
0x34: {  	[smem:$0x3FBA] =	sst s10  }
0x35: {  	s10 =	sld [smem:$0x3FB9];
	_ =	sdelay $0x3  }
0x36: {  	p1 =	seq.s32 s10, $0x1;
	s10 =	sld [smem:$0x3FBA];
	_ =	sdelay $0x3  }
0x37: {  	[smem:$0x3FBA] =	sst s10  }
0x38: {  	s10 =	sld [smem:$0x3FBB]  }
0x39: {  	_ = 	snop;
	(pc) =	sbr.ind lr, $3  }
0x3a: {  	_ = 	snop  }
0x3b: {  	_ = 	snop  }
0x3c: {  	p2 =	seq.s32 s10, $0x1;
	s10 =	sld [smem:$0x3FBA]  }
0x3d: {  	_ =	shalt  }
0x3e: {  	_ =	shalt  }
0x3f: {  	_ =	shalt  }
0x40: {  	_ =	shalt  }
0x41: {  	_ =	shalt  }
0x42: {  	_ =	shalt  }
0x43: {  	_ =	shalt  }
0x44: {  	_ =	shalt  }
0x45: {  	_ =	shalt  }
0x46: {  	_ =	shalt  }
0x47: {  	_ =	shalt  }
0x48: {  	_ =	shalt  }
0x49: {  	_ =	shalt  }
0x4a: {  	_ =	shalt  }
0x4b: {  	_ =	shalt  }
0x4c: {  	_ =	shalt  }
0x4d: {  	_ =	shalt  }
0x4e: {  	_ =	shalt  }
0x4f: {  	_ =	shalt  }
0x50: {  	_ =	shalt  }
0x51: {  	_ =	shalt  }
0x52: {  	_ =	shalt  }
0x53: {  	_ =	shalt  }
0x54: {  	_ =	shalt  }
0x55: {  	_ =	shalt  }
0x56: {  	_ =	shalt  }
0x57: {  	_ =	shalt  }
0x58: {  	_ =	shalt  }
0x59: {  	_ =	shalt  }
0x5a: {  	_ =	shalt  }
0x5b: {  	_ =	shalt  }
0x5c: {  	_ =	shalt  }
0x5d: {  	_ =	shalt  }
0x5e: {  	_ =	shalt  }
0x5f: {  	_ =	shalt  }
0x60: {  	_ =	shalt  }
0x61: {  	_ =	shalt  }
0x62: {  	_ =	shalt  }
0x63: {  	_ =	shalt  }
0x64: {  	_ =	shalt  }
0x65: {  	_ =	shalt  }
0x66: {  	_ =	shalt  }
0x67: {  	_ =	shalt  }
0x68: {  	_ =	shalt  }
0x69: {  	_ =	shalt  }
0x6a: {  	_ =	shalt  }
0x6b: {  	_ =	shalt  }
0x6c: {  	_ =	shalt  }
0x6d: {  	_ =	shalt  }
0x6e: {  	_ =	shalt  }
0x6f: {  	_ =	shalt  }
0x70: {  	_ =	shalt  }
0x71: {  	_ =	shalt  }
0x72: {  	_ =	shalt  }
0x73: {  	_ =	shalt  }
0x74: {  	_ =	shalt  }
0x75: {  	_ =	shalt  }
0x76: {  	_ =	shalt  }
0x77: {  	_ =	shalt  }
0x78: {  	_ =	shalt  }
0x79: {  	_ =	shalt  }
0x7a: {  	_ =	shalt  }
0x7b: {  	_ =	shalt  }
0x7c: {  	_ =	shalt  }
0x7d: {  	_ =	shalt  }
0x7e: {  	_ =	shalt  }
0x7f: {  	_ =	shalt  }
0x80: {  	_ =	shalt  }
0x81: {  	_ =	shalt  }
0x82: {  	_ =	shalt  }
0x83: {  	_ =	shalt  }
0x84: {  	_ =	shalt  }
0x85: {  	_ =	shalt  }
0x86: {  	_ =	shalt  }
0x87: {  	_ =	shalt  }
.Lfunc_end0:
.L_simem_size_0:
called_computation_lowered:
.L_overlay_start_0:
0x88: {  	s2 =	sld [smem:$0x3FD9]  }
0x89: {  	s3 =	sld [smem:$0x3FFE];
	_ =	sdelay $0x1  }
0x8a: {  	s1 =	srdreg.scid  }
0x8b: {  	s0 =	sand.u32 $0x1, s1  }
0x8c: {  	s17 =	sshll.u32 s0, $0xA;
	s2 =	sadd.s32 s3, s2  }
0x8d: {  	s2 =	sadd.s32 s2, s17  }
0x8e: {  	[smem:$0x3FC6] =	sst s2  }
0x8f: {  	_ = 	snop  }
0x90: {  	s2 =	sld [smem:$0x3FC8]  }
0x91: {  	s18 =	sld [smem:$0x3FD0];
	(tm) =	ssettm $0x1  }
0x92: {  	s4 =	sld [smem:$0x3FFB];
	_ =	sdelay $0x3  }
0x93: {  	_ =	strace s4  }
0x94: {  	s4 =	sld [smem:$0x3FFC];
	_ =	sdelay $0x3  }
0x95: {  	_ =	strace s4  }
0x96: {  	s4 =	sld [smem:$0x3FFD];
	_ =	sdelay $0x3  }
0x97: {  	_ =	strace s4  }
0x98: {  	_ =	strace $0x8FFFFFFF  }
0x99: {  	s19 =	sld [smem:$0x3FDB];
	_ =	sdelay $0x1  }
0x9a: {  	s5 =	simm.s32 $_scs_section_size  }
0x9b: {  	s6 =	simm.s32 $_size__tile_overlayer_lowered;
	s7 =	simm.s32 $_tile_overlayer_lowered  }
0x9c: {  	s22 =	simm.s32 $0x1BFF;
	s21 =	sshll.u32 s7, $0x1;
	s4 =	sadd.s32 s5, s19  }
0x9d: {  	s8 =	simm.s32 $0x0;
	s20 =	sshll.u32 s6, $0x1;
	s6 =	sadd.s32 s21, s4  }
0x9e: {  	[timem:s8], [sflag:s22] =	dma.local [hbm:s6], s20  }
0x9f: {  	_ =	swait.ge [sflag:s22], s20  }
0xa0: {  	s5 =	ssub.s32 $0x0, s20;
	[sflag:s22] =	ssyncset.done $0x0  }
0xa1: {  	[sflag:s22] =	ssyncadd.s32 s5;
	_ =	sdelay $0x1  }
0xa2: {  	s23 =	simm.s32 $0x1B8B  }
0xa3: {  	_ =	swait.ge [sflag:s23], $0x1  }
0xa4: {  	[sflag:s23] =	ssyncset.done $0x0  }
0xa5: {  	s25 =	simm.s32 $0x1B8E;
	s24 =	sld [smem:$0x3FFE];
	[sflag:s23] =	ssyncadd.s32 $0xFFFFFFFF  }
0xa6: {  	s26 =	simm.s32 $execute0_lowered;
	[smem:$0x3FD2] =	sst s25  }
0xa7: {  	s6 =	sshll.u32 s26, $0x1;
	_ =	strace $0x80000046;
	[dreg:$0x1] =	wrdreg $0xFFFFFFFF  }
0xa8: {  	s28 =	simm.s32 $_size_execute0_lowered;
	s4 =	sadd.s32 s4, s6;
	[dreg:$0x0] =	wrdreg $0x0  }
0xa9: {  	s6 =	sshll.u32 s28, $0x1;
	[dreg:$0x2] =	wrdreg s4  }
0xaa: {  	[dreg:$0x3] =	wrdreg s6  }
0xab: {  	[dreg:$0x4] =	wrdreg $0xC0  }
0xac: {  	_ =	task [dreg:s8], $0x5FFFF  }
0xad: {  	[dreg:$0x1] =	wrdreg $0xFFFFFFFF  }
0xae: {  	[dreg:$0x0] =	wrdreg $0x60  }
0xaf: {  	[dreg:$0x2] =	wrdreg s2  }
0xb0: {  	[dreg:$0x3] =	wrdreg s18  }
0xb1: {  	[dreg:$0x4] =	wrdreg s24  }
0xb2: {  	[dreg:$0x5] =	wrdreg $0x9  }
0xb3: {  	_ =	task.clear_ibuf [dreg:s8], $0x6FFFF;
	_ =	strace $0x90000046  }
0xb4: {  	s29 =	simm.s32 $0x9;
	_ =	strace $0x80000048  }
0xb5: {  	_ =	swait.ge [sflag:s29], $0x1  }
0xb6: {  	[sflag:s29] =	ssyncadd.s32 $0xFFFFFFFF  }
0xb7: {  	_ =	strace $0x90000048  }
0xb8: {  	_ =	sfence  }
0xb9: {  	s30 =	sld [smem:$0x0];
	_ =	sdelay $0x2  }
0xba: {  	s31 =	sshll.u32 s1, $0xD;
	s1 =	sshrl.u32 s1, $0x2  }
0xbb: {  	s3 =	sand.u32 $0x4000, s31;
	s1 =	sadd.s32 s1, s30  }
0xbc: {  	s0 =	sor.u32 s3, s0;
	s1 =	sshll.u32 s1, $0x11  }
0xbd: {  	s0 =	sor.u32 s1, s0  }
0xbe: {  	s0 =	sadd.s32 $0x8F2B, s0  }
0xbf: {  	[sflag:s0] =	ssyncadd.remote.s32 $0x1  }
0xc0: {  	_ =	sfence.sel $0xFFFF  }
0xc1: {  	[dreg:$0x0] =	wrdreg $0xFFFFFFFF;
	(pc) =	sbr.abs _section_cstart, $3  }
0xc2: {  	[dreg:$0x1] =	wrdreg $0xFFFFFFFF  }
0xc3: {  	_ =	task.clear_ibuf [dreg:s8], $0x2FFFF;
	_ =	strace $0x9FFFFFFF  }
0xc4: {  	(tm) =	ssettm $0x7FFFFFFF  }
0xc5: {  	_ =	shalt  }
tec
execute0_lowered:
.L_overlay_start_1:
0x0: {  	(tag) =	ssettag $0x1  }
0x1: {  	v0 =	vimm.s32 $0xF80  }
0x2: {  	vm14 =	vcmask $0x300;
	vm13 =	vcmask $0x704;
	vm12 =	vcmask $0xB08  }
0x3: {  	vm11 =	vcmask $0xF0C;
	vm10 =	vcmask $0x1310;
	vm9 =	vcmask $0x1714  }
0x4: {  	vm8 =	vcmask $0x1B18;
	vm7 =	vcmask $0x1F1C;
	vm6 =	vcmask $0x2320  }
0x5: {  	vm5 =	vcmask $0x2724;
	vm4 =	vcmask $0x2B28;
	vm3 =	vcmask $0x2F2C  }
0x6: {  	vm2 =	vcmask $0x3330;
	vm1 =	vcmask $0x3734;
	vm0 =	vcmask $0x3B38  }
0x7: {  	v1 =	vimm.s32 $0x2780;
	v2 =	vimm.s32 $0x3F80;
	v3 =	vimm.s32 $0x5780  }
0x8: {  	v0 =	vsel vm14, $0x0, v0;
	v1 =	vsel vm14, $0x1800, v1;
	v2 =	vsel vm14, $0x3000, v2  }
0x9: {  	v3 =	vsel vm14, $0x4800, v3;
	v0 =	vsel vm13, $0x80, v0;
	v1 =	vsel vm13, $0x1880, v1  }
0xa: {  	v2 =	vsel vm13, $0x3080, v2;
	v3 =	vsel vm13, $0x4880, v3;
	v0 =	vsel vm12, $0x100, v0  }
0xb: {  	v1 =	vsel vm12, $0x1900, v1;
	v2 =	vsel vm12, $0x3100, v2;
	v3 =	vsel vm12, $0x4900, v3  }
0xc: {  	s0 =	rddreg [dreg:$0x0];
	v0 =	vsel vm11, $0x180, v0;
	v1 =	vsel vm11, $0x1980, v1;
	v2 =	vsel vm11, $0x3180, v2  }
0xd: {  	s1 =	rddreg [dreg:$0x2];
	v3 =	vsel vm11, $0x4980, v3;
	v0 =	vsel vm10, $0x200, v0;
	v1 =	vsel vm10, $0x1A00, v1  }
0xe: {  	s2 =	srdreg.scid;
	s6 =	stileid.u32;
	v2 =	vsel vm10, $0x3200, v2;
	v3 =	vsel vm10, $0x4A00, v3;
	v0 =	vsel vm9, $0x280, v0  }
0xf: {  	s3 =	simm.s32 $0x0;
	s2 =	sand.u32 $0x1, s2;
	s4 =	sshll.u32 s6, $0x1;
	v1 =	vsel vm9, $0x1A80, v1;
	v2 =	vsel vm9, $0x3280, v2;
	v3 =	vsel vm9, $0x4A80, v3  }
0x10: {  	[smem:$0x7FF] =	sst s3;
	s4 =	sor.u32 s2, s4;
	v0 =	vsel vm8, $0x300, v0;
	v1 =	vsel vm8, $0x1B00, v1;
	v2 =	vsel vm8, $0x3300, v2  }
0x11: {  	s5 =	sadd.s32 $0x800, s1;
	s1 =	sadd.s32 $0x7A1800, s1;
	s7 =	sshll.u32 s4, $0x8;
	v3 =	vsel vm8, $0x4B00, v3;
	v0 =	vsel vm7, $0x380, v0;
	v1 =	vsel vm7, $0x1B80, v1  }
0x12: {  	_ =	strace $0x80000047;
	[dreg:$0x5] =	wrdreg s1;
	s8 =	sadd.s32 s0, s7;
	v2 =	vsel vm7, $0x3380, v2;
	v3 =	vsel vm7, $0x4B80, v3;
	v0 =	vsel vm6, $0xC00, v0  }
0x13: {  	s23 =	sadd.s32 $0x1E8500, s8;
	[dreg:$0x4] =	wrdreg s8;
	v1 =	vsel vm6, $0x2400, v1;
	v2 =	vsel vm6, $0x3C00, v2;
	v3 =	vsel vm6, $0x5400, v3  }
0x14: {  	s2 =	ssub.s32 $0x2, s2;
	s25 =	sadd.s32 $0x2DC780, s8;
	[dreg:$0x6] =	wrdreg s23;
	v0 =	vsel vm5, $0xC80, v0;
	v1 =	vsel vm5, $0x2480, v1;
	v2 =	vsel vm5, $0x3C80, v2  }
0x15: {  	s22 =	sshrl.u32 s2, $0x1;
	s26 =	sadd.s32 $0x3D0A00, s8;
	[dreg:$0x7] =	wrdreg s25;
	v3 =	vsel vm5, $0x5480, v3;
	v0 =	vsel vm4, $0xD00, v0;
	v1 =	vsel vm4, $0x2500, v1  }
0x16: {  	s24 =	ssub.s32 s2, s22;
	s28 =	sadd.s32 $0x4C4C80, s8;
	[dreg:$0x8] =	wrdreg s26;
	v2 =	vsel vm4, $0x3D00, v2;
	v3 =	vsel vm4, $0x5500, v3;
	v0 =	vsel vm3, $0xD80, v0  }
.Ltmp0:
0x17: {  	s29 =	sadd.s32 $0x5B8F00, s8;
	[dreg:$0x9] =	wrdreg s28;
	v1 =	vsel vm3, $0x2580, v1;
	v2 =	vsel vm3, $0x3D80, v2;
	v3 =	vsel vm3, $0x5580, v3;
	(pc) =	sbr.rel .LBB2_1-.Ltmp0, $4  }
0x18: {  	s9 =	simm.s32 $0x6000;
	s1 =	smax.u32 s24, $0x1;
	[dreg:$0xa] =	wrdreg s29;
	v0 =	vsel vm2, $0xE00, v0;
	v1 =	vsel vm2, $0x2600, v1;
	v2 =	vsel vm2, $0x3E00, v2  }
0x19: {  	p0 =	sne.s32 s6, $0x0;
	s30 =	sadd.s32 $0xF4280, s8;
	[dreg:$0xb] =	wrdreg s1;
	v3 =	vsel vm2, $0x5600, v3;
	v0 =	vsel vm1, $0xE80, v0;
	v1 =	vsel vm1, $0x2680, v1  }
0x1a: {  	s11 =	sor.u32 $0x40, s4;
	s31 =	sadd.s32 $0x6AD180, s8;
	[dreg:$0xc] =	wrdreg s30;
	v2 =	vsel vm1, $0x3E80, v2;
	v3 =	vsel vm1, $0x5680, v3;
	v0 =	vsel vm0, $0xF00, v0  }
0x1b: {  	p1 =	sne.s32 s4, $0x0;
	s2 =	simm.s32 $0x0;
	[dreg:$0xd] =	wrdreg s31;
	v1 =	vsel vm0, $0x2700, v1;
	v2 =	vsel vm0, $0x3F00, v2;
	v3 =	vsel vm0, $0x5700, v3  }
.LBB2_11:
0x1c: {  	s1 =	simm.s32 @!p0 $0x3  }
0x1d: {  	_ =	swait.ge @!p0 [sflag:s1], $0x4000  }
0x1e: {  	[sflag:s1] =	ssyncset.done @!p0 $0x0  }
0x1f: {  	[sflag:s1] =	ssyncadd.s32 @!p0 $0xFFFFC000  }
0x20: {  	s2 =	simm.s32 @!p1 $0x1C000;
	s1 =	simm.s32 @!p1 $0x0;
	s6 =	rddreg [dreg:$0x1]  }
0x21: {  	[tilespmem:s2], [sflag:$0x5] =	stream.linear.gather @!p1 [hbm4b:s6+s1], $0x1000, $0x38;
	[tilespmem:$0x1D000] =	vst v63  }
0x22: {  	s6 =	simm.s32 @!p1 $0x5  }
0x23: {  	_ =	swait.ge @!p1 [sflag:s6], $0x1000  }
0x24: {  	[sflag:s6] =	ssyncset.done @!p1 $0x0  }
0x25: {  	s7 =	rddreg [dreg:$0x5];
	[sflag:s6] =	ssyncadd.s32 @!p1 $0xFFFFF000  }
0x26: {  	[hbm4b:s7+s1] =	stream.linear.scatter @!p1 [tilespmem:s2], [sflag:$0x5], $0x1000, $0x38;
	[tilespmem:$0x1D000] =	vst v63  }
0x27: {  	_ =	swait.ge @!p1 [sflag:s6], $0x1000  }
0x28: {  	s30 =	rddreg [dreg:$0xe]  }
0x29: {  	s31 =	rddreg [dreg:$0xb];
	s2 =	sadd.s32 $0x1, s30  }
0x2a: {  	p2 =	sne.s32 s2, s31  }
.Ltmp1:
0x2b: {  	_ = 	snop;
	(pc) =	sbr.rel @!p2 .LBB2_12-.Ltmp1, $3  }
0x2c: {  	_ =	sdelay $0x1  }
0x2d: {  	[sflag:s6] =	ssyncset.done @!p1 $0x0  }
0x2e: {  	[sflag:s6] =	ssyncadd.s32 @!p1 $0xFFFFF000  }
.LBB2_1:
0x2f: {  	s1 =	rddreg [dreg:$0x4]  }
0x30: {  	[tilespmem:s3], [sflag:$0x1] =	stream.linear.gather [hbm4b:s1+s3], $0x800, $0x38;
	[tilespmem:$0x1D000] =	vst v63  }
0x31: {  	s17 =	rddreg [dreg:$0xc];
	s18 =	simm.s32 $0xC00  }
0x32: {  	[tilespmem:s18], [sflag:$0x1] =	stream.linear.gather [hbm4b:s17+s3], $0x800, $0x38;
	[tilespmem:$0x1D000] =	vst v63  }
0x33: {  	s19 =	rddreg [dreg:$0x6];
	s20 =	simm.s32 $0x1800  }
0x34: {  	[tilespmem:s20], [sflag:$0x1] =	stream.linear.gather [hbm4b:s19+s3], $0x800, $0x38;
	[tilespmem:$0x1D000] =	vst v63  }
0x35: {  	s21 =	rddreg [dreg:$0x7];
	s22 =	simm.s32 $0x2400  }
0x36: {  	[tilespmem:s22], [sflag:$0x1] =	stream.linear.gather [hbm4b:s21+s3], $0x800, $0x38;
	[tilespmem:$0x1D000] =	vst v63  }
0x37: {  	s23 =	rddreg [dreg:$0x8];
	s24 =	simm.s32 $0x3000  }
0x38: {  	[tilespmem:s24], [sflag:$0x1] =	stream.linear.gather [hbm4b:s23+s3], $0x800, $0x38;
	[tilespmem:$0x1D000] =	vst v63  }
0x39: {  	s25 =	rddreg [dreg:$0x9];
	s26 =	simm.s32 $0x3C00  }
0x3a: {  	[tilespmem:s26], [sflag:$0x1] =	stream.linear.gather [hbm4b:s25+s3], $0x800, $0x38;
	[tilespmem:$0x1D000] =	vst v63  }
.Ltmp2:
0x3b: {  	[dreg:$0xe] =	wrdreg s2;
	(pc) =	sbr.rel .LBB2_2-.Ltmp2, $4  }
0x3c: {  	s28 =	rddreg [dreg:$0xa];
	s29 =	simm.s32 $0x4800  }
0x3d: {  	[tilespmem:s29], [sflag:$0x1] =	stream.linear.gather [hbm4b:s28+s3], $0x800, $0x38;
	[tilespmem:$0x1D000] =	vst v63  }
0x3e: {  	s30 =	rddreg [dreg:$0xd];
	s31 =	simm.s32 $0x5400;
	s18 =	simm.s32 $0x0  }
0x3f: {  	[tilespmem:s31], [sflag:$0x1] =	stream.linear.gather [hbm4b:s30+s3], $0x800, $0x38;
	[tilespmem:$0x1D000] =	vst v63  }
.LBB2_10:
0x40: {  	s18 =	sadd.s32 $0x1, s18  }
0x41: {  	p2 =	sne.s32 s18, $0x3E  }
.Ltmp3:
0x42: {  	_ = 	snop;
	(pc) =	sbr.rel @!p2 .LBB2_11-.Ltmp3, $1  }
0x43: {  	_ =	sdelay $0x3  }
.LBB2_2:
0x44: {  	s20 =	sshll.u32 s18, $0x6  }
0x45: {  	s21 =	sor.u32 s4, s20  }
0x46: {  	s19 =	sor.u32 $0x20, s21  }
0x47: {  	p2 =	sgt.u32 s19, $0xF41  }
0x48: {  	s1 =	sshll.u32 @!p2 s19, $0x8  }
0x49: {  	s2 =	simm.s32 @!p2 $0x0;
	s6 =	simm.s32 @!p2 $0x6000;
	s1 =	sadd.s32 @!p2 s0, s1  }
0x4a: {  	[tilespmem:s6], [sflag:$0x2] =	stream.linear.gather @!p2 [hbm4b:s1+s2], $0x800, $0x38;
	[tilespmem:$0x1D000] =	vst v63  }
0x4b: {  	s7 =	simm.s32 @!p2 $0x6C00;
	s6 =	sadd.s32 @!p2 $0xF4280, s1  }
0x4c: {  	[tilespmem:s7], [sflag:$0x2] =	stream.linear.gather @!p2 [hbm4b:s6+s2], $0x800, $0x38;
	[tilespmem:$0x1D000] =	vst v63  }
0x4d: {  	s6 =	sadd.s32 @!p2 $0x1E8500, s1;
	s7 =	simm.s32 @!p2 $0x7800  }
0x4e: {  	[tilespmem:s7], [sflag:$0x2] =	stream.linear.gather @!p2 [hbm4b:s6+s2], $0x800, $0x38;
	[tilespmem:$0x1D000] =	vst v63  }
0x4f: {  	s6 =	sadd.s32 @!p2 $0x2DC780, s1;
	s7 =	simm.s32 @!p2 $0x8400  }
0x50: {  	[tilespmem:s7], [sflag:$0x2] =	stream.linear.gather @!p2 [hbm4b:s6+s2], $0x800, $0x38;
	[tilespmem:$0x1D000] =	vst v63  }
0x51: {  	s6 =	sadd.s32 @!p2 $0x3D0A00, s1;
	s7 =	simm.s32 @!p2 $0x9000  }
0x52: {  	[tilespmem:s7], [sflag:$0x2] =	stream.linear.gather @!p2 [hbm4b:s6+s2], $0x800, $0x38;
	[tilespmem:$0x1D000] =	vst v63  }
0x53: {  	s6 =	sadd.s32 @!p2 $0x4C4C80, s1;
	s7 =	simm.s32 @!p2 $0x9C00  }
0x54: {  	[tilespmem:s7], [sflag:$0x2] =	stream.linear.gather @!p2 [hbm4b:s6+s2], $0x800, $0x38;
	[tilespmem:$0x1D000] =	vst v63  }
0x55: {  	s6 =	sadd.s32 @!p2 $0x5B8F00, s1;
	s7 =	simm.s32 @!p2 $0xA800  }
0x56: {  	[tilespmem:s7], [sflag:$0x2] =	stream.linear.gather @!p2 [hbm4b:s6+s2], $0x800, $0x38;
	[tilespmem:$0x1D000] =	vst v63  }
0x57: {  	p4 =	sgt.u32 s21, $0xF41;
	s1 =	sadd.s32 @!p2 $0x6AD180, s1;
	s6 =	simm.s32 @!p2 $0xB400  }
0x58: {  	[tilespmem:s6], [sflag:$0x2] =	stream.linear.gather @!p2 [hbm4b:s1+s2], $0x800, $0x38;
	[tilespmem:$0x1D000] =	vst v63  }
.Ltmp4:
0x59: {  	p3 =	seq.s32 s18, $0x0;
	(pc) =	sbr.rel @p4 .LBB2_6-.Ltmp4, $4  }
0x5a: {  	s1 =	simm.s32 @!p3 $0x3  }
0x5b: {  	_ =	swait.ge @!p3 [sflag:s1], $0x4000  }
0x5c: {  	[sflag:s1] =	ssyncset.done @!p3 $0x0  }
0x5d: {  	[sflag:s1] =	ssyncadd.s32 @!p3 $0xFFFFC000  }
0x5e: {  	s1 =	simm.s32 $0x6  }
0x5f: {  	v4 =	vmov s1  }
0x60: {  	v5 =	vshll.u32 v4, $0x3  }
0x61: {  	s13 =	simm.s32 $0x2;
	v4 =	vand.u32 $0x7E, v4;
	v5 =	vand.u32 $0x400, v5  }
0x62: {  	v6 =	vmov s13;
	v4 =	vor.u32 v4, v5  }
0x63: {  	v5 =	vshll.u32 v6, $0x3;
	v7 =	vadd.s32 v0, v4  }
0x64: {  	s14 =	simm.s32 $0x1;
	v6 =	vand.u32 $0x7A, v6;
	v5 =	vand.u32 $0x400, v5  }
0x65: {  	_ =	swait.ge [sflag:s14], $0x4000;
	v5 =	vor.u32 v6, v5  }
0x66: {  	[sflag:s14] =	ssyncset.done $0x0;
	v6 =	vadd.s32 v0, v5  }
0x67: {  	s15 =	simm.s32 $0x0;
	s2 =	simm.s32 $0x4;
	[sflag:s14] =	ssyncadd.s32 $0xFFFFC000  }
0x68: {  	v8 =	vmov s15;
	v9 =	vmov s2;
	v10 =	vld.idx.msk [tilespmem:v7+s3+$0x0], $0xffff  }
0x69: {  	v11 =	vshll.u32 v9, $0x3;
	v7 =	vshll.u32 v8, $0x3  }
0x6a: {  	v12 =	vand.u32 $0x400, v7;
	v7 =	vand.u32 $0x7C, v9;
	v9 =	vand.u32 $0x400, v11  }
0x6b: {  	s16 =	simm.s32 $0x0;
	s17 =	simm.s32 $0x180;
	v8 =	vand.u32 $0x78, v8;
	v7 =	vor.u32 v7, v9;
	v6 =	vld.idx.msk [tilespmem:v6+s3+$0x0], $0xffff;
	v9 =	vadd.s32 v1, v4  }
0x6c: {  	s6 =	simm.s32 $0x1;
	s22 =	simm.s32 $0x80;
	s1 =	sand.u32 $0x7800, s16;
	v8 =	vor.u32 v8, v12;
	v11 =	vadd.s32 v0, v7  }
0x6d: {  	s2 =	sand.u32 $0x380, s17;
	v14 =	vmov s6;
	s6 =	simm.s32 $0xE;
	s1 =	sadd.s32 $0xC000, s1;
	v12 =	vadd.s32 v0, v8;
	v10 =	vmul.f32 $8.000000000e+00, v10  }
0x6e: {  	v22 =	vmov s6;
	s12 =	sor.u32 s2, s1;
	s2 =	sand.u32 $0x280, s22;
	s22 =	simm.s32 $0x9;
	v13 =	vadd.s32 v1, v5  }
0x6f: {  	v24 =	vshll.u32 v22, $0x3;
	v29 =	vmov s22;
	v16 =	vadd.s32 v2, v4;
	[tilespmem:s12+$0x0] =	vst v10  }
0x70: {  	v30 =	vand.u32 $0x79, v29;
	v10 =	vshll.u32 v14, $0x3;
	v6 =	vmul.f32 $8.000000000e+00, v6;
	v9 =	vld.idx.msk [tilespmem:v9+s3+$0x0], $0xffff  }
0x71: {  	s7 =	sor.u32 s2, s1;
	v4 =	vadd.s32 v3, v4;
	v14 =	vand.u32 $0x79, v14;
	v11 =	vld.idx.msk [tilespmem:v11+s3+$0x0], $0xffff;
	v10 =	vand.u32 $0x400, v10  }
0x72: {  	s23 =	simm.s32 $0x3;
	s10 =	simm.s32 $0x5;
	v29 =	vshll.u32 v29, $0x3;
	v28 =	vadd.s32 v3, v8;
	v12 =	vld.idx.msk [tilespmem:v12+s3+$0x0], $0xffff;
	v18 =	vor.u32 v14, v10;
	[tilespmem:s7+$0x0] =	vst v6  }
0x73: {  	s8 =	simm.s32 $0x0;
	v10 =	vmov s23;
	v14 =	vmov s10;
	v6 =	vadd.s32 v1, v8;
	v13 =	vld.idx.msk [tilespmem:v13+s3+$0x0], $0xffff  }
0x74: {  	s10 =	sand.u32 $0x200, s8;
	v15 =	vshll.u32 v14, $0x3;
	v17 =	vshll.u32 v10, $0x3;
	v14 =	vand.u32 $0x7D, v14  }
0x75: {  	v10 =	vand.u32 $0x7B, v10;
	s15 =	sor.u32 s10, s1;
	s10 =	simm.s32 $0xF;
	v15 =	vand.u32 $0x7FFFFC00, v15;
	v9 =	vmul.f32 $8.000000000e+00, v9  }
0x76: {  	v35 =	vadd.s32 v0, v18;
	v37 =	vmov s10;
	v19 =	vor.u32 v14, v15  }
0x77: {  	v14 =	vand.u32 $0x7FFFFC00, v17;
	v15 =	vadd.s32 v1, v7;
	v11 =	vmul.f32 $8.000000000e+00, v11;
	[tilespmem:s12+$0x10] =	vst v9  }
0x78: {  	s24 =	simm.s32 $0xA;
	s25 =	simm.s32 $0x7;
	v17 =	vadd.s32 v2, v5;
	v12 =	vmul.f32 $8.000000000e+00, v12;
	v9 =	vmul.f32 $8.000000000e+00, v13;
	v13 =	vld.idx.msk [tilespmem:v16+s3+$0x0], $0xffff  }
0x79: {  	v21 =	vor.u32 v10, v14;
	v10 =	vmov s24;
	v14 =	vmov s25  }
0x7a: {  	s26 =	simm.s32 $0x8;
	v34 =	vadd.s32 v0, v19;
	v20 =	vshll.u32 v10, $0x3;
	v10 =	vand.u32 $0x7A, v10  }
0x7b: {  	s13 =	simm.s32 $0x100;
	v26 =	vshll.u32 v14, $0x3;
	v20 =	vand.u32 $0x400, v20;
	v16 =	vmov s26  }
0x7c: {  	s14 =	sand.u32 $0x300, s13;
	v10 =	vor.u32 v10, v20;
	v20 =	vand.u32 $0x7E, v22;
	v22 =	vand.u32 $0x400, v24  }
0x7d: {  	s16 =	simm.s32 $0xC;
	s13 =	sor.u32 s14, s1;
	[tilespmem:s15+$0x0] =	vst v12;
	v25 =	vadd.s32 v0, v10;
	v20 =	vor.u32 v20, v22;
	v13 =	vmul.f32 $8.000000000e+00, v13  }
0x7e: {  	v12 =	vmov s16;
	[tilespmem:s13+$0x0] =	vst v11;
	v23 =	vshll.u32 v16, $0x3;
	v22 =	vadd.s32 v0, v20  }
0x7f: {  	s17 =	simm.s32 $0x400;
	v6 =	vld.idx.msk [tilespmem:v6+s3+$0x0], $0xffff;
	v16 =	vand.u32 $0x78, v16;
	v11 =	vand.u32 $0x400, v23;
	v23 =	vshll.u32 v12, $0x3;
	[tilespmem:s12+$0x20] =	vst v13  }
0x80: {  	s23 =	simm.s32 $0x280;
	s1 =	sand.u32 $0x7800, s17;
	v12 =	vand.u32 $0x7C, v12;
	v11 =	vor.u32 v16, v11;
	v16 =	vand.u32 $0x400, v23;
	v4 =	vld.idx.msk [tilespmem:v4+s3+$0x0], $0xffff  }
0x81: {  	s2 =	sadd.s32 $0xC000, s1;
	s24 =	sand.u32 $0x280, s23;
	v15 =	vld.idx.msk [tilespmem:v15+s3+$0x0], $0xffff;
	[tilespmem:s7+$0x10] =	vst v9;
	v9 =	vand.u32 $0x7F, v14;
	v24 =	vor.u32 v12, v16;
	v12 =	vand.u32 $0x7FFFFC00, v26  }
0x82: {  	v47 =	vadd.s32 v1, v19;
	s22 =	sor.u32 s24, s2;
	s24 =	simm.s32 $0x16;
	v23 =	vadd.s32 v0, v24;
	v14 =	vld.idx.msk [tilespmem:v25+s3+$0x0], $0xffff;
	v25 =	vor.u32 v9, v12  }
0x83: {  	v38 =	vmov s24;
	v9 =	vadd.s32 v3, v5;
	v5 =	vadd.s32 v0, v25;
	v22 =	vld.idx.msk [tilespmem:v22+s3+$0x0], $0xffff  }
0x84: {  	s25 =	simm.s32 $0x380;
	v36 =	vadd.s32 v0, v21;
	v40 =	vshll.u32 v38, $0x3;
	v12 =	vadd.s32 v2, v7  }
0x85: {  	s6 =	sand.u32 $0x380, s25;
	s16 =	simm.s32 $0x300;
	v27 =	vadd.s32 v1, v10;
	v13 =	vadd.s32 v0, v11;
	v4 =	vmul.f32 $8.000000000e+00, v4  }
0x86: {  	s23 =	sor.u32 s6, s2;
	s6 =	sand.u32 $0x300, s16;
	v17 =	vld.idx.msk [tilespmem:v17+s3+$0x0], $0xffff;
	v16 =	vadd.s32 v2, v8;
	v8 =	vadd.s32 v1, v20;
	v15 =	vmul.f32 $8.000000000e+00, v15  }
0x87: {  	v33 =	vadd.s32 v2, v10;
	s10 =	sor.u32 s6, s2;
	v54 =	vand.u32 $0x400, v40;
	s6 =	simm.s32 $0x15;
	v6 =	vmul.f32 $8.000000000e+00, v6;
	v23 =	vld.idx.msk [tilespmem:v23+s3+$0x0], $0xffff;
	[tilespmem:s12+$0x30] =	vst v4  }
0x88: {  	v32 =	vadd.s32 v2, v20;
	v53 =	vmov s6;
	[tilespmem:s13+$0x10] =	vst v15;
	v31 =	vld.idx.msk [tilespmem:v5+s3+$0x0], $0xffff;
	v5 =	vmul.f32 $8.000000000e+00, v22  }
0x89: {  	s8 =	simm.s32 $0xB;
	v44 =	vshll.u32 v53, $0x3;
	v20 =	vadd.s32 v3, v20;
	[tilespmem:s15+$0x10] =	vst v6;
	v14 =	vmul.f32 $8.000000000e+00, v14;
	v12 =	vld.idx.msk [tilespmem:v12+s3+$0x0], $0xffff  }
0x8a: {  	v42 =	vadd.s32 v2, v24;
	v26 =	vadd.s32 v2, v25;
	v6 =	vmov s8;
	s8 =	simm.s32 $0x13;
	v13 =	vld.idx.msk [tilespmem:v13+s3+$0x0], $0xffff;
	[tilespmem:s23+$0x0] =	vst v5  }
0x8b: {  	s26 =	simm.s32 $0xD;
	v17 =	vmul.f32 $8.000000000e+00, v17;
	v43 =	vmov s8;
	[tilespmem:s22+$0x0] =	vst v14;
	v4 =	vand.u32 $0x400, v29;
	v8 =	vld.idx.msk [tilespmem:v8+s3+$0x0], $0xffff  }
0x8c: {  	v29 =	vmov s26;
	v15 =	vmul.f32 $8.000000000e+00, v23;
	v23 =	vadd.s32 v1, v25;
	v22 =	vld.idx.msk [tilespmem:v27+s3+$0x0], $0xffff  }
0x8d: {  	v4 =	vor.u32 v30, v4;
	v14 =	vshll.u32 v29, $0x3;
	v27 =	vand.u32 $0x7D, v29;
	v29 =	vld.idx.msk [tilespmem:v16+s3+$0x0], $0xffff  }
0x8e: {  	v30 =	vadd.s32 v1, v11;
	v16 =	vshll.u32 v6, $0x3;
	v14 =	vand.u32 $0x7FFFFC00, v14  }
0x8f: {  	v6 =	vand.u32 $0x7B, v6;
	v12 =	vmul.f32 $8.000000000e+00, v12;
	v5 =	vor.u32 v27, v14  }
0x90: {  	s25 =	simm.s32 $0x14;
	v14 =	vand.u32 $0x7FFFFC00, v16;
	v27 =	vadd.s32 v1, v24;
	v8 =	vmul.f32 $8.000000000e+00, v8  }
0x91: {  	v13 =	vmul.f32 $8.000000000e+00, v13;
	[tilespmem:s10+$0x0] =	vst v15;
	v15 =	vmov s25;
	v6 =	vor.u32 v6, v14  }
0x92: {  	s17 =	simm.s32 $0x10;
	v14 =	vmul.f32 $8.000000000e+00, v22;
	v22 =	vmul.f32 $8.000000000e+00, v29;
	v29 =	vadd.s32 v3, v7;
	[tilespmem:s23+$0x10] =	vst v8  }
0x93: {  	v16 =	vadd.s32 v2, v11;
	v7 =	vadd.s32 v3, v10;
	v10 =	vmov s17;
	v32 =	vld.idx.msk [tilespmem:v32+s3+$0x0], $0xffff  }
0x94: {  	[tilespmem:s7+$0x20] =	vst v17;
	v11 =	vadd.s32 v3, v11;
	v31 =	vmul.f32 $8.000000000e+00, v31;
	v39 =	vshll.u32 v10, $0x3  }
0x95: {  	s14 =	simm.s32 $0x12;
	s16 =	simm.s32 $0x200;
	v10 =	vand.u32 $0x78, v10;
	v41 =	vld.idx.msk [tilespmem:v27+s3+$0x0], $0xffff;
	v27 =	vand.u32 $0x7E, v38;
	[tilespmem:s22+$0x10] =	vst v14;
	v39 =	vand.u32 $0x400, v39  }
0x96: {  	s26 =	sand.u32 $0x200, s16;
	[tilespmem:s13+$0x20] =	vst v12;
	v27 =	vor.u32 v27, v54;
	v33 =	vld.idx.msk [tilespmem:v33+s3+$0x0], $0xffff;
	v10 =	vor.u32 v10, v39;
	v8 =	vmov s14  }
0x97: {  	[tilespmem:s12+$0x40] =	vst v31;
	v56 =	vadd.s32 v0, v27;
	s14 =	sor.u32 s26, s2;
	v17 =	vld.idx.msk [tilespmem:v29+s3+$0x0], $0xffff;
	v29 =	vshll.u32 v37, $0x3;
	v55 =	vshll.u32 v8, $0x3  }
0x98: {  	v23 =	vld.idx.msk [tilespmem:v23+s3+$0x0], $0xffff;
	[tilespmem:s14+$0x0] =	vst v13;
	v8 =	vand.u32 $0x7A, v8;
	v12 =	vand.u32 $0x400, v55;
	v32 =	vmul.f32 $8.000000000e+00, v32  }
0x99: {  	[tilespmem:s15+$0x20] =	vst v22;
	v22 =	vand.u32 $0x7FFFFC00, v29;
	v29 =	vadd.s32 v0, v10;
	v30 =	vld.idx.msk [tilespmem:v30+s3+$0x0], $0xffff;
	v14 =	vor.u32 v8, v12  }
0x9a: {  	v54 =	vand.u32 $0x7FFFFC00, v44;
	v13 =	vshll.u32 v15, $0x3;
	v12 =	vld.idx.msk [tilespmem:v9+s3+$0x0], $0xffff;
	v57 =	vadd.s32 v0, v14;
	[tilespmem:s23+$0x20] =	vst v32  }
0x9b: {  	v8 =	vand.u32 $0x7C, v15;
	v9 =	vand.u32 $0x400, v13;
	v13 =	vld.idx.msk [tilespmem:v20+s3+$0x0], $0xffff;
	v20 =	vand.u32 $0x7F, v37  }
0x9c: {  	v58 =	vmul.f32 $8.000000000e+00, v41;
	v15 =	vor.u32 v8, v9;
	v8 =	vor.u32 v20, v22;
	v20 =	vld.idx.msk [tilespmem:v28+s3+$0x0], $0xffff  }
0x9d: {  	v44 =	vadd.s32 v3, v25;
	v31 =	vadd.s32 v1, v27;
	v45 =	vmul.f32 $8.000000000e+00, v23;
	v40 =	vld.idx.msk [tilespmem:v56+s3+$0x0], $0xffff  }
0x9e: {  	v41 =	vadd.s32 v2, v19;
	[tilespmem:s10+$0x10] =	vst v58;
	v52 =	vadd.s32 v1, v14;
	v17 =	vmul.f32 $8.000000000e+00, v17;
	v63 =	vld.idx.msk [tilespmem:v29+s3+$0x0], $0xffff  }
0x9f: {  	v39 =	vadd.s32 v2, v14;
	[tilespmem:s12+$0x50] =	vst v45;
	v29 =	vadd.s32 v1, v10;
	v59 =	vmul.f32 $8.000000000e+00, v12;
	v60 =	vld.idx.msk [tilespmem:v57+s3+$0x0], $0xffff  }
0xa0: {  	v45 =	vld.idx.msk [tilespmem:v26+s3+$0x0], $0xffff;
	v26 =	vadd.s32 v3, v21;
	[tilespmem:s13+$0x30] =	vst v17;
	v28 =	vmul.f32 $8.000000000e+00, v30;
	v30 =	vmul.f32 $8.000000000e+00, v33  }
0xa1: {  	s2 =	simm.s32 $0x11;
	v58 =	vld.idx.msk [tilespmem:v34+s3+$0x0], $0xffff;
	v34 =	vadd.s32 v2, v27;
	v22 =	vadd.s32 v0, v15;
	[tilespmem:s7+$0x30] =	vst v59;
	v20 =	vmul.f32 $8.000000000e+00, v20  }
0xa2: {  	s28 =	simm.s32 $0x800;
	v12 =	vmov s2;
	v32 =	vadd.s32 v3, v18;
	v61 =	vadd.s32 v0, v8;
	v36 =	vld.idx.msk [tilespmem:v36+s3+$0x0], $0xffff;
	[tilespmem:s22+$0x20] =	vst v30  }
0xa3: {  	s16 =	sand.u32 $0x7800, s28;
	s17 =	simm.s32 $0x480;
	v62 =	vand.u32 $0x79, v12;
	v12 =	vshll.u32 v12, $0x3;
	v30 =	vld.idx.msk [tilespmem:v42+s3+$0x0], $0xffff;
	v13 =	vmul.f32 $8.000000000e+00, v13;
	[tilespmem:s15+$0x30] =	vst v20  }
0xa4: {  	s1 =	sadd.s32 $0xC000, s16;
	s2 =	sand.u32 $0x280, s17;
	v12 =	vand.u32 $0x400, v12;
	v59 =	vadd.s32 v1, v18;
	[tilespmem:s14+$0x10] =	vst v28;
	v17 =	vmul.f32 $8.000000000e+00, v60;
	v55 =	vld.idx.msk [tilespmem:v35+s3+$0x0], $0xffff  }
0xa5: {  	s29 =	simm.s32 $0x580;
	v56 =	vand.u32 $0x7B, v43;
	s16 =	sor.u32 s2, s1;
	v9 =	vadd.s32 v2, v8;
	v12 =	vor.u32 v62, v12;
	v48 =	vld.idx.msk [tilespmem:v16+s3+$0x0], $0xffff;
	[tilespmem:s23+$0x30] =	vst v13  }
0xa6: {  	s24 =	sand.u32 $0x380, s29;
	v49 =	vmul.f32 $8.000000000e+00, v63;
	v42 =	vadd.s32 v2, v18;
	v22 =	vld.idx.msk [tilespmem:v22+s3+$0x0], $0xffff;
	[tilespmem:s16+$0x0] =	vst v17;
	v17 =	vmul.f32 $8.000000000e+00, v40  }
0xa7: {  	s6 =	sor.u32 s24, s1;
	v18 =	vadd.s32 v0, v6;
	v16 =	vadd.s32 v2, v10;
	v62 =	vmul.f32 $8.000000000e+00, v58;
	v37 =	vld.idx.msk [tilespmem:v61+s3+$0x0], $0xffff  }
0xa8: {  	v13 =	vand.u32 $0x7D, v53;
	v63 =	vmul.f32 $8.000000000e+00, v36;
	v40 =	vadd.s32 v2, v21;
	v28 =	vld.idx.msk [tilespmem:v52+s3+$0x0], $0xffff;
	[tilespmem:s6+$0x0] =	vst v17  }
0xa9: {  	v20 =	vshll.u32 v43, $0x3;
	v61 =	vadd.s32 v1, v21;
	v31 =	vld.idx.msk [tilespmem:v31+s3+$0x0], $0xffff;
	v60 =	vmul.f32 $8.000000000e+00, v55  }
0xaa: {  	[tilespmem:s13+$0x40] =	vst v62;
	v13 =	vor.u32 v13, v54;
	v57 =	vand.u32 $0x7FFFFC00, v20;
	v35 =	vadd.s32 v1, v15  }
0xab: {  	s25 =	simm.s32 $0x400;
	v20 =	vadd.s32 v1, v8;
	v21 =	vmul.f32 $8.000000000e+00, v48;
	v17 =	vor.u32 v56, v57;
	[tilespmem:s15+$0x40] =	vst v60  }
0xac: {  	s26 =	simm.s32 $0x500;
	s2 =	sand.u32 $0x200, s25;
	[tilespmem:s7+$0x40] =	vst v63;
	v38 =	vmul.f32 $8.000000000e+00, v22;
	v22 =	vadd.s32 v3, v19;
	v19 =	vadd.s32 v0, v5;
	v46 =	vld.idx.msk [tilespmem:v59+s3+$0x0], $0xffff  }
0xad: {  	s30 =	simm.s32 $0x17;
	s26 =	sand.u32 $0x300, s26;
	s25 =	sor.u32 s2, s1;
	v43 =	vld.idx.msk [tilespmem:v47+s3+$0x0], $0xffff;
	[tilespmem:s14+$0x20] =	vst v21;
	v21 =	vadd.s32 v0, v4;
	v23 =	vmul.f32 $8.000000000e+00, v37;
	v36 =	vmul.f32 $8.000000000e+00, v28  }
0xae: {  	s31 =	simm.s32 $0x8;
	s26 =	sor.u32 s26, s1;
	s2 =	simm.s32 $0x1F;
	[tilespmem:s25+$0x0] =	vst v49;
	v37 =	vadd.s32 v3, v27;
	v47 =	vld.idx.msk [tilespmem:v61+s3+$0x0], $0xffff;
	v28 =	vmul.f32 $8.000000000e+00, v31;
	v31 =	vadd.s32 v3, v24  }
.LBB2_4:
0xaf: {  	s1 =	sadd.s32 $0xFFFFFFF9, s2;
	s17 =	sadd.s32 $0xFFFFFFFB, s2;
	s24 =	sadd.s32 $0xFFFFFFFD, s2;
	v29 =	vld.idx.msk [tilespmem:v29+s3+$0x0], $0xffff;
	[tilespmem:s16+$0x10] =	vst v36;
	v14 =	vadd.s32 v3, v14;
	v48 =	vmov s30;
	v45 =	vmul.f32 $8.000000000e+00, v45;
	v24 =	vmovc v15;
	v25 =	vmovc v8  }
0xb0: {  	s31 =	sadd.s32 $0x4, s31;
	v50 =	vmul.f32 $8.000000000e+00, v30;
	v30 =	vmovc v9;
	v27 =	vmovc v4;
	s30 =	smov.u32 s2;
	v8 =	vmov s1;
	v15 =	vmov s17;
	s1 =	sadd.s32 $0xFFFFFFFF, s2;
	v39 =	vld.idx.msk [tilespmem:v39+s3+$0x0], $0xffff;
	[tilespmem:s6+$0x10] =	vst v28  }
0xb1: {  	v4 =	vmovc v12;
	p4 =	slt.u32 s31, $0x7C;
	v28 =	vmovc v5;
	v9 =	vshll.u32 v8, $0x3;
	v49 =	vmov s1;
	[tilespmem:s26+$0x0] =	vst v38;
	v34 =	vld.idx.msk [tilespmem:v34+s3+$0x0], $0xffff;
	v38 =	vmul.f32 $8.000000000e+00, v46  }
0xb2: {  	v33 =	vmovc v6;
	v12 =	vmov s24;
	v36 =	vadd.s32 v2, v24;
	v5 =	vmovc v13;
	v46 =	vshll.u32 v49, $0x3;
	v35 =	vld.idx.msk [tilespmem:v35+s3+$0x0], $0xffff;
	[tilespmem:s10+$0x20] =	vst v50  }
0xb3: {  	v6 =	vmovc v17;
	v13 =	vand.u32 $0x7E, v49;
	v46 =	vand.u32 $0x400, v46;
	v49 =	vld.idx.msk [tilespmem:v31+s3+$0x0], $0xffff;
	[tilespmem:s15+$0x50] =	vst v38;
	v38 =	vmul.f32 $8.000000000e+00, v47  }
0xb4: {  	v17 =	vshll.u32 v12, $0x3;
	v43 =	vmul.f32 $8.000000000e+00, v43;
	v31 =	vor.u32 v13, v46;
	v13 =	vld.idx.msk [tilespmem:v7+s3+$0x0], $0xffff;
	[tilespmem:s12+$0x60] =	vst v45;
	v7 =	vmovc v14  }
0xb5: {  	v14 =	vshll.u32 v15, $0x3;
	v46 =	vshll.u32 v48, $0x3;
	v45 =	vadd.s32 v0, v31;
	v42 =	vld.idx.msk [tilespmem:v42+s3+$0x0], $0xffff;
	[tilespmem:s7+$0x50] =	vst v38  }
0xb6: {  	v9 =	vand.u32 $0x400, v9;
	v15 =	vand.u32 $0x7A, v15;
	v14 =	vand.u32 $0x400, v14;
	v38 =	vld.idx.msk [tilespmem:v40+s3+$0x0], $0xffff;
	[tilespmem:s13+$0x50] =	vst v43  }
0xb7: {  	v8 =	vand.u32 $0x78, v8;
	v14 =	vor.u32 v15, v14;
	v15 =	vmul.f32 $8.000000000e+00, v34;
	[tilespmem:s23+$0x40] =	vst v23;
	v23 =	vld.idx.msk [tilespmem:v41+s3+$0x0], $0xffff  }
0xb8: {  	v34 =	vor.u32 v8, v9;
	v40 =	vadd.s32 v0, v14;
	v8 =	vmul.f32 $8.000000000e+00, v35;
	v35 =	vld.idx.msk [tilespmem:v44+s3+$0x0], $0xffff  }
0xb9: {  	v9 =	vand.u32 $0x7C, v12;
	v12 =	vand.u32 $0x400, v17;
	v41 =	vadd.s32 v0, v34;
	[tilespmem:s6+$0x20] =	vst v15;
	v17 =	vld.idx.msk [tilespmem:v20+s3+$0x0], $0xffff  }
0xba: {  	v15 =	vor.u32 v9, v12;
	v9 =	vand.u32 $0x7F, v48;
	v20 =	vand.u32 $0x7FFFFC00, v46;
	v12 =	vld.idx.msk [tilespmem:v37+s3+$0x0], $0xffff  }
0xbb: {  	v37 =	vadd.s32 v0, v15;
	v42 =	vmul.f32 $8.000000000e+00, v42;
	[tilespmem:s26+$0x10] =	vst v8;
	v8 =	vor.u32 v9, v20;
	v20 =	vld.idx.msk [tilespmem:v11+s3+$0x0], $0xffff  }
0xbc: {  	v29 =	vmul.f32 $8.000000000e+00, v29;
	v43 =	vmul.f32 $8.000000000e+00, v49;
	v9 =	vadd.s32 v2, v8  }
0xbd: {  	v39 =	vmul.f32 $8.000000000e+00, v39;
	v11 =	vadd.s32 v3, v10;
	v10 =	vmovc v34;
	v23 =	vmul.f32 $8.000000000e+00, v23;
	v40 =	vld.idx.msk [tilespmem:v40+s3+$0x0], $0xffff;
	[tilespmem:s15+$0x60] =	vst v42  }
0xbe: {  	s28 =	sadd.s32 $0x400, s28;
	s1 =	sadd.s32 $0xFFFFFFFA, s2;
	v34 =	vmul.f32 $8.000000000e+00, v13;
	v42 =	vadd.s32 v1, v31;
	[tilespmem:s25+$0x10] =	vst v29;
	v13 =	vld.idx.msk [tilespmem:v32+s3+$0x0], $0xffff;
	v29 =	vmul.f32 $8.000000000e+00, v35  }
0xbf: {  	s29 =	sadd.s32 $0x200, s29;
	v38 =	vmul.f32 $8.000000000e+00, v38;
	v32 =	vmov s1;
	s1 =	sand.u32 $0x7800, s28;
	v35 =	vadd.s32 v0, v8;
	v41 =	vld.idx.msk [tilespmem:v41+s3+$0x0], $0xffff;
	[tilespmem:s13+$0x60] =	vst v23  }
0xc0: {  	s17 =	sand.u32 $0x380, s29;
	s1 =	sadd.s32 $0xC000, s1;
	v23 =	vand.u32 $0x79, v32;
	v32 =	vshll.u32 v32, $0x3;
	v44 =	vmul.f32 $8.000000000e+00, v12;
	v37 =	vld.idx.msk [tilespmem:v37+s3+$0x0], $0xffff;
	[tilespmem:s12+$0x70] =	vst v29;
	s12 =	smov.u32 s23  }
0xc1: {  	s24 =	sadd.s32 $0xFFFFFFFE, s2;
	v12 =	vand.u32 $0x400, v32;
	s23 =	sadd.s32 $0xFFFFFFFC, s2;
	v32 =	vadd.s32 v1, v14;
	s17 =	sor.u32 s17, s1;
	v20 =	vmul.f32 $8.000000000e+00, v20;
	v45 =	vld.idx.msk [tilespmem:v45+s3+$0x0], $0xffff;
	[tilespmem:s7+$0x60] =	vst v38  }
0xc2: {  	s8 =	sadd.s32 $0xFFFFFF00, s29;
	v12 =	vor.u32 v23, v12;
	v23 =	vmov s23;
	v38 =	vmov s24;
	s23 =	smov.u32 s6;
	[tilespmem:s6+$0x30] =	vst v44;
	v26 =	vld.idx.msk [tilespmem:v26+s3+$0x0], $0xffff;
	s6 =	smov.u32 s17  }
0xc3: {  	s8 =	sand.u32 $0x280, s8;
	v29 =	vadd.s32 v1, v10;
	v44 =	vshll.u32 v23, $0x3;
	v46 =	vshll.u32 v38, $0x3;
	[tilespmem:s14+$0x30] =	vst v20;
	v22 =	vld.idx.msk [tilespmem:v22+s3+$0x0], $0xffff  }
0xc4: {  	s8 =	sor.u32 s8, s1;
	v20 =	vand.u32 $0x7D, v38;
	v38 =	vand.u32 $0x7FFFFC00, v46;
	v21 =	vld.idx.msk [tilespmem:v21+s3+$0x0], $0xffff;
	[tilespmem:s10+$0x30] =	vst v43;
	v43 =	vmul.f32 $8.000000000e+00, v13  }
0xc5: {  	v40 =	vmul.f32 $8.000000000e+00, v40;
	v23 =	vand.u32 $0x7B, v23;
	v13 =	vor.u32 v20, v38;
	[tilespmem:s16+$0x20] =	vst v39;
	v46 =	vld.idx.msk [tilespmem:v35+s3+$0x0], $0xffff  }
0xc6: {  	v47 =	vadd.s32 v1, v28;
	s17 =	sadd.s32 $0xFFFFFE80, s29;
	v44 =	vand.u32 $0x7FFFFC00, v44;
	[tilespmem:s22+$0x30] =	vst v34;
	v19 =	vld.idx.msk [tilespmem:v19+s3+$0x0], $0xffff  }
0xc7: {  	s24 =	sadd.s32 $0xFFFFFF80, s29;
	s17 =	sand.u32 $0x200, s17;
	v35 =	vadd.s32 v1, v15;
	v20 =	vmul.f32 $8.000000000e+00, v45;
	v34 =	vadd.s32 v2, v31;
	[tilespmem:s8+$0x0] =	vst v40;
	v18 =	vld.idx.msk [tilespmem:v18+s3+$0x0], $0xffff  }
0xc8: {  	v48 =	vadd.s32 v1, v27;
	s24 =	sand.u32 $0x300, s24;
	s17 =	sor.u32 s17, s1;
	v40 =	vld.idx.msk [tilespmem:v32+s3+$0x0], $0xffff;
	v32 =	vmul.f32 $8.000000000e+00, v17;
	[tilespmem:s15+$0x70] =	vst v43;
	v17 =	vmul.f32 $8.000000000e+00, v26;
	s15 =	smov.u32 s14  }
0xc9: {  	s1 =	sor.u32 s24, s1;
	v38 =	vmul.f32 $8.000000000e+00, v37;
	v43 =	vmul.f32 $8.000000000e+00, v22;
	s14 =	smov.u32 s25;
	s25 =	smov.u32 s17;
	[tilespmem:s6+$0x0] =	vst v20;
	v37 =	vld.idx.msk [tilespmem:v16+s3+$0x0], $0xffff;
	v20 =	vadd.s32 v1, v8  }
0xca: {  	v49 =	vmul.f32 $8.000000000e+00, v41;
	v39 =	vadd.s32 v2, v14;
	v21 =	vmul.f32 $8.000000000e+00, v21;
	v50 =	vld.idx.msk [tilespmem:v42+s3+$0x0], $0xffff;
	[tilespmem:s7+$0x70] =	vst v17;
	s7 =	smov.u32 s22;
	s22 =	smov.u32 s16;
	s16 =	smov.u32 s8  }
0xcb: {  	v17 =	vor.u32 v23, v44;
	v23 =	vmul.f32 $8.000000000e+00, v46;
	v44 =	vadd.s32 v1, v33;
	[tilespmem:s12+$0x50] =	vst v32  }
0xcc: {  	v22 =	vadd.s32 v3, v28;
	v16 =	vadd.s32 v2, v10;
	v19 =	vmul.f32 $8.000000000e+00, v19;
	[tilespmem:s15+$0x40] =	vst v21;
	v45 =	vld.idx.msk [tilespmem:v30+s3+$0x0], $0xffff  }
.Ltmp5:
0xcd: {  	v26 =	vadd.s32 v3, v33;
	v32 =	vadd.s32 v3, v27;
	v21 =	vmul.f32 $8.000000000e+00, v18;
	v30 =	vld.idx.msk [tilespmem:v36+s3+$0x0], $0xffff;
	[tilespmem:s13+$0x70] =	vst v43;
	s13 =	smov.u32 s10;
	s10 =	smov.u32 s26;
	(pc) =	sbr.rel @p4 .LBB2_4-.Ltmp5, $4  }
0xce: {  	v42 =	vadd.s32 v2, v27;
	v36 =	vmul.f32 $8.000000000e+00, v40;
	v40 =	vadd.s32 v2, v33;
	s26 =	smov.u32 s1;
	v46 =	vld.idx.msk [tilespmem:v48+s3+$0x0], $0xffff;
	[tilespmem:s13+$0x40] =	vst v19  }
0xcf: {  	v41 =	vadd.s32 v2, v28;
	v18 =	vadd.s32 v0, v6;
	v27 =	vmul.f32 $8.000000000e+00, v37;
	[tilespmem:s7+$0x40] =	vst v21;
	v43 =	vld.idx.msk [tilespmem:v47+s3+$0x0], $0xffff  }
0xd0: {  	v37 =	vadd.s32 v3, v31;
	v19 =	vadd.s32 v0, v5;
	v28 =	vmul.f32 $8.000000000e+00, v50;
	[tilespmem:s25+$0x0] =	vst v49;
	v47 =	vld.idx.msk [tilespmem:v44+s3+$0x0], $0xffff  }
0xd1: {  	s2 =	sadd.s32 $0x8, s2;
	v31 =	vadd.s32 v3, v24;
	v21 =	vadd.s32 v0, v4;
	v44 =	vadd.s32 v3, v25;
	[tilespmem:s14+$0x20] =	vst v27  }
0xd2: {  	_ =	sdelay $0x2  }
0xd3: {  	[tilespmem:s26+$0x0] =	vst v38  }
0xd4: {  	v29 =	vld.idx.msk [tilespmem:v29+s3+$0x0], $0xffff;
	[tilespmem:s6+$0x10] =	vst v28  }
0xd5: {  	[tilespmem:s16+$0x10] =	vst v36;
	v11 =	vld.idx.msk [tilespmem:v11+s3+$0x0], $0xffff;
	v24 =	vmul.f32 $8.000000000e+00, v46  }
0xd6: {  	v27 =	vmul.f32 $8.000000000e+00, v45;
	v7 =	vld.idx.msk [tilespmem:v7+s3+$0x0], $0xffff;
	[tilespmem:s23+$0x40] =	vst v23  }
0xd7: {  	v50 =	vmul.f32 $8.000000000e+00, v30;
	v35 =	vld.idx.msk [tilespmem:v35+s3+$0x0], $0xffff;
	[tilespmem:s15+$0x50] =	vst v24  }
0xd8: {  	[tilespmem:s12+$0x60] =	vst v27;
	v33 =	vmul.f32 $8.000000000e+00, v43;
	v24 =	vld.idx.msk [tilespmem:v42+s3+$0x0], $0xffff  }
0xd9: {  	v28 =	vld.idx.msk [tilespmem:v34+s3+$0x0], $0xffff;
	[tilespmem:s10+$0x20] =	vst v50;
	v25 =	vmul.f32 $8.000000000e+00, v47  }
0xda: {  	v27 =	vld.idx.msk [tilespmem:v44+s3+$0x0], $0xffff;
	v44 =	vadd.s32 v2, v15;
	[tilespmem:s13+$0x50] =	vst v33;
	v45 =	vmul.f32 $8.000000000e+00, v29  }
0xdb: {  	v48 =	vld.idx.msk [tilespmem:v39+s3+$0x0], $0xffff;
	[tilespmem:s7+$0x50] =	vst v25;
	v11 =	vmul.f32 $8.000000000e+00, v11  }
0xdc: {  	v20 =	vld.idx.msk [tilespmem:v20+s3+$0x0], $0xffff;
	v46 =	vmul.f32 $8.000000000e+00, v35;
	[tilespmem:s25+$0x10] =	vst v45  }
0xdd: {  	[tilespmem:s14+$0x30] =	vst v11;
	v16 =	vld.idx.msk [tilespmem:v16+s3+$0x0], $0xffff;
	v24 =	vmul.f32 $8.000000000e+00, v24  }
0xde: {  	v54 =	vld.idx.msk [tilespmem:v31+s3+$0x0], $0xffff;
	v7 =	vmul.f32 $8.000000000e+00, v7;
	[tilespmem:s26+$0x10] =	vst v46  }
0xdf: {  	v51 =	vmul.f32 $8.000000000e+00, v28;
	[tilespmem:s15+$0x60] =	vst v24;
	v24 =	vld.idx.msk [tilespmem:v44+s3+$0x0], $0xffff  }
0xe0: {  	v10 =	vadd.s32 v3, v10;
	v33 =	vld.idx.msk [tilespmem:v41+s3+$0x0], $0xffff;
	v55 =	vmul.f32 $8.000000000e+00, v48;
	[tilespmem:s22+$0x30] =	vst v7  }
0xe1: {  	v14 =	vadd.s32 v3, v14;
	v25 =	vld.idx.msk [tilespmem:v40+s3+$0x0], $0xffff;
	v20 =	vmul.f32 $8.000000000e+00, v20;
	[tilespmem:s6+$0x20] =	vst v51  }
0xe2: {  	v52 =	vadd.s32 v3, v15;
	[tilespmem:s16+$0x20] =	vst v55;
	v21 =	vld.idx.msk [tilespmem:v21+s3+$0x0], $0xffff;
	v16 =	vmul.f32 $8.000000000e+00, v16  }
0xe3: {  	v53 =	vmov s30;
	v42 =	vmul.f32 $8.000000000e+00, v27;
	v18 =	vld.idx.msk [tilespmem:v18+s3+$0x0], $0xffff;
	[tilespmem:s23+$0x50] =	vst v20  }
0xe4: {  	v56 =	vshll.u32 v53, $0x3;
	v57 =	vld.idx.msk [tilespmem:v37+s3+$0x0], $0xffff;
	[tilespmem:s25+$0x20] =	vst v16;
	v58 =	vmul.f32 $8.000000000e+00, v24  }
0xe5: {  	v59 =	vand.u32 $0x7F, v53;
	v60 =	vand.u32 $0x7FFFFC00, v56;
	[tilespmem:s12+$0x70] =	vst v42;
	v47 =	vmul.f32 $8.000000000e+00, v33;
	v10 =	vld.idx.msk [tilespmem:v10+s3+$0x0], $0xffff  }
0xe6: {  	v62 =	vmul.f32 $8.000000000e+00, v54;
	v14 =	vld.idx.msk [tilespmem:v14+s3+$0x0], $0xffff;
	v24 =	vor.u32 v59, v60;
	[tilespmem:s26+$0x20] =	vst v58  }
0xe7: {  	v25 =	vmul.f32 $8.000000000e+00, v25;
	[tilespmem:s13+$0x60] =	vst v47;
	v61 =	vadd.s32 v0, v24;
	v15 =	vld.idx.msk [tilespmem:v52+s3+$0x0], $0xffff  }
0xe8: {  	v63 =	vadd.s32 v0, v12;
	[tilespmem:s10+$0x30] =	vst v62;
	v22 =	vld.idx.msk [tilespmem:v22+s3+$0x0], $0xffff;
	v21 =	vmul.f32 $8.000000000e+00, v21  }
0xe9: {  	v29 =	vadd.s32 v0, v17;
	v9 =	vld.idx.msk [tilespmem:v9+s3+$0x0], $0xffff;
	[tilespmem:s7+$0x60] =	vst v25;
	v28 =	vmul.f32 $8.000000000e+00, v57  }
0xea: {  	v30 =	vadd.s32 v0, v13;
	v19 =	vld.idx.msk [tilespmem:v19+s3+$0x0], $0xffff;
	[tilespmem:s14+$0x40] =	vst v21;
	v10 =	vmul.f32 $8.000000000e+00, v10  }
0xeb: {  	v31 =	vadd.s32 v1, v4;
	v43 =	vld.idx.msk [tilespmem:v32+s3+$0x0], $0xffff;
	v14 =	vmul.f32 $8.000000000e+00, v14;
	[tilespmem:s6+$0x30] =	vst v28  }
0xec: {  	v16 =	vld.idx.msk [tilespmem:v61+s3+$0x0], $0xffff;
	[tilespmem:s25+$0x30] =	vst v10;
	v15 =	vmul.f32 $8.000000000e+00, v15  }
0xed: {  	v33 =	vadd.s32 v1, v5;
	[tilespmem:s16+$0x30] =	vst v14;
	v22 =	vmul.f32 $8.000000000e+00, v22;
	v11 =	vld.idx.msk [tilespmem:v63+s3+$0x0], $0xffff  }
0xee: {  	v32 =	vadd.s32 v1, v6;
	v18 =	vmul.f32 $8.000000000e+00, v18;
	v7 =	vld.idx.msk [tilespmem:v29+s3+$0x0], $0xffff;
	[tilespmem:s26+$0x30] =	vst v15  }
0xef: {  	v19 =	vmul.f32 $8.000000000e+00, v19;
	v34 =	vadd.s32 v1, v24;
	[tilespmem:s13+$0x70] =	vst v22;
	v22 =	vld.idx.msk [tilespmem:v30+s3+$0x0], $0xffff  }
0xf0: {  	v35 =	vadd.s32 v1, v12;
	v9 =	vmul.f32 $8.000000000e+00, v9;
	[tilespmem:s22+$0x40] =	vst v18;
	v36 =	vld.idx.msk [tilespmem:v31+s3+$0x0], $0xffff  }
0xf1: {  	v37 =	vadd.s32 v1, v17;
	v26 =	vld.idx.msk [tilespmem:v26+s3+$0x0], $0xffff;
	[tilespmem:s10+$0x40] =	vst v19;
	v16 =	vmul.f32 $8.000000000e+00, v16  }
0xf2: {  	v38 =	vadd.s32 v1, v13;
	[tilespmem:s23+$0x60] =	vst v9;
	v14 =	vld.idx.msk [tilespmem:v33+s3+$0x0], $0xffff;
	v11 =	vmul.f32 $8.000000000e+00, v11  }
0xf3: {  	v39 =	vadd.s32 v2, v4;
	v7 =	vmul.f32 $8.000000000e+00, v7;
	v10 =	vld.idx.msk [tilespmem:v32+s3+$0x0], $0xffff;
	[tilespmem:s6+$0x40] =	vst v16  }
0xf4: {  	v15 =	vld.idx.msk [tilespmem:v34+s3+$0x0], $0xffff;
	[tilespmem:s25+$0x40] =	vst v11;
	v40 =	vmul.f32 $8.000000000e+00, v22  }
0xf5: {  	v42 =	vadd.s32 v2, v5;
	v23 =	vmul.f32 $8.000000000e+00, v36;
	[tilespmem:s16+$0x40] =	vst v7;
	v21 =	vld.idx.msk [tilespmem:v35+s3+$0x0], $0xffff  }
0xf6: {  	v41 =	vadd.s32 v2, v6;
	v27 =	vmul.f32 $8.000000000e+00, v43;
	v49 =	vmul.f32 $8.000000000e+00, v26;
	v43 =	vld.idx.msk [tilespmem:v37+s3+$0x0], $0xffff;
	[tilespmem:s26+$0x40] =	vst v40  }
0xf7: {  	v44 =	vadd.s32 v2, v24;
	[tilespmem:s14+$0x50] =	vst v23;
	v14 =	vmul.f32 $8.000000000e+00, v14;
	v19 =	vld.idx.msk [tilespmem:v38+s3+$0x0], $0xffff  }
0xf8: {  	v45 =	vadd.s32 v2, v12;
	[tilespmem:s7+$0x70] =	vst v49;
	v10 =	vmul.f32 $8.000000000e+00, v10;
	v16 =	vld.idx.msk [tilespmem:v39+s3+$0x0], $0xffff  }
0xf9: {  	v47 =	vadd.s32 v2, v17;
	[tilespmem:s10+$0x50] =	vst v14;
	v46 =	vmul.f32 $8.000000000e+00, v15  }
0xfa: {  	v48 =	vadd.s32 v2, v13;
	v7 =	vld.idx.msk [tilespmem:v42+s3+$0x0], $0xffff;
	[tilespmem:s22+$0x50] =	vst v10;
	v21 =	vmul.f32 $8.000000000e+00, v21  }
0xfb: {  	v4 =	vadd.s32 v3, v4;
	v49 =	vmul.f32 $8.000000000e+00, v43;
	v22 =	vld.idx.msk [tilespmem:v41+s3+$0x0], $0xffff;
	[tilespmem:s6+$0x50] =	vst v46  }
0xfc: {  	v8 =	vadd.s32 v3, v8;
	v50 =	vld.idx.msk [tilespmem:v44+s3+$0x0], $0xffff;
	[tilespmem:s25+$0x50] =	vst v21;
	v51 =	vmul.f32 $8.000000000e+00, v19  }
0xfd: {  	v5 =	vadd.s32 v3, v5;
	[tilespmem:s16+$0x50] =	vst v49;
	v54 =	vmul.f32 $8.000000000e+00, v16;
	v53 =	vld.idx.msk [tilespmem:v45+s3+$0x0], $0xffff  }
0xfe: {  	v52 =	vadd.s32 v3, v6;
	v15 =	vld.idx.msk [tilespmem:v47+s3+$0x0], $0xffff;
	[tilespmem:s26+$0x50] =	vst v51  }
0xff: {  	v56 =	vadd.s32 v3, v24;
	v7 =	vmul.f32 $8.000000000e+00, v7;
	[tilespmem:s14+$0x60] =	vst v54;
	v14 =	vld.idx.msk [tilespmem:v48+s3+$0x0], $0xffff  }
0x100: {  	v57 =	vadd.s32 v3, v12;
	[tilespmem:s15+$0x70] =	vst v27;
	v55 =	vmul.f32 $8.000000000e+00, v22;
	v4 =	vld.idx.msk [tilespmem:v4+s3+$0x0], $0xffff  }
0x101: {  	v8 =	vld.idx.msk [tilespmem:v8+s3+$0x0], $0xffff;
	v58 =	vadd.s32 v3, v17;
	[tilespmem:s10+$0x60] =	vst v7;
	v11 =	vmul.f32 $8.000000000e+00, v50  }
0x102: {  	v59 =	vadd.s32 v3, v13;
	v5 =	vld.idx.msk [tilespmem:v5+s3+$0x0], $0xffff;
	[tilespmem:s22+$0x60] =	vst v55;
	v60 =	vmul.f32 $8.000000000e+00, v53  }
0x103: {  	v6 =	vld.idx.msk [tilespmem:v52+s3+$0x0], $0xffff;
	v61 =	vmul.f32 $8.000000000e+00, v15;
	[tilespmem:s6+$0x60] =	vst v11  }
0x104: {  	v62 =	vld.idx.msk [tilespmem:v56+s3+$0x0], $0xffff;
	[tilespmem:s25+$0x60] =	vst v60;
	v63 =	vmul.f32 $8.000000000e+00, v14  }
0x105: {  	[tilespmem:s16+$0x60] =	vst v61;
	v4 =	vmul.f32 $8.000000000e+00, v4;
	v10 =	vld.idx.msk [tilespmem:v57+s3+$0x0], $0xffff  }
0x106: {  	v8 =	vmul.f32 $8.000000000e+00, v8;
	v9 =	vld.idx.msk [tilespmem:v58+s3+$0x0], $0xffff;
	[tilespmem:s26+$0x60] =	vst v63  }
0x107: {  	[tilespmem:s14+$0x70] =	vst v4;
	v4 =	vmul.f32 $8.000000000e+00, v5;
	v7 =	vld.idx.msk [tilespmem:v59+s3+$0x0], $0xffff  }
0x108: {  	[tilespmem:s23+$0x70] =	vst v8;
	v6 =	vmul.f32 $8.000000000e+00, v6  }
0x109: {  	[tilespmem:s10+$0x70] =	vst v4;
	v5 =	vmul.f32 $8.000000000e+00, v62  }
0x10a: {  	[tilespmem:s22+$0x70] =	vst v6;
	v4 =	vmul.f32 $8.000000000e+00, v10  }
0x10b: {  	[tilespmem:s6+$0x70] =	vst v5;
	v5 =	vmul.f32 $8.000000000e+00, v9  }
0x10c: {  	[tilespmem:s25+$0x70] =	vst v4;
	v4 =	vmul.f32 $8.000000000e+00, v7  }
0x10d: {  	s1 =	sshll.u32 s21, $0xB;
	[tilespmem:s16+$0x70] =	vst v5  }
0x10e: {  	s2 =	simm.s32 $0xC000;
	s1 =	sadd.s32 s5, s1;
	[tilespmem:s26+$0x70] =	vst v4  }
0x10f: {  	[hbm4b:s1+s3] =	stream.linear.scatter [tilespmem:s2], [sflag:$0x3], $0x400, $0x38;
	[tilespmem:$0x1D000] =	vst v63  }
0x110: {  	s21 =	sadd.s32 $0x80, s1;
	s22 =	simm.s32 $0xC800  }
0x111: {  	[hbm4b:s21+s3] =	stream.linear.scatter [tilespmem:s22], [sflag:$0x3], $0x400, $0x38;
	[tilespmem:$0x1D000] =	vst v63  }
0x112: {  	s24 =	simm.s32 $0xD000;
	s23 =	sadd.s32 $0x100, s1  }
0x113: {  	[hbm4b:s23+s3] =	stream.linear.scatter [tilespmem:s24], [sflag:$0x3], $0x400, $0x38;
	[tilespmem:$0x1D000] =	vst v63  }
0x114: {  	s25 =	sadd.s32 $0x180, s1;
	s26 =	simm.s32 $0xD800  }
0x115: {  	[hbm4b:s25+s3] =	stream.linear.scatter [tilespmem:s26], [sflag:$0x3], $0x400, $0x38;
	[tilespmem:$0x1D000] =	vst v63  }
0x116: {  	s29 =	simm.s32 $0xE000;
	s28 =	sadd.s32 $0x200, s1  }
0x117: {  	[hbm4b:s28+s3] =	stream.linear.scatter [tilespmem:s29], [sflag:$0x3], $0x400, $0x38;
	[tilespmem:$0x1D000] =	vst v63  }
0x118: {  	s31 =	simm.s32 $0xE800;
	s30 =	sadd.s32 $0x280, s1  }
0x119: {  	[hbm4b:s30+s3] =	stream.linear.scatter [tilespmem:s31], [sflag:$0x3], $0x400, $0x38;
	[tilespmem:$0x1D000] =	vst v63  }
0x11a: {  	s8 =	simm.s32 $0xF000;
	s7 =	sadd.s32 $0x300, s1  }
0x11b: {  	[hbm4b:s7+s3] =	stream.linear.scatter [tilespmem:s8], [sflag:$0x3], $0x400, $0x38;
	[tilespmem:$0x1D000] =	vst v63  }
0x11c: {  	s12 =	simm.s32 $0xF800;
	s10 =	sadd.s32 $0x380, s1  }
0x11d: {  	[hbm4b:s10+s3] =	stream.linear.scatter [tilespmem:s12], [sflag:$0x3], $0x400, $0x38;
	[tilespmem:$0x1D000] =	vst v63  }
0x11e: {  	s13 =	sadd.s32 $0x400, s1;
	s14 =	simm.s32 $0x10000  }
0x11f: {  	[hbm4b:s13+s3] =	stream.linear.scatter [tilespmem:s14], [sflag:$0x3], $0x400, $0x38;
	[tilespmem:$0x1D000] =	vst v63  }
0x120: {  	s15 =	sadd.s32 $0x480, s1;
	s16 =	simm.s32 $0x10800  }
0x121: {  	[hbm4b:s15+s3] =	stream.linear.scatter [tilespmem:s16], [sflag:$0x3], $0x400, $0x38;
	[tilespmem:$0x1D000] =	vst v63  }
0x122: {  	s17 =	sadd.s32 $0x500, s1;
	s21 =	simm.s32 $0x11000  }
0x123: {  	[hbm4b:s17+s3] =	stream.linear.scatter [tilespmem:s21], [sflag:$0x3], $0x400, $0x38;
	[tilespmem:$0x1D000] =	vst v63  }
0x124: {  	s22 =	sadd.s32 $0x580, s1;
	s23 =	simm.s32 $0x11800  }
0x125: {  	[hbm4b:s22+s3] =	stream.linear.scatter [tilespmem:s23], [sflag:$0x3], $0x400, $0x38;
	[tilespmem:$0x1D000] =	vst v63  }
0x126: {  	s24 =	sadd.s32 $0x600, s1;
	s25 =	simm.s32 $0x12000  }
0x127: {  	[hbm4b:s24+s3] =	stream.linear.scatter [tilespmem:s25], [sflag:$0x3], $0x400, $0x38;
	[tilespmem:$0x1D000] =	vst v63  }
0x128: {  	s26 =	sadd.s32 $0x680, s1;
	s28 =	simm.s32 $0x12800  }
0x129: {  	[hbm4b:s26+s3] =	stream.linear.scatter [tilespmem:s28], [sflag:$0x3], $0x400, $0x38;
	[tilespmem:$0x1D000] =	vst v63  }
0x12a: {  	s29 =	sadd.s32 $0x700, s1;
	s30 =	simm.s32 $0x13000  }
0x12b: {  	[hbm4b:s29+s3] =	stream.linear.scatter [tilespmem:s30], [sflag:$0x3], $0x400, $0x38;
	[tilespmem:$0x1D000] =	vst v63  }
0x12c: {  	s1 =	sadd.s32 $0x780, s1;
	s31 =	simm.s32 $0x13800  }
0x12d: {  	[hbm4b:s1+s3] =	stream.linear.scatter [tilespmem:s31], [sflag:$0x3], $0x400, $0x38;
	[tilespmem:$0x1D000] =	vst v63  }
.LBB2_6:
0x12e: {  	s1 =	sadd.s32 s11, s20  }
0x12f: {  	p4 =	sgt.u32 s1, $0xF41  }
0x130: {  	s1 =	sshll.u32 @!p4 s1, $0x8  }
0x131: {  	s2 =	simm.s32 @!p4 $0x0;
	s1 =	sadd.s32 @!p4 s0, s1  }
0x132: {  	[tilespmem:s2], [sflag:$0x1] =	stream.linear.gather @!p4 [hbm4b:s1+s2], $0x800, $0x38;
	[tilespmem:$0x1D000] =	vst v63  }
0x133: {  	s7 =	simm.s32 @!p4 $0xC00;
	s6 =	sadd.s32 @!p4 $0xF4280, s1  }
0x134: {  	[tilespmem:s7], [sflag:$0x1] =	stream.linear.gather @!p4 [hbm4b:s6+s2], $0x800, $0x38;
	[tilespmem:$0x1D000] =	vst v63  }
0x135: {  	s6 =	sadd.s32 @!p4 $0x1E8500, s1;
	s7 =	simm.s32 @!p4 $0x1800  }
0x136: {  	[tilespmem:s7], [sflag:$0x1] =	stream.linear.gather @!p4 [hbm4b:s6+s2], $0x800, $0x38;
	[tilespmem:$0x1D000] =	vst v63  }
0x137: {  	s6 =	sadd.s32 @!p4 $0x2DC780, s1;
	s7 =	simm.s32 @!p4 $0x2400  }
0x138: {  	[tilespmem:s7], [sflag:$0x1] =	stream.linear.gather @!p4 [hbm4b:s6+s2], $0x800, $0x38;
	[tilespmem:$0x1D000] =	vst v63  }
0x139: {  	s6 =	sadd.s32 @!p4 $0x3D0A00, s1;
	s7 =	simm.s32 @!p4 $0x3000  }
0x13a: {  	[tilespmem:s7], [sflag:$0x1] =	stream.linear.gather @!p4 [hbm4b:s6+s2], $0x800, $0x38;
	[tilespmem:$0x1D000] =	vst v63  }
0x13b: {  	s6 =	sadd.s32 @!p4 $0x4C4C80, s1;
	s7 =	simm.s32 @!p4 $0x3C00  }
0x13c: {  	[tilespmem:s7], [sflag:$0x1] =	stream.linear.gather @!p4 [hbm4b:s6+s2], $0x800, $0x38;
	[tilespmem:$0x1D000] =	vst v63  }
0x13d: {  	s6 =	sadd.s32 @!p4 $0x5B8F00, s1;
	s7 =	simm.s32 @!p4 $0x4800  }
0x13e: {  	[tilespmem:s7], [sflag:$0x1] =	stream.linear.gather @!p4 [hbm4b:s6+s2], $0x800, $0x38;
	[tilespmem:$0x1D000] =	vst v63  }
0x13f: {  	s1 =	sadd.s32 @!p4 $0x6AD180, s1;
	s6 =	simm.s32 @!p4 $0x5400  }
0x140: {  	[tilespmem:s6], [sflag:$0x1] =	stream.linear.gather @!p4 [hbm4b:s1+s2], $0x800, $0x38;
	[tilespmem:$0x1D000] =	vst v63  }
.Ltmp6:
0x141: {  	_ = 	snop;
	(pc) =	sbr.rel @p2 .LBB2_10-.Ltmp6, $4  }
0x142: {  	s1 =	simm.s32 @!p3 $0x4  }
0x143: {  	_ =	swait.ge @!p3 [sflag:s1], $0x4000  }
0x144: {  	[sflag:s1] =	ssyncset.done @!p3 $0x0  }
0x145: {  	[sflag:s1] =	ssyncadd.s32 @!p3 $0xFFFFC000  }
0x146: {  	s1 =	simm.s32 $0x6  }
0x147: {  	v4 =	vmov s1  }
0x148: {  	v5 =	vshll.u32 v4, $0x3  }
0x149: {  	s6 =	simm.s32 $0x2;
	v4 =	vand.u32 $0x7E, v4;
	v5 =	vand.u32 $0x400, v5  }
0x14a: {  	v6 =	vmov s6;
	v4 =	vor.u32 v4, v5  }
0x14b: {  	v5 =	vshll.u32 v6, $0x3;
	v7 =	vadd.s32 v0, v4  }
0x14c: {  	s7 =	simm.s32 $0x2;
	v6 =	vand.u32 $0x7A, v6;
	v5 =	vand.u32 $0x400, v5  }
0x14d: {  	_ =	swait.ge [sflag:s7], $0x4000;
	v5 =	vor.u32 v6, v5  }
0x14e: {  	[sflag:s7] =	ssyncset.done $0x0;
	v6 =	vadd.s32 v0, v5  }
0x14f: {  	s8 =	simm.s32 $0x0;
	s2 =	simm.s32 $0x4;
	[sflag:s7] =	ssyncadd.s32 $0xFFFFC000  }
0x150: {  	v8 =	vmov s8;
	v9 =	vmov s2;
	v10 =	vld.idx.msk [tilespmem:v7+s9+$0x0], $0xffff  }
0x151: {  	v11 =	vshll.u32 v9, $0x3;
	v7 =	vshll.u32 v8, $0x3  }
0x152: {  	v12 =	vand.u32 $0x400, v7;
	v7 =	vand.u32 $0x7C, v9;
	v9 =	vand.u32 $0x400, v11  }
0x153: {  	s10 =	simm.s32 $0x0;
	v8 =	vand.u32 $0x78, v8;
	v7 =	vor.u32 v7, v9;
	v6 =	vld.idx.msk [tilespmem:v6+s9+$0x0], $0xffff;
	v9 =	vadd.s32 v1, v4  }
0x154: {  	s12 =	simm.s32 $0x180;
	s20 =	simm.s32 $0xE;
	s1 =	sand.u32 $0x7800, s10;
	v8 =	vor.u32 v8, v12;
	v11 =	vadd.s32 v0, v7  }
0x155: {  	s30 =	simm.s32 $0x9;
	s2 =	sand.u32 $0x380, s12;
	s1 =	sadd.s32 $0x14000, s1;
	v12 =	vadd.s32 v0, v8;
	v10 =	vmul.f32 $8.000000000e+00, v10  }
0x156: {  	s6 =	simm.s32 $0x1;
	v22 =	vmov s20;
	v29 =	vmov s30;
	s12 =	sor.u32 s2, s1;
	v13 =	vadd.s32 v1, v5  }
0x157: {  	s13 =	simm.s32 $0x80;
	v14 =	vmov s6;
	v24 =	vshll.u32 v22, $0x3;
	v30 =	vand.u32 $0x79, v29;
	[tilespmem:s12+$0x0] =	vst v10  }
0x158: {  	s2 =	sand.u32 $0x280, s13;
	v16 =	vadd.s32 v2, v4;
	v10 =	vshll.u32 v14, $0x3;
	v6 =	vmul.f32 $8.000000000e+00, v6;
	v9 =	vld.idx.msk [tilespmem:v9+s9+$0x0], $0xffff  }
0x159: {  	s7 =	sor.u32 s2, s1;
	v4 =	vadd.s32 v3, v4;
	v14 =	vand.u32 $0x79, v14;
	v11 =	vld.idx.msk [tilespmem:v11+s9+$0x0], $0xffff;
	v10 =	vand.u32 $0x400, v10  }
0x15a: {  	s14 =	simm.s32 $0x3;
	s8 =	simm.s32 $0x5;
	v29 =	vshll.u32 v29, $0x3;
	v28 =	vadd.s32 v3, v8;
	v12 =	vld.idx.msk [tilespmem:v12+s9+$0x0], $0xffff;
	v18 =	vor.u32 v14, v10;
	[tilespmem:s7+$0x0] =	vst v6  }
0x15b: {  	v10 =	vmov s14;
	v14 =	vmov s8;
	v6 =	vadd.s32 v1, v8;
	v13 =	vld.idx.msk [tilespmem:v13+s9+$0x0], $0xffff  }
0x15c: {  	v15 =	vshll.u32 v14, $0x3;
	v17 =	vshll.u32 v10, $0x3;
	v14 =	vand.u32 $0x7D, v14  }
0x15d: {  	v10 =	vand.u32 $0x7B, v10;
	v15 =	vand.u32 $0x7FFFFC00, v15;
	v9 =	vmul.f32 $8.000000000e+00, v9  }
0x15e: {  	v35 =	vadd.s32 v0, v18;
	v19 =	vor.u32 v14, v15;
	v14 =	vand.u32 $0x7FFFFC00, v17  }
0x15f: {  	v15 =	vadd.s32 v1, v7;
	v17 =	vadd.s32 v2, v5;
	v11 =	vmul.f32 $8.000000000e+00, v11;
	[tilespmem:s12+$0x10] =	vst v9  }
0x160: {  	s15 =	simm.s32 $0xA;
	s16 =	simm.s32 $0x7;
	v12 =	vmul.f32 $8.000000000e+00, v12;
	v21 =	vor.u32 v10, v14;
	v9 =	vmul.f32 $8.000000000e+00, v13;
	v13 =	vld.idx.msk [tilespmem:v16+s9+$0x0], $0xffff  }
0x161: {  	v10 =	vmov s15;
	v14 =	vmov s16;
	v34 =	vadd.s32 v0, v19  }
0x162: {  	s17 =	simm.s32 $0x8;
	s21 =	simm.s32 $0x0;
	v47 =	vadd.s32 v1, v19;
	v20 =	vshll.u32 v10, $0x3;
	v10 =	vand.u32 $0x7A, v10  }
0x163: {  	s23 =	simm.s32 $0x100;
	s22 =	sand.u32 $0x200, s21;
	v26 =	vshll.u32 v14, $0x3;
	v20 =	vand.u32 $0x400, v20;
	v16 =	vmov s17  }
0x164: {  	s24 =	sand.u32 $0x300, s23;
	s15 =	sor.u32 s22, s1;
	v10 =	vor.u32 v10, v20;
	v20 =	vand.u32 $0x7E, v22;
	v22 =	vand.u32 $0x400, v24  }
0x165: {  	s25 =	simm.s32 $0xC;
	s13 =	sor.u32 s24, s1;
	[tilespmem:s15+$0x0] =	vst v12;
	v25 =	vadd.s32 v0, v10;
	v20 =	vor.u32 v20, v22;
	v13 =	vmul.f32 $8.000000000e+00, v13  }
0x166: {  	v12 =	vmov s25;
	[tilespmem:s13+$0x0] =	vst v11;
	v23 =	vshll.u32 v16, $0x3;
	v22 =	vadd.s32 v0, v20  }
0x167: {  	v6 =	vld.idx.msk [tilespmem:v6+s9+$0x0], $0xffff;
	v16 =	vand.u32 $0x78, v16;
	v11 =	vand.u32 $0x400, v23;
	v23 =	vshll.u32 v12, $0x3;
	[tilespmem:s12+$0x20] =	vst v13  }
0x168: {  	s26 =	simm.s32 $0x400;
	s31 =	simm.s32 $0x280;
	s10 =	simm.s32 $0x380;
	v12 =	vand.u32 $0x7C, v12;
	v11 =	vor.u32 v16, v11;
	v16 =	vand.u32 $0x400, v23;
	v4 =	vld.idx.msk [tilespmem:v4+s9+$0x0], $0xffff  }
0x169: {  	s8 =	sand.u32 $0x280, s31;
	s1 =	sand.u32 $0x7800, s26;
	v15 =	vld.idx.msk [tilespmem:v15+s9+$0x0], $0xffff;
	[tilespmem:s7+$0x10] =	vst v9;
	v9 =	vand.u32 $0x7F, v14;
	v24 =	vor.u32 v12, v16;
	v12 =	vand.u32 $0x7FFFFC00, v26  }
0x16a: {  	s16 =	sand.u32 $0x380, s10;
	s22 =	simm.s32 $0xF;
	s2 =	sadd.s32 $0x14000, s1;
	v36 =	vadd.s32 v0, v21;
	v23 =	vadd.s32 v0, v24;
	v14 =	vld.idx.msk [tilespmem:v25+s9+$0x0], $0xffff;
	v25 =	vor.u32 v9, v12  }
0x16b: {  	v37 =	vmov s22;
	s20 =	sor.u32 s8, s2;
	s25 =	simm.s32 $0x16;
	s8 =	simm.s32 $0x15;
	v9 =	vadd.s32 v3, v5;
	v5 =	vadd.s32 v0, v25;
	v22 =	vld.idx.msk [tilespmem:v22+s9+$0x0], $0xffff  }
0x16c: {  	s21 =	sor.u32 s16, s2;
	s16 =	simm.s32 $0x13;
	v38 =	vmov s25;
	v53 =	vmov s8;
	v12 =	vadd.s32 v2, v7  }
0x16d: {  	v43 =	vmov s16;
	v13 =	vadd.s32 v0, v11;
	v4 =	vmul.f32 $8.000000000e+00, v4  }
0x16e: {  	v17 =	vld.idx.msk [tilespmem:v17+s9+$0x0], $0xffff;
	v16 =	vadd.s32 v2, v8;
	v8 =	vadd.s32 v1, v20;
	v15 =	vmul.f32 $8.000000000e+00, v15  }
0x16f: {  	v27 =	vadd.s32 v1, v10;
	v33 =	vadd.s32 v2, v10;
	v6 =	vmul.f32 $8.000000000e+00, v6;
	v23 =	vld.idx.msk [tilespmem:v23+s9+$0x0], $0xffff;
	[tilespmem:s12+$0x30] =	vst v4  }
0x170: {  	v40 =	vshll.u32 v38, $0x3;
	v44 =	vshll.u32 v53, $0x3;
	[tilespmem:s13+$0x10] =	vst v15;
	v31 =	vld.idx.msk [tilespmem:v5+s9+$0x0], $0xffff;
	v5 =	vmul.f32 $8.000000000e+00, v22  }
0x171: {  	v32 =	vadd.s32 v2, v20;
	v20 =	vadd.s32 v3, v20;
	[tilespmem:s15+$0x10] =	vst v6;
	v14 =	vmul.f32 $8.000000000e+00, v14;
	v12 =	vld.idx.msk [tilespmem:v12+s9+$0x0], $0xffff  }
0x172: {  	s17 =	simm.s32 $0xB;
	v54 =	vand.u32 $0x400, v40;
	v42 =	vadd.s32 v2, v24;
	v26 =	vadd.s32 v2, v25;
	v13 =	vld.idx.msk [tilespmem:v13+s9+$0x0], $0xffff;
	[tilespmem:s21+$0x0] =	vst v5  }
0x173: {  	s14 =	simm.s32 $0xD;
	v17 =	vmul.f32 $8.000000000e+00, v17;
	v6 =	vmov s17;
	[tilespmem:s20+$0x0] =	vst v14;
	v4 =	vand.u32 $0x400, v29;
	v8 =	vld.idx.msk [tilespmem:v8+s9+$0x0], $0xffff  }
0x174: {  	v29 =	vmov s14;
	v15 =	vmul.f32 $8.000000000e+00, v23;
	v23 =	vadd.s32 v1, v25;
	v22 =	vld.idx.msk [tilespmem:v27+s9+$0x0], $0xffff  }
0x175: {  	v4 =	vor.u32 v30, v4;
	v14 =	vshll.u32 v29, $0x3;
	v27 =	vand.u32 $0x7D, v29;
	v29 =	vld.idx.msk [tilespmem:v16+s9+$0x0], $0xffff  }
0x176: {  	s23 =	simm.s32 $0x300;
	v30 =	vadd.s32 v1, v11;
	v16 =	vshll.u32 v6, $0x3;
	v14 =	vand.u32 $0x7FFFFC00, v14  }
0x177: {  	s6 =	sand.u32 $0x300, s23;
	v6 =	vand.u32 $0x7B, v6;
	v12 =	vmul.f32 $8.000000000e+00, v12;
	v5 =	vor.u32 v27, v14  }
0x178: {  	s30 =	simm.s32 $0x14;
	s10 =	sor.u32 s6, s2;
	v14 =	vand.u32 $0x7FFFFC00, v16;
	v27 =	vadd.s32 v1, v24;
	v8 =	vmul.f32 $8.000000000e+00, v8  }
0x179: {  	v13 =	vmul.f32 $8.000000000e+00, v13;
	[tilespmem:s10+$0x0] =	vst v15;
	v15 =	vmov s30;
	v6 =	vor.u32 v6, v14  }
0x17a: {  	s24 =	simm.s32 $0x10;
	v14 =	vmul.f32 $8.000000000e+00, v22;
	v22 =	vmul.f32 $8.000000000e+00, v29;
	v29 =	vadd.s32 v3, v7;
	[tilespmem:s21+$0x10] =	vst v8  }
0x17b: {  	v16 =	vadd.s32 v2, v11;
	v7 =	vadd.s32 v3, v10;
	v10 =	vmov s24;
	v32 =	vld.idx.msk [tilespmem:v32+s9+$0x0], $0xffff  }
0x17c: {  	[tilespmem:s7+$0x20] =	vst v17;
	v11 =	vadd.s32 v3, v11;
	v31 =	vmul.f32 $8.000000000e+00, v31;
	v39 =	vshll.u32 v10, $0x3  }
0x17d: {  	s26 =	simm.s32 $0x200;
	s14 =	simm.s32 $0x12;
	v10 =	vand.u32 $0x78, v10;
	v41 =	vld.idx.msk [tilespmem:v27+s9+$0x0], $0xffff;
	v27 =	vand.u32 $0x7E, v38;
	[tilespmem:s20+$0x10] =	vst v14;
	v39 =	vand.u32 $0x400, v39  }
0x17e: {  	s31 =	sand.u32 $0x200, s26;
	[tilespmem:s13+$0x20] =	vst v12;
	v27 =	vor.u32 v27, v54;
	v33 =	vld.idx.msk [tilespmem:v33+s9+$0x0], $0xffff;
	v10 =	vor.u32 v10, v39;
	v8 =	vmov s14  }
0x17f: {  	[tilespmem:s12+$0x40] =	vst v31;
	v56 =	vadd.s32 v0, v27;
	s14 =	sor.u32 s31, s2;
	v17 =	vld.idx.msk [tilespmem:v29+s9+$0x0], $0xffff;
	v29 =	vshll.u32 v37, $0x3;
	v55 =	vshll.u32 v8, $0x3  }
0x180: {  	v23 =	vld.idx.msk [tilespmem:v23+s9+$0x0], $0xffff;
	[tilespmem:s14+$0x0] =	vst v13;
	v8 =	vand.u32 $0x7A, v8;
	v12 =	vand.u32 $0x400, v55;
	v32 =	vmul.f32 $8.000000000e+00, v32  }
0x181: {  	[tilespmem:s15+$0x20] =	vst v22;
	v22 =	vand.u32 $0x7FFFFC00, v29;
	v29 =	vadd.s32 v0, v10;
	v30 =	vld.idx.msk [tilespmem:v30+s9+$0x0], $0xffff;
	v14 =	vor.u32 v8, v12  }
0x182: {  	v54 =	vand.u32 $0x7FFFFC00, v44;
	v13 =	vshll.u32 v15, $0x3;
	v12 =	vld.idx.msk [tilespmem:v9+s9+$0x0], $0xffff;
	v57 =	vadd.s32 v0, v14;
	[tilespmem:s21+$0x20] =	vst v32  }
0x183: {  	v8 =	vand.u32 $0x7C, v15;
	v9 =	vand.u32 $0x400, v13;
	v13 =	vld.idx.msk [tilespmem:v20+s9+$0x0], $0xffff;
	v20 =	vand.u32 $0x7F, v37  }
0x184: {  	v58 =	vmul.f32 $8.000000000e+00, v41;
	v15 =	vor.u32 v8, v9;
	v8 =	vor.u32 v20, v22;
	v20 =	vld.idx.msk [tilespmem:v28+s9+$0x0], $0xffff  }
0x185: {  	v44 =	vadd.s32 v3, v25;
	v31 =	vadd.s32 v1, v27;
	v45 =	vmul.f32 $8.000000000e+00, v23;
	v40 =	vld.idx.msk [tilespmem:v56+s9+$0x0], $0xffff  }
0x186: {  	v41 =	vadd.s32 v2, v19;
	[tilespmem:s10+$0x10] =	vst v58;
	v52 =	vadd.s32 v1, v14;
	v17 =	vmul.f32 $8.000000000e+00, v17;
	v63 =	vld.idx.msk [tilespmem:v29+s9+$0x0], $0xffff  }
0x187: {  	v39 =	vadd.s32 v2, v14;
	[tilespmem:s12+$0x50] =	vst v45;
	v29 =	vadd.s32 v1, v10;
	v59 =	vmul.f32 $8.000000000e+00, v12;
	v60 =	vld.idx.msk [tilespmem:v57+s9+$0x0], $0xffff  }
0x188: {  	v45 =	vld.idx.msk [tilespmem:v26+s9+$0x0], $0xffff;
	v26 =	vadd.s32 v3, v21;
	[tilespmem:s13+$0x30] =	vst v17;
	v28 =	vmul.f32 $8.000000000e+00, v30;
	v30 =	vmul.f32 $8.000000000e+00, v33  }
0x189: {  	s6 =	simm.s32 $0x11;
	v58 =	vld.idx.msk [tilespmem:v34+s9+$0x0], $0xffff;
	v34 =	vadd.s32 v2, v27;
	v22 =	vadd.s32 v0, v15;
	[tilespmem:s7+$0x30] =	vst v59;
	v20 =	vmul.f32 $8.000000000e+00, v20  }
0x18a: {  	s25 =	simm.s32 $0x800;
	v12 =	vmov s6;
	v32 =	vadd.s32 v3, v18;
	v61 =	vadd.s32 v0, v8;
	v36 =	vld.idx.msk [tilespmem:v36+s9+$0x0], $0xffff;
	[tilespmem:s20+$0x20] =	vst v30  }
0x18b: {  	s22 =	simm.s32 $0x480;
	s17 =	sand.u32 $0x7800, s25;
	v62 =	vand.u32 $0x79, v12;
	v12 =	vshll.u32 v12, $0x3;
	v30 =	vld.idx.msk [tilespmem:v42+s9+$0x0], $0xffff;
	v13 =	vmul.f32 $8.000000000e+00, v13;
	[tilespmem:s15+$0x30] =	vst v20  }
0x18c: {  	s1 =	sadd.s32 $0x14000, s17;
	s2 =	sand.u32 $0x280, s22;
	v12 =	vand.u32 $0x400, v12;
	v59 =	vadd.s32 v1, v18;
	[tilespmem:s14+$0x10] =	vst v28;
	v17 =	vmul.f32 $8.000000000e+00, v60;
	v55 =	vld.idx.msk [tilespmem:v35+s9+$0x0], $0xffff  }
0x18d: {  	s26 =	simm.s32 $0x580;
	s16 =	sor.u32 s2, s1;
	v56 =	vand.u32 $0x7B, v43;
	v9 =	vadd.s32 v2, v8;
	v12 =	vor.u32 v62, v12;
	v48 =	vld.idx.msk [tilespmem:v16+s9+$0x0], $0xffff;
	[tilespmem:s21+$0x30] =	vst v13  }
0x18e: {  	s23 =	sand.u32 $0x380, s26;
	v49 =	vmul.f32 $8.000000000e+00, v63;
	v42 =	vadd.s32 v2, v18;
	v22 =	vld.idx.msk [tilespmem:v22+s9+$0x0], $0xffff;
	[tilespmem:s16+$0x0] =	vst v17;
	v17 =	vmul.f32 $8.000000000e+00, v40  }
0x18f: {  	s6 =	sor.u32 s23, s1;
	v18 =	vadd.s32 v0, v6;
	v16 =	vadd.s32 v2, v10;
	v62 =	vmul.f32 $8.000000000e+00, v58;
	v37 =	vld.idx.msk [tilespmem:v61+s9+$0x0], $0xffff  }
0x190: {  	v13 =	vand.u32 $0x7D, v53;
	v63 =	vmul.f32 $8.000000000e+00, v36;
	v40 =	vadd.s32 v2, v21;
	v28 =	vld.idx.msk [tilespmem:v52+s9+$0x0], $0xffff;
	[tilespmem:s6+$0x0] =	vst v17  }
0x191: {  	v20 =	vshll.u32 v43, $0x3;
	v61 =	vadd.s32 v1, v21;
	v31 =	vld.idx.msk [tilespmem:v31+s9+$0x0], $0xffff;
	v60 =	vmul.f32 $8.000000000e+00, v55  }
0x192: {  	[tilespmem:s13+$0x40] =	vst v62;
	v13 =	vor.u32 v13, v54;
	v57 =	vand.u32 $0x7FFFFC00, v20;
	v35 =	vadd.s32 v1, v15  }
0x193: {  	s24 =	simm.s32 $0x400;
	v20 =	vadd.s32 v1, v8;
	v21 =	vmul.f32 $8.000000000e+00, v48;
	v17 =	vor.u32 v56, v57;
	[tilespmem:s15+$0x40] =	vst v60  }
0x194: {  	s30 =	simm.s32 $0x500;
	s2 =	sand.u32 $0x200, s24;
	[tilespmem:s7+$0x40] =	vst v63;
	v38 =	vmul.f32 $8.000000000e+00, v22;
	v22 =	vadd.s32 v3, v19;
	v19 =	vadd.s32 v0, v5;
	v46 =	vld.idx.msk [tilespmem:v59+s9+$0x0], $0xffff  }
0x195: {  	s28 =	simm.s32 $0x17;
	s31 =	sand.u32 $0x300, s30;
	s22 =	sor.u32 s2, s1;
	v43 =	vld.idx.msk [tilespmem:v47+s9+$0x0], $0xffff;
	[tilespmem:s14+$0x20] =	vst v21;
	v21 =	vadd.s32 v0, v4;
	v23 =	vmul.f32 $8.000000000e+00, v37;
	v36 =	vmul.f32 $8.000000000e+00, v28  }
0x196: {  	s29 =	simm.s32 $0x8;
	s2 =	simm.s32 $0x1F;
	s23 =	sor.u32 s31, s1;
	[tilespmem:s22+$0x0] =	vst v49;
	v37 =	vadd.s32 v3, v27;
	v47 =	vld.idx.msk [tilespmem:v61+s9+$0x0], $0xffff;
	v28 =	vmul.f32 $8.000000000e+00, v31;
	v31 =	vadd.s32 v3, v24  }
.LBB2_8:
0x197: {  	s1 =	sadd.s32 $0xFFFFFFF9, s2;
	s8 =	sadd.s32 $0xFFFFFFFB, s2;
	s17 =	sadd.s32 $0xFFFFFFFD, s2;
	v29 =	vld.idx.msk [tilespmem:v29+s9+$0x0], $0xffff;
	[tilespmem:s16+$0x10] =	vst v36;
	v14 =	vadd.s32 v3, v14;
	v48 =	vmov s28;
	v45 =	vmul.f32 $8.000000000e+00, v45;
	v24 =	vmovc v15;
	v25 =	vmovc v8  }
0x198: {  	s29 =	sadd.s32 $0x4, s29;
	v50 =	vmul.f32 $8.000000000e+00, v30;
	v30 =	vmovc v9;
	v27 =	vmovc v4;
	s28 =	smov.u32 s2;
	v8 =	vmov s1;
	v15 =	vmov s8;
	s1 =	sadd.s32 $0xFFFFFFFF, s2;
	v39 =	vld.idx.msk [tilespmem:v39+s9+$0x0], $0xffff;
	[tilespmem:s6+$0x10] =	vst v28  }
0x199: {  	v4 =	vmovc v12;
	p2 =	slt.u32 s29, $0x7C;
	v28 =	vmovc v5;
	v9 =	vshll.u32 v8, $0x3;
	v49 =	vmov s1;
	[tilespmem:s23+$0x0] =	vst v38;
	v34 =	vld.idx.msk [tilespmem:v34+s9+$0x0], $0xffff;
	v38 =	vmul.f32 $8.000000000e+00, v46  }
0x19a: {  	v33 =	vmovc v6;
	v12 =	vmov s17;
	v36 =	vadd.s32 v2, v24;
	v5 =	vmovc v13;
	v46 =	vshll.u32 v49, $0x3;
	v35 =	vld.idx.msk [tilespmem:v35+s9+$0x0], $0xffff;
	[tilespmem:s10+$0x20] =	vst v50  }
0x19b: {  	v6 =	vmovc v17;
	v13 =	vand.u32 $0x7E, v49;
	v46 =	vand.u32 $0x400, v46;
	v49 =	vld.idx.msk [tilespmem:v31+s9+$0x0], $0xffff;
	[tilespmem:s15+$0x50] =	vst v38;
	v38 =	vmul.f32 $8.000000000e+00, v47  }
0x19c: {  	v17 =	vshll.u32 v12, $0x3;
	v43 =	vmul.f32 $8.000000000e+00, v43;
	v31 =	vor.u32 v13, v46;
	v13 =	vld.idx.msk [tilespmem:v7+s9+$0x0], $0xffff;
	[tilespmem:s12+$0x60] =	vst v45;
	v7 =	vmovc v14  }
0x19d: {  	v14 =	vshll.u32 v15, $0x3;
	v46 =	vshll.u32 v48, $0x3;
	v45 =	vadd.s32 v0, v31;
	v42 =	vld.idx.msk [tilespmem:v42+s9+$0x0], $0xffff;
	[tilespmem:s7+$0x50] =	vst v38  }
0x19e: {  	v9 =	vand.u32 $0x400, v9;
	v15 =	vand.u32 $0x7A, v15;
	v14 =	vand.u32 $0x400, v14;
	v38 =	vld.idx.msk [tilespmem:v40+s9+$0x0], $0xffff;
	[tilespmem:s13+$0x50] =	vst v43  }
0x19f: {  	v8 =	vand.u32 $0x78, v8;
	v14 =	vor.u32 v15, v14;
	v15 =	vmul.f32 $8.000000000e+00, v34;
	[tilespmem:s21+$0x40] =	vst v23;
	v23 =	vld.idx.msk [tilespmem:v41+s9+$0x0], $0xffff  }
0x1a0: {  	v34 =	vor.u32 v8, v9;
	v40 =	vadd.s32 v0, v14;
	v8 =	vmul.f32 $8.000000000e+00, v35;
	v35 =	vld.idx.msk [tilespmem:v44+s9+$0x0], $0xffff  }
0x1a1: {  	v9 =	vand.u32 $0x7C, v12;
	v12 =	vand.u32 $0x400, v17;
	v41 =	vadd.s32 v0, v34;
	[tilespmem:s6+$0x20] =	vst v15;
	v17 =	vld.idx.msk [tilespmem:v20+s9+$0x0], $0xffff  }
0x1a2: {  	v15 =	vor.u32 v9, v12;
	v9 =	vand.u32 $0x7F, v48;
	v20 =	vand.u32 $0x7FFFFC00, v46;
	v12 =	vld.idx.msk [tilespmem:v37+s9+$0x0], $0xffff  }
0x1a3: {  	v37 =	vadd.s32 v0, v15;
	v42 =	vmul.f32 $8.000000000e+00, v42;
	[tilespmem:s23+$0x10] =	vst v8;
	v8 =	vor.u32 v9, v20;
	v20 =	vld.idx.msk [tilespmem:v11+s9+$0x0], $0xffff  }
0x1a4: {  	v29 =	vmul.f32 $8.000000000e+00, v29;
	v43 =	vmul.f32 $8.000000000e+00, v49;
	v9 =	vadd.s32 v2, v8  }
0x1a5: {  	v39 =	vmul.f32 $8.000000000e+00, v39;
	v11 =	vadd.s32 v3, v10;
	v10 =	vmovc v34;
	v23 =	vmul.f32 $8.000000000e+00, v23;
	v40 =	vld.idx.msk [tilespmem:v40+s9+$0x0], $0xffff;
	[tilespmem:s15+$0x60] =	vst v42  }
0x1a6: {  	s25 =	sadd.s32 $0x400, s25;
	s1 =	sadd.s32 $0xFFFFFFFA, s2;
	v34 =	vmul.f32 $8.000000000e+00, v13;
	v42 =	vadd.s32 v1, v31;
	[tilespmem:s22+$0x10] =	vst v29;
	v13 =	vld.idx.msk [tilespmem:v32+s9+$0x0], $0xffff;
	v29 =	vmul.f32 $8.000000000e+00, v35  }
0x1a7: {  	s26 =	sadd.s32 $0x200, s26;
	v38 =	vmul.f32 $8.000000000e+00, v38;
	v32 =	vmov s1;
	s1 =	sand.u32 $0x7800, s25;
	v35 =	vadd.s32 v0, v8;
	v41 =	vld.idx.msk [tilespmem:v41+s9+$0x0], $0xffff;
	[tilespmem:s13+$0x60] =	vst v23  }
0x1a8: {  	s8 =	sand.u32 $0x380, s26;
	s1 =	sadd.s32 $0x14000, s1;
	v23 =	vand.u32 $0x79, v32;
	v32 =	vshll.u32 v32, $0x3;
	v44 =	vmul.f32 $8.000000000e+00, v12;
	v37 =	vld.idx.msk [tilespmem:v37+s9+$0x0], $0xffff;
	[tilespmem:s12+$0x70] =	vst v29;
	s12 =	smov.u32 s21  }
0x1a9: {  	s17 =	sadd.s32 $0xFFFFFFFC, s2;
	v12 =	vand.u32 $0x400, v32;
	v32 =	vadd.s32 v1, v14;
	s21 =	sadd.s32 $0xFFFFFFFE, s2;
	s8 =	sor.u32 s8, s1;
	v20 =	vmul.f32 $8.000000000e+00, v20;
	v45 =	vld.idx.msk [tilespmem:v45+s9+$0x0], $0xffff;
	[tilespmem:s7+$0x60] =	vst v38  }
0x1aa: {  	v12 =	vor.u32 v23, v12;
	v23 =	vmov s17;
	s17 =	sadd.s32 $0xFFFFFF00, s26;
	v38 =	vmov s21;
	s21 =	smov.u32 s6;
	[tilespmem:s6+$0x30] =	vst v44;
	v26 =	vld.idx.msk [tilespmem:v26+s9+$0x0], $0xffff;
	s6 =	smov.u32 s8  }
0x1ab: {  	v29 =	vadd.s32 v1, v10;
	s8 =	sand.u32 $0x280, s17;
	v44 =	vshll.u32 v23, $0x3;
	v46 =	vshll.u32 v38, $0x3;
	[tilespmem:s14+$0x30] =	vst v20;
	v22 =	vld.idx.msk [tilespmem:v22+s9+$0x0], $0xffff  }
0x1ac: {  	s8 =	sor.u32 s8, s1;
	v20 =	vand.u32 $0x7D, v38;
	v38 =	vand.u32 $0x7FFFFC00, v46;
	v21 =	vld.idx.msk [tilespmem:v21+s9+$0x0], $0xffff;
	[tilespmem:s10+$0x30] =	vst v43;
	v43 =	vmul.f32 $8.000000000e+00, v13  }
0x1ad: {  	v40 =	vmul.f32 $8.000000000e+00, v40;
	v23 =	vand.u32 $0x7B, v23;
	v13 =	vor.u32 v20, v38;
	[tilespmem:s16+$0x20] =	vst v39;
	v46 =	vld.idx.msk [tilespmem:v35+s9+$0x0], $0xffff  }
0x1ae: {  	v47 =	vadd.s32 v1, v28;
	s17 =	sadd.s32 $0xFFFFFE80, s26;
	v44 =	vand.u32 $0x7FFFFC00, v44;
	[tilespmem:s20+$0x30] =	vst v34;
	v19 =	vld.idx.msk [tilespmem:v19+s9+$0x0], $0xffff  }
0x1af: {  	s24 =	sadd.s32 $0xFFFFFF80, s26;
	s17 =	sand.u32 $0x200, s17;
	v35 =	vadd.s32 v1, v15;
	v20 =	vmul.f32 $8.000000000e+00, v45;
	v34 =	vadd.s32 v2, v31;
	[tilespmem:s8+$0x0] =	vst v40;
	v18 =	vld.idx.msk [tilespmem:v18+s9+$0x0], $0xffff  }
0x1b0: {  	s24 =	sand.u32 $0x300, s24;
	v48 =	vadd.s32 v1, v27;
	s17 =	sor.u32 s17, s1;
	v40 =	vld.idx.msk [tilespmem:v32+s9+$0x0], $0xffff;
	v32 =	vmul.f32 $8.000000000e+00, v17;
	[tilespmem:s15+$0x70] =	vst v43;
	v17 =	vmul.f32 $8.000000000e+00, v26;
	s15 =	smov.u32 s14  }
0x1b1: {  	s1 =	sor.u32 s24, s1;
	v38 =	vmul.f32 $8.000000000e+00, v37;
	v43 =	vmul.f32 $8.000000000e+00, v22;
	s14 =	smov.u32 s22;
	s22 =	smov.u32 s17;
	[tilespmem:s6+$0x0] =	vst v20;
	v37 =	vld.idx.msk [tilespmem:v16+s9+$0x0], $0xffff;
	v20 =	vadd.s32 v1, v8  }
0x1b2: {  	v49 =	vmul.f32 $8.000000000e+00, v41;
	v39 =	vadd.s32 v2, v14;
	v21 =	vmul.f32 $8.000000000e+00, v21;
	v50 =	vld.idx.msk [tilespmem:v42+s9+$0x0], $0xffff;
	[tilespmem:s7+$0x70] =	vst v17;
	s7 =	smov.u32 s20;
	s20 =	smov.u32 s16;
	s16 =	smov.u32 s8  }
0x1b3: {  	v17 =	vor.u32 v23, v44;
	v23 =	vmul.f32 $8.000000000e+00, v46;
	v44 =	vadd.s32 v1, v33;
	[tilespmem:s12+$0x50] =	vst v32  }
0x1b4: {  	v22 =	vadd.s32 v3, v28;
	v16 =	vadd.s32 v2, v10;
	v19 =	vmul.f32 $8.000000000e+00, v19;
	[tilespmem:s15+$0x40] =	vst v21;
	v45 =	vld.idx.msk [tilespmem:v30+s9+$0x0], $0xffff  }
.Ltmp7:
0x1b5: {  	v26 =	vadd.s32 v3, v33;
	v32 =	vadd.s32 v3, v27;
	v21 =	vmul.f32 $8.000000000e+00, v18;
	v30 =	vld.idx.msk [tilespmem:v36+s9+$0x0], $0xffff;
	[tilespmem:s13+$0x70] =	vst v43;
	s13 =	smov.u32 s10;
	s10 =	smov.u32 s23;
	(pc) =	sbr.rel @p2 .LBB2_8-.Ltmp7, $4  }
0x1b6: {  	v42 =	vadd.s32 v2, v27;
	v36 =	vmul.f32 $8.000000000e+00, v40;
	v40 =	vadd.s32 v2, v33;
	s23 =	smov.u32 s1;
	v46 =	vld.idx.msk [tilespmem:v48+s9+$0x0], $0xffff;
	[tilespmem:s13+$0x40] =	vst v19  }
0x1b7: {  	v41 =	vadd.s32 v2, v28;
	v18 =	vadd.s32 v0, v6;
	v27 =	vmul.f32 $8.000000000e+00, v37;
	[tilespmem:s7+$0x40] =	vst v21;
	v43 =	vld.idx.msk [tilespmem:v47+s9+$0x0], $0xffff  }
0x1b8: {  	v37 =	vadd.s32 v3, v31;
	v19 =	vadd.s32 v0, v5;
	v28 =	vmul.f32 $8.000000000e+00, v50;
	[tilespmem:s22+$0x0] =	vst v49;
	v47 =	vld.idx.msk [tilespmem:v44+s9+$0x0], $0xffff  }
0x1b9: {  	s2 =	sadd.s32 $0x8, s2;
	v31 =	vadd.s32 v3, v24;
	v21 =	vadd.s32 v0, v4;
	v44 =	vadd.s32 v3, v25;
	[tilespmem:s14+$0x20] =	vst v27  }
0x1ba: {  	_ =	sdelay $0x2  }
0x1bb: {  	[tilespmem:s23+$0x0] =	vst v38  }
0x1bc: {  	v29 =	vld.idx.msk [tilespmem:v29+s9+$0x0], $0xffff;
	[tilespmem:s6+$0x10] =	vst v28  }
0x1bd: {  	[tilespmem:s16+$0x10] =	vst v36;
	v11 =	vld.idx.msk [tilespmem:v11+s9+$0x0], $0xffff;
	v24 =	vmul.f32 $8.000000000e+00, v46  }
0x1be: {  	v27 =	vmul.f32 $8.000000000e+00, v45;
	v7 =	vld.idx.msk [tilespmem:v7+s9+$0x0], $0xffff;
	[tilespmem:s21+$0x40] =	vst v23  }
0x1bf: {  	v50 =	vmul.f32 $8.000000000e+00, v30;
	v35 =	vld.idx.msk [tilespmem:v35+s9+$0x0], $0xffff;
	[tilespmem:s15+$0x50] =	vst v24  }
0x1c0: {  	[tilespmem:s12+$0x60] =	vst v27;
	v33 =	vmul.f32 $8.000000000e+00, v43;
	v24 =	vld.idx.msk [tilespmem:v42+s9+$0x0], $0xffff  }
0x1c1: {  	v28 =	vld.idx.msk [tilespmem:v34+s9+$0x0], $0xffff;
	[tilespmem:s10+$0x20] =	vst v50;
	v25 =	vmul.f32 $8.000000000e+00, v47  }
0x1c2: {  	v27 =	vld.idx.msk [tilespmem:v44+s9+$0x0], $0xffff;
	v44 =	vadd.s32 v2, v15;
	[tilespmem:s13+$0x50] =	vst v33;
	v45 =	vmul.f32 $8.000000000e+00, v29  }
0x1c3: {  	v48 =	vld.idx.msk [tilespmem:v39+s9+$0x0], $0xffff;
	[tilespmem:s7+$0x50] =	vst v25;
	v11 =	vmul.f32 $8.000000000e+00, v11  }
0x1c4: {  	v20 =	vld.idx.msk [tilespmem:v20+s9+$0x0], $0xffff;
	v46 =	vmul.f32 $8.000000000e+00, v35;
	[tilespmem:s22+$0x10] =	vst v45  }
0x1c5: {  	[tilespmem:s14+$0x30] =	vst v11;
	v16 =	vld.idx.msk [tilespmem:v16+s9+$0x0], $0xffff;
	v24 =	vmul.f32 $8.000000000e+00, v24  }
0x1c6: {  	v54 =	vld.idx.msk [tilespmem:v31+s9+$0x0], $0xffff;
	v7 =	vmul.f32 $8.000000000e+00, v7;
	[tilespmem:s23+$0x10] =	vst v46  }
0x1c7: {  	v51 =	vmul.f32 $8.000000000e+00, v28;
	[tilespmem:s15+$0x60] =	vst v24;
	v24 =	vld.idx.msk [tilespmem:v44+s9+$0x0], $0xffff  }
0x1c8: {  	v10 =	vadd.s32 v3, v10;
	v33 =	vld.idx.msk [tilespmem:v41+s9+$0x0], $0xffff;
	v55 =	vmul.f32 $8.000000000e+00, v48;
	[tilespmem:s20+$0x30] =	vst v7  }
0x1c9: {  	v14 =	vadd.s32 v3, v14;
	v25 =	vld.idx.msk [tilespmem:v40+s9+$0x0], $0xffff;
	v20 =	vmul.f32 $8.000000000e+00, v20;
	[tilespmem:s6+$0x20] =	vst v51  }
0x1ca: {  	v52 =	vadd.s32 v3, v15;
	[tilespmem:s16+$0x20] =	vst v55;
	v21 =	vld.idx.msk [tilespmem:v21+s9+$0x0], $0xffff;
	v16 =	vmul.f32 $8.000000000e+00, v16  }
0x1cb: {  	v53 =	vmov s28;
	v42 =	vmul.f32 $8.000000000e+00, v27;
	v18 =	vld.idx.msk [tilespmem:v18+s9+$0x0], $0xffff;
	[tilespmem:s21+$0x50] =	vst v20  }
0x1cc: {  	v56 =	vshll.u32 v53, $0x3;
	v57 =	vld.idx.msk [tilespmem:v37+s9+$0x0], $0xffff;
	[tilespmem:s22+$0x20] =	vst v16;
	v58 =	vmul.f32 $8.000000000e+00, v24  }
0x1cd: {  	v59 =	vand.u32 $0x7F, v53;
	v60 =	vand.u32 $0x7FFFFC00, v56;
	[tilespmem:s12+$0x70] =	vst v42;
	v47 =	vmul.f32 $8.000000000e+00, v33;
	v10 =	vld.idx.msk [tilespmem:v10+s9+$0x0], $0xffff  }
0x1ce: {  	v62 =	vmul.f32 $8.000000000e+00, v54;
	v14 =	vld.idx.msk [tilespmem:v14+s9+$0x0], $0xffff;
	v24 =	vor.u32 v59, v60;
	[tilespmem:s23+$0x20] =	vst v58  }
0x1cf: {  	v25 =	vmul.f32 $8.000000000e+00, v25;
	[tilespmem:s13+$0x60] =	vst v47;
	v61 =	vadd.s32 v0, v24;
	v15 =	vld.idx.msk [tilespmem:v52+s9+$0x0], $0xffff  }
0x1d0: {  	v63 =	vadd.s32 v0, v12;
	[tilespmem:s10+$0x30] =	vst v62;
	v22 =	vld.idx.msk [tilespmem:v22+s9+$0x0], $0xffff;
	v21 =	vmul.f32 $8.000000000e+00, v21  }
0x1d1: {  	v29 =	vadd.s32 v0, v17;
	v9 =	vld.idx.msk [tilespmem:v9+s9+$0x0], $0xffff;
	[tilespmem:s7+$0x60] =	vst v25;
	v28 =	vmul.f32 $8.000000000e+00, v57  }
0x1d2: {  	v30 =	vadd.s32 v0, v13;
	v19 =	vld.idx.msk [tilespmem:v19+s9+$0x0], $0xffff;
	[tilespmem:s14+$0x40] =	vst v21;
	v10 =	vmul.f32 $8.000000000e+00, v10  }
0x1d3: {  	v31 =	vadd.s32 v1, v4;
	v43 =	vld.idx.msk [tilespmem:v32+s9+$0x0], $0xffff;
	v14 =	vmul.f32 $8.000000000e+00, v14;
	[tilespmem:s6+$0x30] =	vst v28  }
0x1d4: {  	v16 =	vld.idx.msk [tilespmem:v61+s9+$0x0], $0xffff;
	[tilespmem:s22+$0x30] =	vst v10;
	v15 =	vmul.f32 $8.000000000e+00, v15  }
0x1d5: {  	v33 =	vadd.s32 v1, v5;
	[tilespmem:s16+$0x30] =	vst v14;
	v22 =	vmul.f32 $8.000000000e+00, v22;
	v11 =	vld.idx.msk [tilespmem:v63+s9+$0x0], $0xffff  }
0x1d6: {  	v32 =	vadd.s32 v1, v6;
	v18 =	vmul.f32 $8.000000000e+00, v18;
	v7 =	vld.idx.msk [tilespmem:v29+s9+$0x0], $0xffff;
	[tilespmem:s23+$0x30] =	vst v15  }
0x1d7: {  	v19 =	vmul.f32 $8.000000000e+00, v19;
	v34 =	vadd.s32 v1, v24;
	[tilespmem:s13+$0x70] =	vst v22;
	v22 =	vld.idx.msk [tilespmem:v30+s9+$0x0], $0xffff  }
0x1d8: {  	v35 =	vadd.s32 v1, v12;
	v9 =	vmul.f32 $8.000000000e+00, v9;
	[tilespmem:s20+$0x40] =	vst v18;
	v36 =	vld.idx.msk [tilespmem:v31+s9+$0x0], $0xffff  }
0x1d9: {  	v37 =	vadd.s32 v1, v17;
	v26 =	vld.idx.msk [tilespmem:v26+s9+$0x0], $0xffff;
	[tilespmem:s10+$0x40] =	vst v19;
	v16 =	vmul.f32 $8.000000000e+00, v16  }
0x1da: {  	v38 =	vadd.s32 v1, v13;
	[tilespmem:s21+$0x60] =	vst v9;
	v14 =	vld.idx.msk [tilespmem:v33+s9+$0x0], $0xffff;
	v11 =	vmul.f32 $8.000000000e+00, v11  }
0x1db: {  	v39 =	vadd.s32 v2, v4;
	v7 =	vmul.f32 $8.000000000e+00, v7;
	v10 =	vld.idx.msk [tilespmem:v32+s9+$0x0], $0xffff;
	[tilespmem:s6+$0x40] =	vst v16  }
0x1dc: {  	v15 =	vld.idx.msk [tilespmem:v34+s9+$0x0], $0xffff;
	[tilespmem:s22+$0x40] =	vst v11;
	v40 =	vmul.f32 $8.000000000e+00, v22  }
0x1dd: {  	v42 =	vadd.s32 v2, v5;
	v23 =	vmul.f32 $8.000000000e+00, v36;
	[tilespmem:s16+$0x40] =	vst v7;
	v21 =	vld.idx.msk [tilespmem:v35+s9+$0x0], $0xffff  }
0x1de: {  	v41 =	vadd.s32 v2, v6;
	v27 =	vmul.f32 $8.000000000e+00, v43;
	v49 =	vmul.f32 $8.000000000e+00, v26;
	v43 =	vld.idx.msk [tilespmem:v37+s9+$0x0], $0xffff;
	[tilespmem:s23+$0x40] =	vst v40  }
0x1df: {  	v44 =	vadd.s32 v2, v24;
	[tilespmem:s14+$0x50] =	vst v23;
	v14 =	vmul.f32 $8.000000000e+00, v14;
	v19 =	vld.idx.msk [tilespmem:v38+s9+$0x0], $0xffff  }
0x1e0: {  	v45 =	vadd.s32 v2, v12;
	[tilespmem:s7+$0x70] =	vst v49;
	v10 =	vmul.f32 $8.000000000e+00, v10;
	v16 =	vld.idx.msk [tilespmem:v39+s9+$0x0], $0xffff  }
0x1e1: {  	v47 =	vadd.s32 v2, v17;
	[tilespmem:s10+$0x50] =	vst v14;
	v46 =	vmul.f32 $8.000000000e+00, v15  }
0x1e2: {  	v48 =	vadd.s32 v2, v13;
	v7 =	vld.idx.msk [tilespmem:v42+s9+$0x0], $0xffff;
	[tilespmem:s20+$0x50] =	vst v10;
	v21 =	vmul.f32 $8.000000000e+00, v21  }
0x1e3: {  	v4 =	vadd.s32 v3, v4;
	v49 =	vmul.f32 $8.000000000e+00, v43;
	v22 =	vld.idx.msk [tilespmem:v41+s9+$0x0], $0xffff;
	[tilespmem:s6+$0x50] =	vst v46  }
0x1e4: {  	v8 =	vadd.s32 v3, v8;
	v50 =	vld.idx.msk [tilespmem:v44+s9+$0x0], $0xffff;
	[tilespmem:s22+$0x50] =	vst v21;
	v51 =	vmul.f32 $8.000000000e+00, v19  }
0x1e5: {  	v5 =	vadd.s32 v3, v5;
	[tilespmem:s16+$0x50] =	vst v49;
	v54 =	vmul.f32 $8.000000000e+00, v16;
	v53 =	vld.idx.msk [tilespmem:v45+s9+$0x0], $0xffff  }
0x1e6: {  	v52 =	vadd.s32 v3, v6;
	v15 =	vld.idx.msk [tilespmem:v47+s9+$0x0], $0xffff;
	[tilespmem:s23+$0x50] =	vst v51  }
0x1e7: {  	v56 =	vadd.s32 v3, v24;
	v7 =	vmul.f32 $8.000000000e+00, v7;
	[tilespmem:s14+$0x60] =	vst v54;
	v14 =	vld.idx.msk [tilespmem:v48+s9+$0x0], $0xffff  }
0x1e8: {  	v57 =	vadd.s32 v3, v12;
	[tilespmem:s15+$0x70] =	vst v27;
	v55 =	vmul.f32 $8.000000000e+00, v22;
	v4 =	vld.idx.msk [tilespmem:v4+s9+$0x0], $0xffff  }
0x1e9: {  	v8 =	vld.idx.msk [tilespmem:v8+s9+$0x0], $0xffff;
	v58 =	vadd.s32 v3, v17;
	[tilespmem:s10+$0x60] =	vst v7;
	v11 =	vmul.f32 $8.000000000e+00, v50  }
0x1ea: {  	v59 =	vadd.s32 v3, v13;
	v5 =	vld.idx.msk [tilespmem:v5+s9+$0x0], $0xffff;
	[tilespmem:s20+$0x60] =	vst v55;
	v60 =	vmul.f32 $8.000000000e+00, v53  }
0x1eb: {  	v6 =	vld.idx.msk [tilespmem:v52+s9+$0x0], $0xffff;
	v61 =	vmul.f32 $8.000000000e+00, v15;
	[tilespmem:s6+$0x60] =	vst v11  }
0x1ec: {  	v62 =	vld.idx.msk [tilespmem:v56+s9+$0x0], $0xffff;
	[tilespmem:s22+$0x60] =	vst v60;
	v63 =	vmul.f32 $8.000000000e+00, v14  }
0x1ed: {  	[tilespmem:s16+$0x60] =	vst v61;
	v4 =	vmul.f32 $8.000000000e+00, v4;
	v10 =	vld.idx.msk [tilespmem:v57+s9+$0x0], $0xffff  }
0x1ee: {  	v8 =	vmul.f32 $8.000000000e+00, v8;
	v9 =	vld.idx.msk [tilespmem:v58+s9+$0x0], $0xffff;
	[tilespmem:s23+$0x60] =	vst v63  }
0x1ef: {  	[tilespmem:s14+$0x70] =	vst v4;
	v4 =	vmul.f32 $8.000000000e+00, v5;
	v7 =	vld.idx.msk [tilespmem:v59+s9+$0x0], $0xffff  }
0x1f0: {  	[tilespmem:s21+$0x70] =	vst v8;
	v6 =	vmul.f32 $8.000000000e+00, v6  }
0x1f1: {  	[tilespmem:s10+$0x70] =	vst v4;
	v5 =	vmul.f32 $8.000000000e+00, v62  }
0x1f2: {  	[tilespmem:s20+$0x70] =	vst v6;
	v4 =	vmul.f32 $8.000000000e+00, v10  }
0x1f3: {  	[tilespmem:s6+$0x70] =	vst v5;
	v5 =	vmul.f32 $8.000000000e+00, v9  }
0x1f4: {  	[tilespmem:s22+$0x70] =	vst v4;
	v4 =	vmul.f32 $8.000000000e+00, v7  }
0x1f5: {  	s1 =	sshll.u32 s19, $0xB;
	[tilespmem:s16+$0x70] =	vst v5  }
0x1f6: {  	s2 =	simm.s32 $0x14000;
	s1 =	sadd.s32 s5, s1;
	[tilespmem:s23+$0x70] =	vst v4  }
0x1f7: {  	[hbm4b:s1+s3] =	stream.linear.scatter [tilespmem:s2], [sflag:$0x4], $0x400, $0x38;
	[tilespmem:$0x1D000] =	vst v63  }
0x1f8: {  	s24 =	simm.s32 $0x14800;
	s23 =	sadd.s32 $0x80, s1  }
0x1f9: {  	[hbm4b:s23+s3] =	stream.linear.scatter [tilespmem:s24], [sflag:$0x4], $0x400, $0x38;
	[tilespmem:$0x1D000] =	vst v63  }
0x1fa: {  	s26 =	simm.s32 $0x15000;
	s25 =	sadd.s32 $0x100, s1  }
0x1fb: {  	[hbm4b:s25+s3] =	stream.linear.scatter [tilespmem:s26], [sflag:$0x4], $0x400, $0x38;
	[tilespmem:$0x1D000] =	vst v63  }
0x1fc: {  	s29 =	simm.s32 $0x15800;
	s28 =	sadd.s32 $0x180, s1  }
0x1fd: {  	[hbm4b:s28+s3] =	stream.linear.scatter [tilespmem:s29], [sflag:$0x4], $0x400, $0x38;
	[tilespmem:$0x1D000] =	vst v63  }
0x1fe: {  	s31 =	simm.s32 $0x16000;
	s30 =	sadd.s32 $0x200, s1  }
0x1ff: {  	[hbm4b:s30+s3] =	stream.linear.scatter [tilespmem:s31], [sflag:$0x4], $0x400, $0x38;
	[tilespmem:$0x1D000] =	vst v63  }
0x200: {  	s8 =	simm.s32 $0x16800;
	s7 =	sadd.s32 $0x280, s1  }
0x201: {  	[hbm4b:s7+s3] =	stream.linear.scatter [tilespmem:s8], [sflag:$0x4], $0x400, $0x38;
	[tilespmem:$0x1D000] =	vst v63  }
0x202: {  	s12 =	simm.s32 $0x17000;
	s10 =	sadd.s32 $0x300, s1  }
0x203: {  	[hbm4b:s10+s3] =	stream.linear.scatter [tilespmem:s12], [sflag:$0x4], $0x400, $0x38;
	[tilespmem:$0x1D000] =	vst v63  }
0x204: {  	s13 =	sadd.s32 $0x380, s1;
	s14 =	simm.s32 $0x17800  }
0x205: {  	[hbm4b:s13+s3] =	stream.linear.scatter [tilespmem:s14], [sflag:$0x4], $0x400, $0x38;
	[tilespmem:$0x1D000] =	vst v63  }
0x206: {  	s15 =	sadd.s32 $0x400, s1;
	s16 =	simm.s32 $0x18000  }
0x207: {  	[hbm4b:s15+s3] =	stream.linear.scatter [tilespmem:s16], [sflag:$0x4], $0x400, $0x38;
	[tilespmem:$0x1D000] =	vst v63  }
0x208: {  	s19 =	simm.s32 $0x18800;
	s17 =	sadd.s32 $0x480, s1  }
0x209: {  	[hbm4b:s17+s3] =	stream.linear.scatter [tilespmem:s19], [sflag:$0x4], $0x400, $0x38;
	[tilespmem:$0x1D000] =	vst v63  }
0x20a: {  	s21 =	simm.s32 $0x19000;
	s20 =	sadd.s32 $0x500, s1  }
0x20b: {  	[hbm4b:s20+s3] =	stream.linear.scatter [tilespmem:s21], [sflag:$0x4], $0x400, $0x38;
	[tilespmem:$0x1D000] =	vst v63  }
0x20c: {  	s22 =	sadd.s32 $0x580, s1;
	s23 =	simm.s32 $0x19800  }
0x20d: {  	[hbm4b:s22+s3] =	stream.linear.scatter [tilespmem:s23], [sflag:$0x4], $0x400, $0x38;
	[tilespmem:$0x1D000] =	vst v63  }
0x20e: {  	s24 =	sadd.s32 $0x600, s1;
	s25 =	simm.s32 $0x1A000  }
0x20f: {  	[hbm4b:s24+s3] =	stream.linear.scatter [tilespmem:s25], [sflag:$0x4], $0x400, $0x38;
	[tilespmem:$0x1D000] =	vst v63  }
0x210: {  	s26 =	sadd.s32 $0x680, s1;
	s28 =	simm.s32 $0x1A800  }
0x211: {  	[hbm4b:s26+s3] =	stream.linear.scatter [tilespmem:s28], [sflag:$0x4], $0x400, $0x38;
	[tilespmem:$0x1D000] =	vst v63  }
.Ltmp8:
0x212: {  	_ = 	snop;
	(pc) =	sbr.rel .LBB2_10-.Ltmp8, $4  }
0x213: {  	s29 =	sadd.s32 $0x700, s1;
	s30 =	simm.s32 $0x1B000  }
0x214: {  	[hbm4b:s29+s3] =	stream.linear.scatter [tilespmem:s30], [sflag:$0x4], $0x400, $0x38;
	[tilespmem:$0x1D000] =	vst v63  }
0x215: {  	s1 =	sadd.s32 $0x780, s1;
	s31 =	simm.s32 $0x1B800  }
0x216: {  	[hbm4b:s1+s3] =	stream.linear.scatter [tilespmem:s31], [sflag:$0x4], $0x400, $0x38;
	[tilespmem:$0x1D000] =	vst v63  }
.LBB2_12:
0x217: {  	_ =	sfence.sel $0x180000  }
0x218: {  	[bflag:$0x0] =	sbarrier.arrive $0xFFFF  }
0x219: {  	_ =	strace $0x90000047  }
0x21a: {  	[bflag:$0x2] =	sbarrier.arrive $0xFFFF  }
0x21b: {  	s0 =	rddreg [dreg:$0x3]  }
0x21c: {  	s0 =	sadd.s32 @!p0 $0x100000, s0  }
0x21d: {  	[sflag:s0] =	ssyncadd.tile.s32 @!p0 $0x1;
	_ =	shalt  }
.Lfunc_end2:
_tile_overlayer_lowered:
.L_overlay_start_2:
0x21e: {  	(tag) =	ssettag $0x2  }
0x21f: {  	s0 =	rddreg [dreg:$0x0];
	s2 =	stileid.u32  }
0x220: {  	s1 =	rddreg [dreg:$0x1];
	p0 =	sne.s32 s2, $0x0  }
0x221: {  	s3 =	rddreg [dreg:$0x2];
	[bflag:$0x3] =	sbarrier.arrive $0xFFFF;
	s2 =	simm.s32 @!p0 $0x1C05  }
0x222: {  	[timem:s3], [sflag:s2] =	dma.local @!p0 [hbm:s0], s1  }
0x223: {  	s0 =	simm.s32 @!p0 $0x5  }
0x224: {  	_ =	swait.ge @!p0 [sflag:s0], s1  }
0x225: {  	s1 =	ssub.s32 @!p0 $0x0, s1;
	[sflag:s0] =	ssyncset.done @!p0 $0x0  }
0x226: {  	[sflag:s0] =	ssyncadd.s32 @!p0 s1  }
0x227: {  	[bflag:$0x3] =	sbarrier.arrive $0xFFFF  }
0x228: {  	_ =	shalt  }

// kernel: kernel.7.cloned.1.call-start
scs
__scs_entry_jumppad:
0x0: {  	(pc) =	sbr.rel $0x88, $3  }
0x1: {  	(tag) =	ssettag $0x0;
	lr =	simm.s32 $0x1  }
0x2: {  	[smem:$0x3F9F] =	sst lr;
	_ =	strace $0xD0000000  }
0x3: {  	_ = 	snop  }
0x4: {  	_ = 	snop  }
0x5: {  	_ = 	snop  }
0x6: {  	_ = 	snop  }
0x7: {  	_ = 	snop  }
__scs_overlays_trampoline_lowered:
0x8: {  	[smem:$0x3FAE] =	sst s0  }
0x9: {  	[smem:$0x3FAF] =	sst s1  }
0xa: {  	[smem:$0x3FB0] =	sst s2  }
0xb: {  	[smem:$0x3FB1] =	sst s3  }
0xc: {  	[smem:$0x3FB2] =	sst s4  }
0xd: {  	[smem:$0x3FB3] =	sst s5  }
0xe: {  	[smem:$0x3FB4] =	sst s6  }
0xf: {  	[smem:$0x3FB5] =	sst s7  }
0x10: {  	[smem:$0x3FB6] =	sst s8  }
0x11: {  	[smem:$0x3FB7] =	sst s9;
	s0 =	simm.s32 @!p0 $0x0  }
0x12: {  	s1 =	sld [smem:$0x3F9D];
	s0 =	simm.s32 @p0 $0x1  }
0x13: {  	[smem:$0x3FB8] =	sst s0;
	s0 =	simm.s32 @!p1 $0x0  }
0x14: {  	s2 =	sld [smem:$0x3F9C];
	s0 =	simm.s32 @p1 $0x1  }
0x15: {  	[smem:$0x3FB9] =	sst s0;
	s0 =	simm.s32 @!p2 $0x0  }
0x16: {  	s3 =	sld [smem:$0x3FDB];
	s0 =	simm.s32 @p2 $0x1  }
0x17: {  	s4 =	simm.s32 $0x1BF5;
	[smem:$0x3FBB] =	sst s0  }
0x18: {  	s0 =	sld [smem:$0x3F9E];
	_ =	swait.ge [sflag:s4], $0x0  }
0x19: {  	s7 =	sld [smem:$0x3F9F]  }
0x1a: {  	s8 =	sadd.s32 $0xFFFFE003, lr  }
0x1b: {  	s9 =	sadd.s32 $0xFFFFFEF7, lr;
	s5 =	simm.s32 $0xFFFFFFFF;
	p2 =	slt.u32 s8, $0xFFFFF086  }
0x1c: {  	p1 =	slt.u32 s9, $0xF7A;
	s5 =	simm.s32 @!p2 $0x0  }
0x1d: {  	s5 =	simm.s32 @p1 $0x1;
	p0 =	seq.s32 s7, s2  }
0x1e: {  	s7 =	smul.u32 @!p0 $0xF7A, s2;
	p2 =	seq.s32 @!p0 s5, $0x0  }
0x1f: {  	s9 =	smul.u32 $0xF7A, s1;
	s8 =	simm.s32 @!p0 $0x1BF5;
	p2 =	por !p2, p0  }
0x20: {  	[sflag:s8] =	ssyncset.s32 @!p0 $0xFFFFF086;
	s6 =	sadd.s32 @!p0 s3, s7;
	s7 =	simm.s32 @!p0 $0x108  }
0x21: {  	s3 =	sadd.s32 s3, s9;
	s6 =	sadd.s32 @!p0 $0x88, s6;
	s7 =	simm.s32 @p2 $0x1082  }
0x22: {  	[simem:s7], [sflag:s8] =	dma.local @!p0 [hbm:s6], $0xF7A  }
0x23: {  	s9 =	sor.u32 $0xD0000000, s2;
	s6 =	simm.s32 $0x108;
	_ =	swait.ge @!p0 [sflag:s8], $0x0  }
0x24: {  	s3 =	sadd.s32 $0x88, s3;
	s6 =	simm.s32 @!p1 $0x1082;
	[sflag:s4] =	ssyncset.s32 $0xFFFFF086  }
0x25: {  	[simem:s6], [sflag:s4] =	dma.local [hbm:s3], $0xF7A  }
0x26: {  	[smem:$0x3F9F] =	sst s1;
	(tag) =	ssettag s2;
	_ =	strace s9  }
0x27: {  	s1 =	sld [smem:$0x3FAF]  }
0x28: {  	s2 =	sld [smem:$0x3FB0]  }
0x29: {  	s4 =	sld [smem:$0x3FB2]  }
0x2a: {  	p0 =	seq.s32 s5, $0x0;
	s5 =	sld [smem:$0x3FB3]  }
0x2b: {  	s6 =	sld [smem:$0x3FB4]  }
0x2c: {  	s7 =	sld [smem:$0x3FB5]  }
0x2d: {  	s3 =	simm.s32 $0x108;
	s8 =	sld [smem:$0x3FB6]  }
0x2e: {  	s3 =	simm.s32 @!p0 $0x1082;
	s9 =	sld [smem:$0x3FB7]  }
0x2f: {  	lr =	sadd.s32 s0, s3;
	s0 =	sld [smem:$0x3FAE]  }
0x30: {  	s3 =	sld [smem:$0x3FB1]  }
0x31: {  	[smem:$0x3FBA] =	sst s10  }
0x32: {  	s10 =	sld [smem:$0x3FB8];
	_ =	sdelay $0x3  }
0x33: {  	p0 =	seq.s32 s10, $0x1;
	s10 =	sld [smem:$0x3FBA];
	_ =	sdelay $0x3  }
0x34: {  	[smem:$0x3FBA] =	sst s10  }
0x35: {  	s10 =	sld [smem:$0x3FB9];
	_ =	sdelay $0x3  }
0x36: {  	p1 =	seq.s32 s10, $0x1;
	s10 =	sld [smem:$0x3FBA];
	_ =	sdelay $0x3  }
0x37: {  	[smem:$0x3FBA] =	sst s10  }
0x38: {  	s10 =	sld [smem:$0x3FBB]  }
0x39: {  	_ = 	snop;
	(pc) =	sbr.ind lr, $3  }
0x3a: {  	_ = 	snop  }
0x3b: {  	_ = 	snop  }
0x3c: {  	p2 =	seq.s32 s10, $0x1;
	s10 =	sld [smem:$0x3FBA]  }
0x3d: {  	_ =	shalt  }
0x3e: {  	_ =	shalt  }
0x3f: {  	_ =	shalt  }
0x40: {  	_ =	shalt  }
0x41: {  	_ =	shalt  }
0x42: {  	_ =	shalt  }
0x43: {  	_ =	shalt  }
0x44: {  	_ =	shalt  }
0x45: {  	_ =	shalt  }
0x46: {  	_ =	shalt  }
0x47: {  	_ =	shalt  }
0x48: {  	_ =	shalt  }
0x49: {  	_ =	shalt  }
0x4a: {  	_ =	shalt  }
0x4b: {  	_ =	shalt  }
0x4c: {  	_ =	shalt  }
0x4d: {  	_ =	shalt  }
0x4e: {  	_ =	shalt  }
0x4f: {  	_ =	shalt  }
0x50: {  	_ =	shalt  }
0x51: {  	_ =	shalt  }
0x52: {  	_ =	shalt  }
0x53: {  	_ =	shalt  }
0x54: {  	_ =	shalt  }
0x55: {  	_ =	shalt  }
0x56: {  	_ =	shalt  }
0x57: {  	_ =	shalt  }
0x58: {  	_ =	shalt  }
0x59: {  	_ =	shalt  }
0x5a: {  	_ =	shalt  }
0x5b: {  	_ =	shalt  }
0x5c: {  	_ =	shalt  }
0x5d: {  	_ =	shalt  }
0x5e: {  	_ =	shalt  }
0x5f: {  	_ =	shalt  }
0x60: {  	_ =	shalt  }
0x61: {  	_ =	shalt  }
0x62: {  	_ =	shalt  }
0x63: {  	_ =	shalt  }
0x64: {  	_ =	shalt  }
0x65: {  	_ =	shalt  }
0x66: {  	_ =	shalt  }
0x67: {  	_ =	shalt  }
0x68: {  	_ =	shalt  }
0x69: {  	_ =	shalt  }
0x6a: {  	_ =	shalt  }
0x6b: {  	_ =	shalt  }
0x6c: {  	_ =	shalt  }
0x6d: {  	_ =	shalt  }
0x6e: {  	_ =	shalt  }
0x6f: {  	_ =	shalt  }
0x70: {  	_ =	shalt  }
0x71: {  	_ =	shalt  }
0x72: {  	_ =	shalt  }
0x73: {  	_ =	shalt  }
0x74: {  	_ =	shalt  }
0x75: {  	_ =	shalt  }
0x76: {  	_ =	shalt  }
0x77: {  	_ =	shalt  }
0x78: {  	_ =	shalt  }
0x79: {  	_ =	shalt  }
0x7a: {  	_ =	shalt  }
0x7b: {  	_ =	shalt  }
0x7c: {  	_ =	shalt  }
0x7d: {  	_ =	shalt  }
0x7e: {  	_ =	shalt  }
0x7f: {  	_ =	shalt  }
0x80: {  	_ =	shalt  }
0x81: {  	_ =	shalt  }
0x82: {  	_ =	shalt  }
0x83: {  	_ =	shalt  }
0x84: {  	_ =	shalt  }
0x85: {  	_ =	shalt  }
0x86: {  	_ =	shalt  }
0x87: {  	_ =	shalt  }
.Lfunc_end0:
.L_simem_size_0:
called_computation.1_lowered:
.L_overlay_start_0:
0x88: {  	s2 =	sld [smem:$0x3FD9]  }
0x89: {  	s3 =	sld [smem:$0x3FFE];
	_ =	sdelay $0x1  }
0x8a: {  	s1 =	srdreg.scid  }
0x8b: {  	s0 =	sand.u32 $0x1, s1  }
0x8c: {  	s17 =	sshll.u32 s0, $0xA;
	s2 =	sadd.s32 s3, s2  }
0x8d: {  	s2 =	sadd.s32 s2, s17  }
0x8e: {  	[smem:$0x3FC6] =	sst s2  }
0x8f: {  	_ = 	snop  }
0x90: {  	s2 =	sld [smem:$0x3FC9]  }
0x91: {  	s18 =	sld [smem:$0x3FD0];
	(tm) =	ssettm $0x1  }
0x92: {  	s4 =	sld [smem:$0x3FFB];
	_ =	sdelay $0x3  }
0x93: {  	_ =	strace s4  }
0x94: {  	s4 =	sld [smem:$0x3FFC];
	_ =	sdelay $0x3  }
0x95: {  	_ =	strace s4  }
0x96: {  	s4 =	sld [smem:$0x3FFD];
	_ =	sdelay $0x3  }
0x97: {  	_ =	strace s4  }
0x98: {  	_ =	strace $0x8FFFFFFF  }
0x99: {  	s19 =	sld [smem:$0x3FDB];
	_ =	sdelay $0x1  }
0x9a: {  	s5 =	simm.s32 $_scs_section_size  }
0x9b: {  	s6 =	simm.s32 $_size__tile_overlayer_lowered;
	s7 =	simm.s32 $_tile_overlayer_lowered  }
0x9c: {  	s22 =	simm.s32 $0x1BFF;
	s21 =	sshll.u32 s7, $0x1;
	s4 =	sadd.s32 s5, s19  }
0x9d: {  	s8 =	simm.s32 $0x0;
	s20 =	sshll.u32 s6, $0x1;
	s6 =	sadd.s32 s21, s4  }
0x9e: {  	[timem:s8], [sflag:s22] =	dma.local [hbm:s6], s20  }
0x9f: {  	_ =	swait.ge [sflag:s22], s20  }
0xa0: {  	s5 =	ssub.s32 $0x0, s20;
	[sflag:s22] =	ssyncset.done $0x0  }
0xa1: {  	[sflag:s22] =	ssyncadd.s32 s5;
	_ =	sdelay $0x1  }
0xa2: {  	s23 =	simm.s32 $0x1B8B  }
0xa3: {  	_ =	swait.ge [sflag:s23], $0x1  }
0xa4: {  	[sflag:s23] =	ssyncset.done $0x0  }
0xa5: {  	s25 =	simm.s32 $0x1B8E;
	s24 =	sld [smem:$0x3FFE];
	[sflag:s23] =	ssyncadd.s32 $0xFFFFFFFF  }
0xa6: {  	s26 =	simm.s32 $execute0_lowered;
	[smem:$0x3FD2] =	sst s25  }
0xa7: {  	s6 =	sshll.u32 s26, $0x1;
	_ =	strace $0x80000049;
	[dreg:$0x1] =	wrdreg $0xFFFFFFFF  }
0xa8: {  	s28 =	simm.s32 $_size_execute0_lowered;
	s4 =	sadd.s32 s4, s6;
	[dreg:$0x0] =	wrdreg $0x0  }
0xa9: {  	s6 =	sshll.u32 s28, $0x1;
	[dreg:$0x2] =	wrdreg s4  }
0xaa: {  	[dreg:$0x3] =	wrdreg s6  }
0xab: {  	[dreg:$0x4] =	wrdreg $0xC0  }
0xac: {  	_ =	task [dreg:s8], $0x5FFFF  }
0xad: {  	[dreg:$0x1] =	wrdreg $0xFFFFFFFF  }
0xae: {  	[dreg:$0x0] =	wrdreg $0x60  }
0xaf: {  	[dreg:$0x2] =	wrdreg s2  }
0xb0: {  	[dreg:$0x3] =	wrdreg s24  }
0xb1: {  	[dreg:$0x4] =	wrdreg s18  }
0xb2: {  	[dreg:$0x5] =	wrdreg $0x9  }
0xb3: {  	_ =	task.clear_ibuf [dreg:s8], $0x6FFFF;
	_ =	strace $0x90000049  }
0xb4: {  	s29 =	simm.s32 $0x9;
	_ =	strace $0x8000004B  }
0xb5: {  	_ =	swait.ge [sflag:s29], $0x1  }
0xb6: {  	[sflag:s29] =	ssyncadd.s32 $0xFFFFFFFF  }
0xb7: {  	_ =	strace $0x9000004B  }
0xb8: {  	_ =	sfence  }
0xb9: {  	s30 =	sld [smem:$0x0];
	_ =	sdelay $0x2  }
0xba: {  	s31 =	sshll.u32 s1, $0xD;
	s1 =	sshrl.u32 s1, $0x2  }
0xbb: {  	s3 =	sand.u32 $0x4000, s31;
	s1 =	sadd.s32 s1, s30  }
0xbc: {  	s0 =	sor.u32 s3, s0;
	s1 =	sshll.u32 s1, $0x11  }
0xbd: {  	s0 =	sor.u32 s1, s0  }
0xbe: {  	s0 =	sadd.s32 $0x8F2B, s0  }
0xbf: {  	[sflag:s0] =	ssyncadd.remote.s32 $0x1  }
0xc0: {  	_ =	sfence.sel $0xFFFF  }
0xc1: {  	[dreg:$0x0] =	wrdreg $0xFFFFFFFF;
	(pc) =	sbr.abs _section_cstart, $3  }
0xc2: {  	[dreg:$0x1] =	wrdreg $0xFFFFFFFF  }
0xc3: {  	_ =	task.clear_ibuf [dreg:s8], $0x2FFFF;
	_ =	strace $0x9FFFFFFF  }
0xc4: {  	(tm) =	ssettm $0x7FFFFFFF  }
0xc5: {  	_ =	shalt  }
tec
execute0_lowered:
.L_overlay_start_1:
0x0: {  	(tag) =	ssettag $0x1  }
0x1: {  	s5 =	rddreg [dreg:$0x0]  }
0x2: {  	s4 =	rddreg [dreg:$0x1]  }
0x3: {  	s1 =	srdreg.scid;
	s0 =	stileid.u32  }
0x4: {  	s2 =	rddreg [dreg:$0x2];
	s3 =	simm.s32 $0x0;
	s10 =	simm.s32 $0x6400  }
0x5: {  	s11 =	simm.s32 $0x8400;
	s12 =	simm.s32 $0x1;
	s13 =	simm.s32 $0xA400  }
0x6: {  	s14 =	simm.s32 $0x2;
	s15 =	simm.s32 $0x4;
	s16 =	simm.s32 $0xC600  }
0x7: {  	s17 =	simm.s32 $0x3;
	s6 =	sand.u32 $0x1, s1;
	s7 =	sshll.u32 s0, $0x1  }
0x8: {  	s18 =	simm.s32 $0x0;
	s1 =	rddreg [dreg:$0x3];
	s7 =	sor.u32 s6, s7  }
0x9: {  	v0 =	vlaneseq.u32;
	[smem:$0x7FF] =	sst s3;
	s6 =	ssub.s32 $0x2, s6;
	s8 =	smul.u32 $0xC80, s7  }
0xa: {  	s4 =	sadd.s32 $0x800, s4;
	v0 =	vmul.u32 $0x88, v0;
	_ =	strace $0x8000004A;
	s9 =	sshrl.u32 s6, $0x1  }
0xb: {  	s9 =	ssub.s32 s6, s9;
	s6 =	smul.u32 $0xC8, s7;
	s5 =	sadd.s32 s5, s8  }
0xc: {  	v1 =	vadd.s32 $0x880, v0;
	v2 =	vadd.s32 $0x1100, v0;
	v3 =	vadd.s32 $0x1980, v0;
	s7 =	smax.u32 s9, $0x1;
	s8 =	simm.s32 $0x5;
	s9 =	simm.s32 $0x80  }
.LBB2_1:
0xd: {  	[tilespmem:s3], [sflag:$0x5] =	stream.linear.gather [hbm4b:s5+s3], $0x6400, $0x38;
	[tilespmem:$0xE800] =	vst v63  }
0xe: {  	_ =	swait.ge [sflag:s8], $0x6400  }
0xf: {  	[sflag:s8] =	ssyncset.done $0x0  }
0x10: {  	s19 =	simm.s32 $0x0;
	[sflag:s8] =	ssyncadd.s32 $0xFFFF9C00  }
0x11: {  	[tilespmem:s10], [sflag:$0x1] =	stream.indirect.gather [hbm4b:s4+s9], $0x40, s3, s9, $0xb8;
	[tilespmem:$0xE800] =	vst v63  }
.LBB2_2:
0x12: {  	s20 =	sshllo.u32 s19, $0x1  }
0x13: {  	s21 =	sshll.u32 s20, $0x7  }
0x14: {  	s21 =	sand.u32 $0x3FFFFF80, s21  }
0x15: {  	[tilespmem:s11], [sflag:$0x2] =	stream.indirect.gather [hbm4b:s4+s9], $0x40, s21, s9, $0xb8;
	[tilespmem:$0xE800] =	vst v63  }
0x16: {  	_ =	swait.ge [sflag:s12], $0x2000  }
0x17: {  	p0 =	seq.s32 s19, $0x0;
	[sflag:s12] =	ssyncset.done $0x0  }
0x18: {  	s21 =	simm.s32 @!p0 $0x3;
	[sflag:s12] =	ssyncadd.s32 $0xFFFFE000  }
0x19: {  	s22 =	simm.s32 $0x3;
	_ =	swait.ge @!p0 [sflag:s21], $0x2000  }
0x1a: {  	s25 =	simm.s32 $0x0;
	v4 =	vmov s22;
	[sflag:s21] =	ssyncset.done @!p0 $0x0  }
0x1b: {  	s26 =	simm.s32 $0x1;
	s22 =	simm.s32 $0x6480;
	v5 =	vand.u32 $0x7F, v4;
	v4 =	vmov s25;
	[sflag:s21] =	ssyncadd.s32 @!p0 $0xFFFFE000  }
0x1c: {  	v8 =	vadd.s32 v0, v5;
	v6 =	vand.u32 $0x7C, v4;
	v4 =	vmov s26;
	v7 =	vld [tilespmem:s22+$0x40]  }
0x1d: {  	v10 =	vadd.s32 v0, v6;
	v11 =	vand.u32 $0x7D, v4;
	v9 =	vld [tilespmem:s22+$0xFFFFFF80]  }
0x1e: {  	s28 =	simm.s32 $0x2;
	v12 =	vadd.s32 v0, v11;
	v4 =	vld [tilespmem:s22+$0xFFFFFFC0]  }
0x1f: {  	v13 =	vmov s28  }
0x20: {  	v13 =	vand.u32 $0x7E, v13  }
0x21: {  	v15 =	vadd.s32 v0, v13;
	v14 =	vld [tilespmem:s22+$0x0];
	[tilespmem:v8+s13+$0x0] =	vst.idx.msk $0xffff, v7  }
0x22: {  	v8 =	vadd.s32 v1, v5;
	[tilespmem:v10+s13+$0x0] =	vst.idx.msk $0xffff, v9;
	v7 =	vld [tilespmem:s22+$0x50]  }
0x23: {  	v10 =	vadd.s32 v1, v6;
	[tilespmem:v12+s13+$0x0] =	vst.idx.msk $0xffff, v4;
	v9 =	vld [tilespmem:s22+$0xFFFFFF90]  }
0x24: {  	v12 =	vadd.s32 v1, v11;
	v4 =	vld [tilespmem:s22+$0xFFFFFFD0];
	_ =	sdelay $0x1  }
0x25: {  	[tilespmem:v15+s13+$0x0] =	vst.idx.msk $0xffff, v14  }
0x26: {  	v16 =	vadd.s32 v1, v13;
	v15 =	vld [tilespmem:s22+$0x10];
	[tilespmem:v8+s13+$0x0] =	vst.idx.msk $0xffff, v7  }
0x27: {  	s29 =	simm.s32 $0x7;
	v14 =	vadd.s32 v2, v5;
	[tilespmem:v10+s13+$0x0] =	vst.idx.msk $0xffff, v9;
	v7 =	vld [tilespmem:s22+$0x60]  }
0x28: {  	v10 =	vadd.s32 v2, v6;
	v8 =	vmov s29;
	[tilespmem:v12+s13+$0x0] =	vst.idx.msk $0xffff, v4;
	v9 =	vld [tilespmem:s22+$0xFFFFFFA0]  }
0x29: {  	v17 =	vadd.s32 v2, v11;
	s21 =	simm.s32 $0x6580;
	v8 =	vand.u32 $0x7F, v8;
	v12 =	vld [tilespmem:s22+$0xFFFFFFE0]  }
0x2a: {  	s23 =	simm.s32 $0x4;
	v18 =	vld [tilespmem:s21+$0x40];
	v19 =	vadd.s32 v0, v8  }
0x2b: {  	s30 =	simm.s32 $0x5;
	v4 =	vmov s23;
	[tilespmem:v16+s13+$0x0] =	vst.idx.msk $0xffff, v15  }
0x2c: {  	v22 =	vmov s30;
	v4 =	vand.u32 $0x7C, v4;
	[tilespmem:v14+s13+$0x0] =	vst.idx.msk $0xffff, v7  }
0x2d: {  	s31 =	simm.s32 $0x6;
	v20 =	vld [tilespmem:s21+$0xFFFFFF80];
	v21 =	vadd.s32 v0, v4;
	v7 =	vand.u32 $0x7D, v22;
	[tilespmem:v10+s13+$0x0] =	vst.idx.msk $0xffff, v9  }
0x2e: {  	v14 =	vmov s31;
	v9 =	vld [tilespmem:s21+$0xFFFFFFC0];
	[tilespmem:v17+s13+$0x0] =	vst.idx.msk $0xffff, v12;
	v10 =	vadd.s32 v0, v7  }
0x2f: {  	v16 =	vadd.s32 v3, v5;
	v12 =	vld [tilespmem:s22+$0x20];
	v5 =	vand.u32 $0x7E, v14;
	[tilespmem:v19+s13+$0x0] =	vst.idx.msk $0xffff, v18;
	v18 =	vadd.s32 v2, v13  }
0x30: {  	v14 =	vld [tilespmem:s21+$0x0];
	v63 =	vadd.s32 v0, v5  }
0x31: {  	v15 =	vld [tilespmem:s22+$0x70]  }
0x32: {  	[tilespmem:v21+s13+$0x0] =	vst.idx.msk $0xffff, v20;
	v20 =	vadd.s32 v1, v8;
	v19 =	vld [tilespmem:s21+$0x50]  }
0x33: {  	v23 =	vadd.s32 v1, v4;
	v21 =	vld [tilespmem:s21+$0xFFFFFF90];
	[tilespmem:v10+s13+$0x0] =	vst.idx.msk $0xffff, v9  }
0x34: {  	v25 =	vadd.s32 v3, v11;
	v24 =	vld [tilespmem:s22+$0xFFFFFFF0];
	[tilespmem:v18+s13+$0x0] =	vst.idx.msk $0xffff, v12  }
0x35: {  	v18 =	vadd.s32 v1, v7;
	v17 =	vld [tilespmem:s21+$0xFFFFFFD0];
	[tilespmem:v63+s13+$0x0] =	vst.idx.msk $0xffff, v14  }
0x36: {  	[tilespmem:v16+s13+$0x0] =	vst.idx.msk $0xffff, v15;
	v16 =	vadd.s32 v1, v5;
	v14 =	vld [tilespmem:s21+$0x10]  }
0x37: {  	v15 =	vadd.s32 v3, v13;
	[tilespmem:v20+s13+$0x0] =	vst.idx.msk $0xffff, v19;
	v10 =	vld [tilespmem:s22+$0x30]  }
0x38: {  	s24 =	simm.s32 $0x8;
	v12 =	vadd.s32 v2, v8;
	[tilespmem:v23+s13+$0x0] =	vst.idx.msk $0xffff, v21;
	v9 =	vld [tilespmem:s21+$0x60]  }
0x39: {  	s25 =	simm.s32 $0xC;
	s26 =	simm.s32 $0xB;
	s23 =	sshll.u32 s19, $0x1;
	v13 =	vadd.s32 v2, v4;
	[tilespmem:v25+s13+$0x0] =	vst.idx.msk $0xffff, v24;
	v11 =	vld [tilespmem:s21+$0xFFFFFFA0]  }
.LBB2_3:
0x3a: {  	p1 =	slt.u32 s25, $0x7C;
	v19 =	vmov s26;
	[tilespmem:v18+s13+$0x0] =	vst.idx.msk $0xffff, v17;
	v17 =	vld [tilespmem:s22+$0xFFFFFFB0];
	v18 =	vadd.s32 v3, v6;
	v6 =	vmov v4;
	s22 =	smov.u32 s21  }
0x3b: {  	v4 =	vmov s24;
	v21 =	vadd.s32 v2, v7;
	s21 =	sadd.s32 $0x100, s21;
	v19 =	vand.u32 $0x7F, v19;
	v20 =	vld [tilespmem:s22+$0xFFFFFFE0];
	[tilespmem:v16+s13+$0x0] =	vst.idx.msk $0xffff, v14  }
0x3c: {  	s26 =	sadd.s32 $0x1, s24;
	v4 =	vand.u32 $0x7C, v4;
	v14 =	vld [tilespmem:s21+$0x40];
	v16 =	vadd.s32 v0, v19;
	[tilespmem:v15+s13+$0x0] =	vst.idx.msk $0xffff, v10  }
0x3d: {  	v22 =	vmov s26;
	s26 =	sadd.s32 $0x2, s24;
	s24 =	smov.u32 s25;
	v15 =	vadd.s32 v0, v4;
	v10 =	vld [tilespmem:s21+$0xFFFFFF80];
	[tilespmem:v12+s13+$0x0] =	vst.idx.msk $0xffff, v9  }
0x3e: {  	v9 =	vand.u32 $0x7D, v22;
	v12 =	vmov s26;
	[tilespmem:v13+s13+$0x0] =	vst.idx.msk $0xffff, v11;
	v11 =	vld [tilespmem:s22+$0x70];
	v13 =	vadd.s32 v3, v8;
	v8 =	vmovc v19  }
0x3f: {  	v22 =	vadd.s32 v0, v9;
	v12 =	vand.u32 $0x7E, v12;
	v19 =	vld [tilespmem:s21+$0xFFFFFFC0];
	[tilespmem:v18+s13+$0x0] =	vst.idx.msk $0xffff, v17  }
0x40: {  	v24 =	vadd.s32 v0, v12;
	v23 =	vld [tilespmem:s21+$0x0];
	[tilespmem:v21+s13+$0x0] =	vst.idx.msk $0xffff, v20  }
0x41: {  	v21 =	vadd.s32 v2, v5;
	[tilespmem:v16+s13+$0x0] =	vst.idx.msk $0xffff, v14;
	v20 =	vld [tilespmem:s22+$0x20]  }
0x42: {  	[tilespmem:v15+s13+$0x0] =	vst.idx.msk $0xffff, v10;
	v10 =	vld [tilespmem:s21+$0x50];
	v15 =	vadd.s32 v1, v8  }
0x43: {  	v26 =	vadd.s32 v1, v4;
	v25 =	vld [tilespmem:s21+$0xFFFFFF90];
	[tilespmem:v13+s13+$0x0] =	vst.idx.msk $0xffff, v11  }
0x44: {  	[tilespmem:v22+s13+$0x0] =	vst.idx.msk $0xffff, v19;
	v19 =	vld [tilespmem:s22+$0xFFFFFFF0];
	v22 =	vadd.s32 v3, v7;
	v7 =	vmov v9  }
.Ltmp0:
0x45: {  	v17 =	vld [tilespmem:s21+$0xFFFFFFD0];
	v18 =	vadd.s32 v1, v7;
	[tilespmem:v24+s13+$0x0] =	vst.idx.msk $0xffff, v23;
	(pc) =	sbr.rel @p1 .LBB2_3-.Ltmp0, $4  }
0x46: {  	v16 =	vadd.s32 v1, v12;
	v14 =	vld [tilespmem:s21+$0x10];
	[tilespmem:v21+s13+$0x0] =	vst.idx.msk $0xffff, v20  }
0x47: {  	[tilespmem:v15+s13+$0x0] =	vst.idx.msk $0xffff, v10;
	v10 =	vld [tilespmem:s22+$0x30];
	v15 =	vadd.s32 v3, v5;
	v5 =	vmov v12  }
0x48: {  	v12 =	vadd.s32 v2, v8;
	[tilespmem:v26+s13+$0x0] =	vst.idx.msk $0xffff, v25;
	v9 =	vld [tilespmem:s21+$0x60]  }
0x49: {  	s25 =	sadd.s32 $0x4, s25;
	s26 =	sadd.s32 $0x3, s24;
	v13 =	vadd.s32 v2, v4;
	v11 =	vld [tilespmem:s21+$0xFFFFFFA0];
	[tilespmem:v22+s13+$0x0] =	vst.idx.msk $0xffff, v19  }
0x4a: {  	_ =	sdelay $0x2  }
0x4b: {  	v19 =	vmov s26  }
0x4c: {  	s25 =	sadd.s32 $0x1, s24;
	[tilespmem:v18+s13+$0x0] =	vst.idx.msk $0xffff, v17;
	v30 =	vld [tilespmem:s22+$0xFFFFFFB0];
	v6 =	vadd.s32 v3, v6;
	s28 =	sadd.s32 $0x100, s21;
	v21 =	vmov s24;
	v31 =	vand.u32 $0x7F, v19  }
0x4d: {  	s29 =	sadd.s32 $0x2, s24;
	v32 =	vmov s25;
	[tilespmem:v16+s13+$0x0] =	vst.idx.msk $0xffff, v14;
	v33 =	vld [tilespmem:s28+$0x40];
	v21 =	vand.u32 $0x7C, v21;
	v34 =	vadd.s32 v0, v31  }
0x4e: {  	v20 =	vmov s29;
	v22 =	vld [tilespmem:s28+$0xFFFFFF80];
	v19 =	vand.u32 $0x7D, v32;
	[tilespmem:v15+s13+$0x0] =	vst.idx.msk $0xffff, v10;
	v39 =	vadd.s32 v0, v21  }
0x4f: {  	v35 =	vld [tilespmem:s28+$0xFFFFFFC0];
	v20 =	vand.u32 $0x7E, v20;
	v36 =	vadd.s32 v0, v19;
	[tilespmem:v12+s13+$0x0] =	vst.idx.msk $0xffff, v9  }
0x50: {  	v37 =	vld [tilespmem:s28+$0x0];
	v38 =	vadd.s32 v0, v20;
	[tilespmem:v13+s13+$0x0] =	vst.idx.msk $0xffff, v11  }
0x51: {  	v41 =	vadd.s32 v2, v7;
	v40 =	vld [tilespmem:s21+$0xFFFFFFE0];
	[tilespmem:v6+s13+$0x0] =	vst.idx.msk $0xffff, v30  }
0x52: {  	v49 =	vadd.s32 v2, v5;
	v48 =	vld [tilespmem:s21+$0x20];
	[tilespmem:v34+s13+$0x0] =	vst.idx.msk $0xffff, v33  }
0x53: {  	v43 =	vadd.s32 v1, v31;
	[tilespmem:v39+s13+$0x0] =	vst.idx.msk $0xffff, v22;
	v14 =	vld [tilespmem:s28+$0x50]  }
0x54: {  	v47 =	vadd.s32 v1, v21;
	[tilespmem:v36+s13+$0x0] =	vst.idx.msk $0xffff, v35;
	v46 =	vld [tilespmem:s28+$0xFFFFFF90]  }
0x55: {  	v44 =	vadd.s32 v1, v19;
	[tilespmem:v38+s13+$0x0] =	vst.idx.msk $0xffff, v37;
	v10 =	vld [tilespmem:s28+$0xFFFFFFD0]  }
0x56: {  	v45 =	vadd.s32 v1, v20;
	[tilespmem:v41+s13+$0x0] =	vst.idx.msk $0xffff, v40;
	v9 =	vld [tilespmem:s28+$0x10]  }
0x57: {  	v8 =	vadd.s32 v3, v8;
	v42 =	vld [tilespmem:s21+$0x70];
	[tilespmem:v49+s13+$0x0] =	vst.idx.msk $0xffff, v48  }
0x58: {  	v5 =	vadd.s32 v3, v5;
	v13 =	vld [tilespmem:s21+$0x30];
	[tilespmem:v43+s13+$0x0] =	vst.idx.msk $0xffff, v14  }
0x59: {  	v52 =	vadd.s32 v2, v31;
	[tilespmem:v47+s13+$0x0] =	vst.idx.msk $0xffff, v46;
	v14 =	vld [tilespmem:s28+$0x60]  }
0x5a: {  	v57 =	vadd.s32 v2, v21;
	[tilespmem:v44+s13+$0x0] =	vst.idx.msk $0xffff, v10;
	v56 =	vld [tilespmem:s28+$0xFFFFFFA0]  }
0x5b: {  	v53 =	vadd.s32 v2, v19;
	[tilespmem:v45+s13+$0x0] =	vst.idx.msk $0xffff, v9;
	v10 =	vld [tilespmem:s28+$0xFFFFFFE0]  }
0x5c: {  	v55 =	vadd.s32 v2, v20;
	[tilespmem:v8+s13+$0x0] =	vst.idx.msk $0xffff, v42;
	v54 =	vld [tilespmem:s28+$0x20]  }
0x5d: {  	s23 =	sadd.s32 s6, s23;
	v4 =	vadd.s32 v3, v4;
	v58 =	vld [tilespmem:s21+$0xFFFFFFB0];
	[tilespmem:v5+s13+$0x0] =	vst.idx.msk $0xffff, v13  }
0x5e: {  	v51 =	vadd.s32 v3, v7;
	s31 =	sand.u32 $0x3, s19;
	s30 =	sand.u32 $0xFE, s23;
	v50 =	vld [tilespmem:s21+$0xFFFFFFF0];
	[tilespmem:v52+s13+$0x0] =	vst.idx.msk $0xffff, v14  }
0x5f: {  	p2 =	sne.s32 s31, $0x0;
	v60 =	vadd.s32 v3, v31;
	p1 =	seq.s32 s30, $0x0;
	[tilespmem:v57+s13+$0x0] =	vst.idx.msk $0xffff, v56;
	v59 =	vld [tilespmem:s28+$0x70]  }
0x60: {  	v63 =	vadd.s32 v3, v21;
	p1 =	por !p2, !p1;
	[tilespmem:v53+s13+$0x0] =	vst.idx.msk $0xffff, v10;
	v5 =	vld [tilespmem:s28+$0xFFFFFFB0]  }
0x61: {  	s24 =	simm.s32 $0x1;
	s23 =	sshll.u32 s23, $0xD;
	v61 =	vadd.s32 v3, v19;
	p1 =	por !p1, !p1;
	[tilespmem:v55+s13+$0x0] =	vst.idx.msk $0xffff, v54;
	v10 =	vld [tilespmem:s28+$0xFFFFFFF0]  }
0x62: {  	s25 =	sshll.u32 s19, $0x13;
	v62 =	vadd.s32 v3, v20;
	s24 =	simm.s32 @!p1 $0x0;
	s21 =	sshrl.u32 s30, $0x3;
	[tilespmem:v4+s13+$0x0] =	vst.idx.msk $0xffff, v58;
	v6 =	vld [tilespmem:s28+$0x30]  }
0x63: {  	s23 =	sand.u32 $0x7FE00000, s23;
	s22 =	sand.u32 $0x180000, s25;
	s21 =	ssub.s32 s21, s24;
	[tilespmem:v51+s13+$0x0] =	vst.idx.msk $0xffff, v50  }
0x64: {  	s22 =	sor.u32 s22, s23;
	s21 =	sshll.u32 s21, $0xA;
	[tilespmem:v60+s13+$0x0] =	vst.idx.msk $0xffff, v59  }
0x65: {  	s21 =	sadd.s32 s21, s22;
	[tilespmem:v63+s13+$0x0] =	vst.idx.msk $0xffff, v5  }
0x66: {  	s21 =	sshrl.u32 s21, $0x3;
	[tilespmem:v61+s13+$0x0] =	vst.idx.msk $0xffff, v10  }
0x67: {  	s26 =	simm.s32 $0xA400;
	s22 =	sadd.s32 s2, s21;
	[tilespmem:v62+s13+$0x0] =	vst.idx.msk $0xffff, v6  }
0x68: {  	[hbm4b:s22+s3] =	stream.linear.scatter [tilespmem:s26], [sflag:$0x3], $0x80, $0x38;
	[tilespmem:$0xE800] =	vst v63  }
0x69: {  	s29 =	sadd.s32 $0x10, s22;
	s28 =	simm.s32 $0xA488  }
0x6a: {  	[hbm4b:s29+s3] =	stream.linear.scatter [tilespmem:s28], [sflag:$0x3], $0x80, $0x38;
	[tilespmem:$0xE800] =	vst v63  }
0x6b: {  	s25 =	simm.s32 $0xA620;
	s30 =	simm.s32 $0xA510;
	s31 =	sadd.s32 $0x20, s22  }
0x6c: {  	[hbm4b:s31+s3] =	stream.linear.scatter [tilespmem:s30], [sflag:$0x3], $0x80, $0x38;
	[tilespmem:$0xE800] =	vst v63  }
0x6d: {  	s23 =	simm.s32 $0xA598;
	s21 =	simm.s32 $0x440;
	s24 =	sadd.s32 $0x30, s22  }
0x6e: {  	[hbm4b:s24+s3] =	stream.linear.scatter [tilespmem:s23], [sflag:$0x3], $0x80, $0x38;
	[tilespmem:$0xE800] =	vst v63  }
0x6f: {  	s26 =	sadd.s32 $0x40, s22;
	s28 =	simm.s32 $0xA6A8;
	s29 =	sadd.s32 $0x50, s22  }
0x70: {  	[hbm4b:s26+s3] =	stream.linear.scatter [tilespmem:s25], [sflag:$0x3], $0x80, $0x38;
	[tilespmem:$0xE800] =	vst v63  }
0x71: {  	s30 =	simm.s32 $0xA730;
	s31 =	sadd.s32 $0x60, s22;
	s23 =	simm.s32 $0x2200  }
0x72: {  	[hbm4b:s29+s3] =	stream.linear.scatter [tilespmem:s28], [sflag:$0x3], $0x80, $0x38;
	[tilespmem:$0xE800] =	vst v63  }
0x73: {  	s24 =	simm.s32 $0xA7B8;
	s25 =	sadd.s32 $0x70, s22;
	s22 =	sadd.s32 $0x1000, s22  }
0x74: {  	[hbm4b:s31+s3] =	stream.linear.scatter [tilespmem:s30], [sflag:$0x3], $0x80, $0x38;
	[tilespmem:$0xE800] =	vst v63  }
.LBB2_5:
0x75: {  	[hbm4b:s25+s3] =	stream.linear.scatter [tilespmem:s24], [sflag:$0x3], $0x80, $0x38;
	[tilespmem:$0xE800] =	vst v63  }
0x76: {  	s24 =	smov.u32 s21;
	s21 =	smov.u32 s23  }
0x77: {  	s26 =	sadd.s32 $0x1100, s23;
	s21 =	sshra.s32 s21, $0x2;
	s25 =	sadd.s32 $0xA400, s24  }
0x78: {  	[hbm4b:s22+s3] =	stream.linear.scatter [tilespmem:s25], [sflag:$0x3], $0x80, $0x38;
	[tilespmem:$0xE800] =	vst v63  }
0x79: {  	p1 =	sne.s32 s23, $0x7700;
	s23 =	sadd.s32 $0xA488, s24;
	s25 =	sadd.s32 $0x10, s22  }
0x7a: {  	[hbm4b:s25+s3] =	stream.linear.scatter [tilespmem:s23], [sflag:$0x3], $0x80, $0x38;
	[tilespmem:$0xE800] =	vst v63  }
0x7b: {  	s23 =	sadd.s32 $0xA510, s24;
	s25 =	sadd.s32 $0x20, s22  }
0x7c: {  	[hbm4b:s25+s3] =	stream.linear.scatter [tilespmem:s23], [sflag:$0x3], $0x80, $0x38;
	[tilespmem:$0xE800] =	vst v63  }
0x7d: {  	s23 =	sadd.s32 $0xA598, s24;
	s25 =	sadd.s32 $0x30, s22  }
0x7e: {  	[hbm4b:s25+s3] =	stream.linear.scatter [tilespmem:s23], [sflag:$0x3], $0x80, $0x38;
	[tilespmem:$0xE800] =	vst v63  }
0x7f: {  	s23 =	sadd.s32 $0xA620, s24;
	s25 =	sadd.s32 $0x40, s22  }
0x80: {  	[hbm4b:s25+s3] =	stream.linear.scatter [tilespmem:s23], [sflag:$0x3], $0x80, $0x38;
	[tilespmem:$0xE800] =	vst v63  }
.Ltmp1:
0x81: {  	s23 =	sadd.s32 $0xA6A8, s24;
	s25 =	sadd.s32 $0x50, s22;
	(pc) =	sbr.rel @p1 .LBB2_5-.Ltmp1, $4  }
0x82: {  	[hbm4b:s25+s3] =	stream.linear.scatter [tilespmem:s23], [sflag:$0x3], $0x80, $0x38;
	[tilespmem:$0xE800] =	vst v63  }
0x83: {  	s23 =	sadd.s32 $0xA730, s24;
	s25 =	sadd.s32 $0x60, s22;
	s24 =	sadd.s32 $0xA7B8, s24  }
0x84: {  	[hbm4b:s25+s3] =	stream.linear.scatter [tilespmem:s23], [sflag:$0x3], $0x80, $0x38;
	[tilespmem:$0xE800] =	vst v63  }
0x85: {  	s25 =	sadd.s32 $0x70, s22;
	s22 =	sadd.s32 $0x1000, s22;
	s23 =	smov.u32 s26  }
0x86: {  	[hbm4b:s25+s3] =	stream.linear.scatter [tilespmem:s24], [sflag:$0x3], $0x80, $0x38;
	[tilespmem:$0xE800] =	vst v63  }
0x87: {  	s23 =	sadd.s32 $0xA400, s21  }
0x88: {  	[hbm4b:s22+s3] =	stream.linear.scatter [tilespmem:s23], [sflag:$0x3], $0x80, $0x38;
	[tilespmem:$0xE800] =	vst v63  }
0x89: {  	s30 =	sadd.s32 $0xA488, s21;
	s31 =	sadd.s32 $0x10, s22  }
0x8a: {  	[hbm4b:s31+s3] =	stream.linear.scatter [tilespmem:s30], [sflag:$0x3], $0x80, $0x38;
	[tilespmem:$0xE800] =	vst v63  }
0x8b: {  	s25 =	sadd.s32 $0xA510, s21;
	s26 =	sadd.s32 $0x20, s22  }
0x8c: {  	[hbm4b:s26+s3] =	stream.linear.scatter [tilespmem:s25], [sflag:$0x3], $0x80, $0x38;
	[tilespmem:$0xE800] =	vst v63  }
0x8d: {  	s28 =	sadd.s32 $0xA598, s21;
	s29 =	sadd.s32 $0x30, s22  }
0x8e: {  	[hbm4b:s29+s3] =	stream.linear.scatter [tilespmem:s28], [sflag:$0x3], $0x80, $0x38;
	[tilespmem:$0xE800] =	vst v63  }
0x8f: {  	s30 =	sadd.s32 $0xA620, s21;
	s31 =	sadd.s32 $0x40, s22  }
0x90: {  	[hbm4b:s31+s3] =	stream.linear.scatter [tilespmem:s30], [sflag:$0x3], $0x80, $0x38;
	[tilespmem:$0xE800] =	vst v63  }
0x91: {  	p1 =	sne.s32 s19, $0x63;
	s25 =	sadd.s32 $0xA6A8, s21;
	s26 =	sadd.s32 $0x50, s22  }
0x92: {  	[hbm4b:s26+s3] =	stream.linear.scatter [tilespmem:s25], [sflag:$0x3], $0x80, $0x38;
	[tilespmem:$0xE800] =	vst v63  }
.Ltmp2:
0x93: {  	_ = 	snop;
	(pc) =	sbr.rel @p1 .LBB2_8-.Ltmp2, $4  }
0x94: {  	s28 =	sadd.s32 $0xA730, s21;
	s29 =	sadd.s32 $0x60, s22  }
0x95: {  	[hbm4b:s29+s3] =	stream.linear.scatter [tilespmem:s28], [sflag:$0x3], $0x80, $0x38;
	[tilespmem:$0xE800] =	vst v63  }
0x96: {  	s30 =	sadd.s32 $0xA7B8, s21;
	s31 =	sadd.s32 $0x70, s22  }
0x97: {  	[hbm4b:s31+s3] =	stream.linear.scatter [tilespmem:s30], [sflag:$0x3], $0x80, $0x38;
	[tilespmem:$0xE800] =	vst v63  }
.Ltmp3:
0x98: {  	(pc) =	sbr.rel .LBB2_9-.Ltmp3, $4  }
0x99: {  	_ = 	snop  }
0x9a: {  	_ =	swait.ge [sflag:s14], $0x2000  }
0x9b: {  	[sflag:s14] =	ssyncset.done $0x0  }
0x9c: {  	[sflag:s14] =	ssyncadd.s32 $0xFFFFE000  }
.LBB2_8:
0x9d: {  	s21 =	sshll.u32 s19, $0x8  }
0x9e: {  	s21 =	sand.u32 $0x3FFFFF00, s21  }
.Ltmp4:
0x9f: {  	s21 =	sadd.s32 $0x100, s21;
	(pc) =	sbr.rel @p0 .LBB2_10-.Ltmp4, $4  }
0xa0: {  	[tilespmem:s10], [sflag:$0x1] =	stream.indirect.gather [hbm4b:s4+s9], $0x40, s21, s9, $0xb8;
	[tilespmem:$0xE800] =	vst v63  }
0xa1: {  	_ =	swait.ge [sflag:s14], $0x2000  }
0xa2: {  	[sflag:s14] =	ssyncset.done $0x0  }
0xa3: {  	[sflag:s14] =	ssyncadd.s32 $0xFFFFE000  }
.LBB2_9:
0xa4: {  	_ =	swait.ge [sflag:s15], $0x2000  }
0xa5: {  	[sflag:s15] =	ssyncset.done $0x0  }
0xa6: {  	[sflag:s15] =	ssyncadd.s32 $0xFFFFE000  }
.LBB2_10:
0xa7: {  	s21 =	simm.s32 $0x3  }
0xa8: {  	s25 =	simm.s32 $0x0;
	v4 =	vmov s21  }
0xa9: {  	s22 =	simm.s32 $0x8480;
	v5 =	vand.u32 $0x7F, v4;
	v4 =	vmov s25  }
0xaa: {  	s26 =	simm.s32 $0x1;
	v7 =	vld [tilespmem:s22+$0x40];
	v8 =	vadd.s32 v0, v5;
	v6 =	vand.u32 $0x7C, v4  }
0xab: {  	v9 =	vld [tilespmem:s22+$0xFFFFFF80];
	v4 =	vmov s26;
	v10 =	vadd.s32 v0, v6  }
0xac: {  	s28 =	simm.s32 $0x2;
	v11 =	vand.u32 $0x7D, v4  }
0xad: {  	v13 =	vmov s28;
	v4 =	vld [tilespmem:s22+$0xFFFFFFC0];
	v12 =	vadd.s32 v0, v11  }
0xae: {  	v13 =	vand.u32 $0x7E, v13  }
0xaf: {  	v14 =	vld [tilespmem:s22+$0x0];
	v15 =	vadd.s32 v0, v13;
	[tilespmem:v8+s16+$0x0] =	vst.idx.msk $0xffff, v7  }
0xb0: {  	v8 =	vadd.s32 v1, v5;
	v7 =	vld [tilespmem:s22+$0x50];
	[tilespmem:v10+s16+$0x0] =	vst.idx.msk $0xffff, v9  }
0xb1: {  	v10 =	vadd.s32 v1, v6;
	v9 =	vld [tilespmem:s22+$0xFFFFFF90]  }
0xb2: {  	[tilespmem:v12+s16+$0x0] =	vst.idx.msk $0xffff, v4  }
0xb3: {  	v12 =	vadd.s32 v1, v11;
	v4 =	vld [tilespmem:s22+$0xFFFFFFD0]  }
0xb4: {  	[tilespmem:v15+s16+$0x0] =	vst.idx.msk $0xffff, v14  }
0xb5: {  	s29 =	simm.s32 $0x7;
	v16 =	vadd.s32 v1, v13;
	v15 =	vld [tilespmem:s22+$0x10];
	[tilespmem:v8+s16+$0x0] =	vst.idx.msk $0xffff, v7  }
0xb6: {  	v14 =	vadd.s32 v2, v5;
	v8 =	vmov s29;
	v7 =	vld [tilespmem:s22+$0x60];
	[tilespmem:v10+s16+$0x0] =	vst.idx.msk $0xffff, v9  }
0xb7: {  	s21 =	simm.s32 $0x8580;
	v10 =	vadd.s32 v2, v6;
	v8 =	vand.u32 $0x7F, v8;
	v9 =	vld [tilespmem:s22+$0xFFFFFFA0]  }
0xb8: {  	s23 =	simm.s32 $0x4;
	v18 =	vld [tilespmem:s21+$0x40];
	[tilespmem:v12+s16+$0x0] =	vst.idx.msk $0xffff, v4;
	v19 =	vadd.s32 v0, v8  }
0xb9: {  	s30 =	simm.s32 $0x5;
	v17 =	vadd.s32 v2, v11;
	v4 =	vmov s23;
	v12 =	vld [tilespmem:s22+$0xFFFFFFE0]  }
0xba: {  	s31 =	simm.s32 $0x6;
	v22 =	vmov s30;
	[tilespmem:v16+s16+$0x0] =	vst.idx.msk $0xffff, v15;
	v4 =	vand.u32 $0x7C, v4  }
0xbb: {  	v20 =	vld [tilespmem:s21+$0xFFFFFF80];
	v21 =	vadd.s32 v0, v4;
	[tilespmem:v14+s16+$0x0] =	vst.idx.msk $0xffff, v7;
	v7 =	vand.u32 $0x7D, v22;
	v14 =	vmov s31  }
0xbc: {  	v16 =	vadd.s32 v3, v5;
	[tilespmem:v10+s16+$0x0] =	vst.idx.msk $0xffff, v9;
	v9 =	vld [tilespmem:s21+$0xFFFFFFC0];
	v10 =	vadd.s32 v0, v7;
	v5 =	vand.u32 $0x7E, v14  }
0xbd: {  	v14 =	vld [tilespmem:s21+$0x0];
	[tilespmem:v19+s16+$0x0] =	vst.idx.msk $0xffff, v18;
	v63 =	vadd.s32 v0, v5  }
0xbe: {  	v18 =	vadd.s32 v2, v13;
	[tilespmem:v17+s16+$0x0] =	vst.idx.msk $0xffff, v12;
	v12 =	vld [tilespmem:s22+$0x20]  }
0xbf: {  	v15 =	vld [tilespmem:s22+$0x70]  }
0xc0: {  	v19 =	vld [tilespmem:s21+$0x50];
	[tilespmem:v21+s16+$0x0] =	vst.idx.msk $0xffff, v20;
	v20 =	vadd.s32 v1, v8  }
0xc1: {  	v23 =	vadd.s32 v1, v4;
	v21 =	vld [tilespmem:s21+$0xFFFFFF90];
	[tilespmem:v10+s16+$0x0] =	vst.idx.msk $0xffff, v9  }
0xc2: {  	v25 =	vadd.s32 v3, v11;
	v24 =	vld [tilespmem:s22+$0xFFFFFFF0];
	[tilespmem:v63+s16+$0x0] =	vst.idx.msk $0xffff, v14  }
0xc3: {  	v17 =	vld [tilespmem:s21+$0xFFFFFFD0];
	[tilespmem:v18+s16+$0x0] =	vst.idx.msk $0xffff, v12;
	v18 =	vadd.s32 v1, v7  }
0xc4: {  	[tilespmem:v16+s16+$0x0] =	vst.idx.msk $0xffff, v15;
	v16 =	vadd.s32 v1, v5;
	v15 =	vld [tilespmem:s21+$0x10]  }
0xc5: {  	v14 =	vadd.s32 v3, v13;
	[tilespmem:v20+s16+$0x0] =	vst.idx.msk $0xffff, v19;
	v11 =	vld [tilespmem:s22+$0x30]  }
0xc6: {  	v12 =	vadd.s32 v2, v8;
	[tilespmem:v23+s16+$0x0] =	vst.idx.msk $0xffff, v21;
	v9 =	vld [tilespmem:s21+$0x60]  }
0xc7: {  	s24 =	simm.s32 $0xC;
	s25 =	simm.s32 $0xB;
	s23 =	simm.s32 $0x8;
	v13 =	vadd.s32 v2, v4;
	[tilespmem:v25+s16+$0x0] =	vst.idx.msk $0xffff, v24;
	v10 =	vld [tilespmem:s21+$0xFFFFFFA0]  }
.LBB2_11:
0xc8: {  	p0 =	slt.u32 s24, $0x7C;
	v19 =	vmov s25;
	[tilespmem:v18+s16+$0x0] =	vst.idx.msk $0xffff, v17;
	v17 =	vld [tilespmem:s22+$0xFFFFFFB0];
	v18 =	vadd.s32 v3, v6;
	v6 =	vmov v4;
	s22 =	smov.u32 s21  }
0xc9: {  	v4 =	vmov s23;
	v21 =	vadd.s32 v2, v7;
	s21 =	sadd.s32 $0x100, s21;
	v19 =	vand.u32 $0x7F, v19;
	v20 =	vld [tilespmem:s22+$0xFFFFFFE0];
	[tilespmem:v16+s16+$0x0] =	vst.idx.msk $0xffff, v15  }
0xca: {  	s25 =	sadd.s32 $0x1, s23;
	v4 =	vand.u32 $0x7C, v4;
	v15 =	vld [tilespmem:s21+$0x40];
	v16 =	vadd.s32 v0, v19;
	[tilespmem:v14+s16+$0x0] =	vst.idx.msk $0xffff, v11  }
0xcb: {  	v22 =	vmov s25;
	s25 =	sadd.s32 $0x2, s23;
	s23 =	smov.u32 s24;
	v14 =	vadd.s32 v0, v4;
	v11 =	vld [tilespmem:s21+$0xFFFFFF80];
	[tilespmem:v12+s16+$0x0] =	vst.idx.msk $0xffff, v9  }
0xcc: {  	v9 =	vand.u32 $0x7D, v22;
	v12 =	vmov s25;
	[tilespmem:v13+s16+$0x0] =	vst.idx.msk $0xffff, v10;
	v10 =	vld [tilespmem:s22+$0x70];
	v13 =	vadd.s32 v3, v8;
	v8 =	vmovc v19  }
0xcd: {  	v22 =	vadd.s32 v0, v9;
	v12 =	vand.u32 $0x7E, v12;
	v19 =	vld [tilespmem:s21+$0xFFFFFFC0];
	[tilespmem:v18+s16+$0x0] =	vst.idx.msk $0xffff, v17  }
0xce: {  	v24 =	vadd.s32 v0, v12;
	v23 =	vld [tilespmem:s21+$0x0];
	[tilespmem:v21+s16+$0x0] =	vst.idx.msk $0xffff, v20  }
0xcf: {  	v21 =	vadd.s32 v2, v5;
	[tilespmem:v16+s16+$0x0] =	vst.idx.msk $0xffff, v15;
	v20 =	vld [tilespmem:s22+$0x20]  }
0xd0: {  	[tilespmem:v14+s16+$0x0] =	vst.idx.msk $0xffff, v11;
	v11 =	vld [tilespmem:s21+$0x50];
	v14 =	vadd.s32 v1, v8  }
0xd1: {  	v26 =	vadd.s32 v1, v4;
	v25 =	vld [tilespmem:s21+$0xFFFFFF90];
	[tilespmem:v13+s16+$0x0] =	vst.idx.msk $0xffff, v10  }
0xd2: {  	[tilespmem:v22+s16+$0x0] =	vst.idx.msk $0xffff, v19;
	v19 =	vld [tilespmem:s22+$0xFFFFFFF0];
	v22 =	vadd.s32 v3, v7;
	v7 =	vmov v9  }
.Ltmp5:
0xd3: {  	v17 =	vld [tilespmem:s21+$0xFFFFFFD0];
	v18 =	vadd.s32 v1, v7;
	[tilespmem:v24+s16+$0x0] =	vst.idx.msk $0xffff, v23;
	(pc) =	sbr.rel @p0 .LBB2_11-.Ltmp5, $4  }
0xd4: {  	v16 =	vadd.s32 v1, v12;
	v15 =	vld [tilespmem:s21+$0x10];
	[tilespmem:v21+s16+$0x0] =	vst.idx.msk $0xffff, v20  }
0xd5: {  	[tilespmem:v14+s16+$0x0] =	vst.idx.msk $0xffff, v11;
	v11 =	vld [tilespmem:s22+$0x30];
	v14 =	vadd.s32 v3, v5;
	v5 =	vmov v12  }
0xd6: {  	v12 =	vadd.s32 v2, v8;
	[tilespmem:v26+s16+$0x0] =	vst.idx.msk $0xffff, v25;
	v9 =	vld [tilespmem:s21+$0x60]  }
0xd7: {  	s24 =	sadd.s32 $0x4, s24;
	s25 =	sadd.s32 $0x3, s23;
	v13 =	vadd.s32 v2, v4;
	v10 =	vld [tilespmem:s21+$0xFFFFFFA0];
	[tilespmem:v22+s16+$0x0] =	vst.idx.msk $0xffff, v19  }
0xd8: {  	_ =	sdelay $0x2  }
0xd9: {  	v19 =	vmov s25  }
0xda: {  	s24 =	sadd.s32 $0x1, s23;
	[tilespmem:v18+s16+$0x0] =	vst.idx.msk $0xffff, v17;
	v30 =	vld [tilespmem:s22+$0xFFFFFFB0];
	v6 =	vadd.s32 v3, v6;
	s30 =	sadd.s32 $0x100, s21;
	v21 =	vmov s23;
	v31 =	vand.u32 $0x7F, v19  }
0xdb: {  	s31 =	sadd.s32 $0x2, s23;
	v32 =	vmov s24;
	[tilespmem:v16+s16+$0x0] =	vst.idx.msk $0xffff, v15;
	v33 =	vld [tilespmem:s30+$0x40];
	v21 =	vand.u32 $0x7C, v21;
	v34 =	vadd.s32 v0, v31  }
0xdc: {  	v20 =	vmov s31;
	v22 =	vld [tilespmem:s30+$0xFFFFFF80];
	v19 =	vand.u32 $0x7D, v32;
	[tilespmem:v14+s16+$0x0] =	vst.idx.msk $0xffff, v11;
	v39 =	vadd.s32 v0, v21  }
0xdd: {  	v35 =	vld [tilespmem:s30+$0xFFFFFFC0];
	v20 =	vand.u32 $0x7E, v20;
	v36 =	vadd.s32 v0, v19;
	[tilespmem:v12+s16+$0x0] =	vst.idx.msk $0xffff, v9  }
0xde: {  	v37 =	vld [tilespmem:s30+$0x0];
	v38 =	vadd.s32 v0, v20;
	[tilespmem:v13+s16+$0x0] =	vst.idx.msk $0xffff, v10  }
0xdf: {  	v41 =	vadd.s32 v2, v7;
	v40 =	vld [tilespmem:s21+$0xFFFFFFE0];
	[tilespmem:v6+s16+$0x0] =	vst.idx.msk $0xffff, v30  }
0xe0: {  	v49 =	vadd.s32 v2, v5;
	v48 =	vld [tilespmem:s21+$0x20];
	[tilespmem:v34+s16+$0x0] =	vst.idx.msk $0xffff, v33  }
0xe1: {  	v43 =	vadd.s32 v1, v31;
	[tilespmem:v39+s16+$0x0] =	vst.idx.msk $0xffff, v22;
	v15 =	vld [tilespmem:s30+$0x50]  }
0xe2: {  	v47 =	vadd.s32 v1, v21;
	[tilespmem:v36+s16+$0x0] =	vst.idx.msk $0xffff, v35;
	v46 =	vld [tilespmem:s30+$0xFFFFFF90]  }
0xe3: {  	v44 =	vadd.s32 v1, v19;
	[tilespmem:v38+s16+$0x0] =	vst.idx.msk $0xffff, v37;
	v11 =	vld [tilespmem:s30+$0xFFFFFFD0]  }
0xe4: {  	v45 =	vadd.s32 v1, v20;
	[tilespmem:v41+s16+$0x0] =	vst.idx.msk $0xffff, v40;
	v9 =	vld [tilespmem:s30+$0x10]  }
0xe5: {  	v8 =	vadd.s32 v3, v8;
	v42 =	vld [tilespmem:s21+$0x70];
	[tilespmem:v49+s16+$0x0] =	vst.idx.msk $0xffff, v48  }
0xe6: {  	v5 =	vadd.s32 v3, v5;
	v13 =	vld [tilespmem:s21+$0x30];
	[tilespmem:v43+s16+$0x0] =	vst.idx.msk $0xffff, v15  }
0xe7: {  	v52 =	vadd.s32 v2, v31;
	[tilespmem:v47+s16+$0x0] =	vst.idx.msk $0xffff, v46;
	v15 =	vld [tilespmem:s30+$0x60]  }
0xe8: {  	v57 =	vadd.s32 v2, v21;
	[tilespmem:v44+s16+$0x0] =	vst.idx.msk $0xffff, v11;
	v56 =	vld [tilespmem:s30+$0xFFFFFFA0]  }
0xe9: {  	v53 =	vadd.s32 v2, v19;
	[tilespmem:v45+s16+$0x0] =	vst.idx.msk $0xffff, v9;
	v11 =	vld [tilespmem:s30+$0xFFFFFFE0]  }
0xea: {  	v55 =	vadd.s32 v2, v20;
	[tilespmem:v8+s16+$0x0] =	vst.idx.msk $0xffff, v42;
	v54 =	vld [tilespmem:s30+$0x20]  }
0xeb: {  	v4 =	vadd.s32 v3, v4;
	v58 =	vld [tilespmem:s21+$0xFFFFFFB0];
	[tilespmem:v5+s16+$0x0] =	vst.idx.msk $0xffff, v13  }
0xec: {  	v51 =	vadd.s32 v3, v7;
	v50 =	vld [tilespmem:s21+$0xFFFFFFF0];
	[tilespmem:v52+s16+$0x0] =	vst.idx.msk $0xffff, v15  }
0xed: {  	v60 =	vadd.s32 v3, v31;
	[tilespmem:v57+s16+$0x0] =	vst.idx.msk $0xffff, v56;
	v59 =	vld [tilespmem:s30+$0x70]  }
0xee: {  	v63 =	vadd.s32 v3, v21;
	[tilespmem:v53+s16+$0x0] =	vst.idx.msk $0xffff, v11;
	v5 =	vld [tilespmem:s30+$0xFFFFFFB0]  }
0xef: {  	v61 =	vadd.s32 v3, v19;
	[tilespmem:v55+s16+$0x0] =	vst.idx.msk $0xffff, v54;
	v11 =	vld [tilespmem:s30+$0xFFFFFFF0]  }
0xf0: {  	v62 =	vadd.s32 v3, v20;
	[tilespmem:v4+s16+$0x0] =	vst.idx.msk $0xffff, v58;
	v6 =	vld [tilespmem:s30+$0x30]  }
0xf1: {  	s23 =	sadd.s32 s6, s20;
	[tilespmem:v51+s16+$0x0] =	vst.idx.msk $0xffff, v50  }
0xf2: {  	s25 =	sshll.u32 s20, $0xF;
	s24 =	sshll.u32 s23, $0xA;
	s21 =	sshll.u32 s23, $0x4;
	[tilespmem:v60+s16+$0x0] =	vst.idx.msk $0xffff, v59  }
0xf3: {  	s20 =	sand.u32 $0x38000, s25;
	s22 =	sand.u32 $0xFFC0000, s24;
	s21 =	sand.u32 $0xF80, s21;
	[tilespmem:v63+s16+$0x0] =	vst.idx.msk $0xffff, v5  }
0xf4: {  	s20 =	sor.u32 s22, s20;
	s21 =	sadd.s32 s2, s21;
	[tilespmem:v61+s16+$0x0] =	vst.idx.msk $0xffff, v11  }
0xf5: {  	s26 =	simm.s32 $0xC600;
	s21 =	sadd.s32 s20, s21;
	[tilespmem:v62+s16+$0x0] =	vst.idx.msk $0xffff, v6  }
0xf6: {  	[hbm4b:s21+s3] =	stream.linear.scatter [tilespmem:s26], [sflag:$0x4], $0x80, $0x38;
	[tilespmem:$0xE800] =	vst v63  }
0xf7: {  	s28 =	simm.s32 $0xC688;
	s29 =	sadd.s32 $0x10, s21  }
0xf8: {  	[hbm4b:s29+s3] =	stream.linear.scatter [tilespmem:s28], [sflag:$0x4], $0x80, $0x38;
	[tilespmem:$0xE800] =	vst v63  }
0xf9: {  	s25 =	simm.s32 $0xC820;
	s31 =	sadd.s32 $0x20, s21;
	s30 =	simm.s32 $0xC710  }
0xfa: {  	[hbm4b:s31+s3] =	stream.linear.scatter [tilespmem:s30], [sflag:$0x4], $0x80, $0x38;
	[tilespmem:$0xE800] =	vst v63  }
0xfb: {  	s22 =	simm.s32 $0x2200;
	s23 =	simm.s32 $0xC798;
	s24 =	sadd.s32 $0x30, s21  }
0xfc: {  	[hbm4b:s24+s3] =	stream.linear.scatter [tilespmem:s23], [sflag:$0x4], $0x80, $0x38;
	[tilespmem:$0xE800] =	vst v63  }
0xfd: {  	s20 =	simm.s32 $0x440;
	s26 =	sadd.s32 $0x40, s21;
	s28 =	simm.s32 $0xC8A8  }
0xfe: {  	[hbm4b:s26+s3] =	stream.linear.scatter [tilespmem:s25], [sflag:$0x4], $0x80, $0x38;
	[tilespmem:$0xE800] =	vst v63  }
0xff: {  	s29 =	sadd.s32 $0x50, s21;
	s30 =	simm.s32 $0xC930;
	s31 =	sadd.s32 $0x60, s21  }
0x100: {  	[hbm4b:s29+s3] =	stream.linear.scatter [tilespmem:s28], [sflag:$0x4], $0x80, $0x38;
	[tilespmem:$0xE800] =	vst v63  }
0x101: {  	s23 =	simm.s32 $0xC9B8;
	s24 =	sadd.s32 $0x70, s21;
	s21 =	sadd.s32 $0x1000, s21  }
0x102: {  	[hbm4b:s31+s3] =	stream.linear.scatter [tilespmem:s30], [sflag:$0x4], $0x80, $0x38;
	[tilespmem:$0xE800] =	vst v63  }
.LBB2_13:
0x103: {  	[hbm4b:s24+s3] =	stream.linear.scatter [tilespmem:s23], [sflag:$0x4], $0x80, $0x38;
	[tilespmem:$0xE800] =	vst v63  }
0x104: {  	s23 =	smov.u32 s20;
	s20 =	smov.u32 s22  }
0x105: {  	s25 =	sadd.s32 $0x1100, s22;
	s20 =	sshra.s32 s20, $0x2;
	s24 =	sadd.s32 $0xC600, s23  }
0x106: {  	[hbm4b:s21+s3] =	stream.linear.scatter [tilespmem:s24], [sflag:$0x4], $0x80, $0x38;
	[tilespmem:$0xE800] =	vst v63  }
0x107: {  	p0 =	sne.s32 s22, $0x7700;
	s22 =	sadd.s32 $0xC688, s23;
	s24 =	sadd.s32 $0x10, s21  }
0x108: {  	[hbm4b:s24+s3] =	stream.linear.scatter [tilespmem:s22], [sflag:$0x4], $0x80, $0x38;
	[tilespmem:$0xE800] =	vst v63  }
0x109: {  	s22 =	sadd.s32 $0xC710, s23;
	s24 =	sadd.s32 $0x20, s21  }
0x10a: {  	[hbm4b:s24+s3] =	stream.linear.scatter [tilespmem:s22], [sflag:$0x4], $0x80, $0x38;
	[tilespmem:$0xE800] =	vst v63  }
0x10b: {  	s22 =	sadd.s32 $0xC798, s23;
	s24 =	sadd.s32 $0x30, s21  }
0x10c: {  	[hbm4b:s24+s3] =	stream.linear.scatter [tilespmem:s22], [sflag:$0x4], $0x80, $0x38;
	[tilespmem:$0xE800] =	vst v63  }
0x10d: {  	s22 =	sadd.s32 $0xC820, s23;
	s24 =	sadd.s32 $0x40, s21  }
0x10e: {  	[hbm4b:s24+s3] =	stream.linear.scatter [tilespmem:s22], [sflag:$0x4], $0x80, $0x38;
	[tilespmem:$0xE800] =	vst v63  }
.Ltmp6:
0x10f: {  	s22 =	sadd.s32 $0xC8A8, s23;
	s24 =	sadd.s32 $0x50, s21;
	(pc) =	sbr.rel @p0 .LBB2_13-.Ltmp6, $4  }
0x110: {  	[hbm4b:s24+s3] =	stream.linear.scatter [tilespmem:s22], [sflag:$0x4], $0x80, $0x38;
	[tilespmem:$0xE800] =	vst v63  }
0x111: {  	s22 =	sadd.s32 $0xC930, s23;
	s24 =	sadd.s32 $0x60, s21;
	s23 =	sadd.s32 $0xC9B8, s23  }
0x112: {  	[hbm4b:s24+s3] =	stream.linear.scatter [tilespmem:s22], [sflag:$0x4], $0x80, $0x38;
	[tilespmem:$0xE800] =	vst v63  }
0x113: {  	s24 =	sadd.s32 $0x70, s21;
	s21 =	sadd.s32 $0x1000, s21;
	s22 =	smov.u32 s25  }
0x114: {  	[hbm4b:s24+s3] =	stream.linear.scatter [tilespmem:s23], [sflag:$0x4], $0x80, $0x38;
	[tilespmem:$0xE800] =	vst v63  }
0x115: {  	s22 =	sadd.s32 $0xC600, s20  }
0x116: {  	[hbm4b:s21+s3] =	stream.linear.scatter [tilespmem:s22], [sflag:$0x4], $0x80, $0x38;
	[tilespmem:$0xE800] =	vst v63  }
0x117: {  	s25 =	sadd.s32 $0xC688, s20;
	s26 =	sadd.s32 $0x10, s21  }
0x118: {  	[hbm4b:s26+s3] =	stream.linear.scatter [tilespmem:s25], [sflag:$0x4], $0x80, $0x38;
	[tilespmem:$0xE800] =	vst v63  }
0x119: {  	s28 =	sadd.s32 $0xC710, s20;
	s29 =	sadd.s32 $0x20, s21  }
0x11a: {  	[hbm4b:s29+s3] =	stream.linear.scatter [tilespmem:s28], [sflag:$0x4], $0x80, $0x38;
	[tilespmem:$0xE800] =	vst v63  }
0x11b: {  	s30 =	sadd.s32 $0xC798, s20;
	s31 =	sadd.s32 $0x30, s21  }
0x11c: {  	[hbm4b:s31+s3] =	stream.linear.scatter [tilespmem:s30], [sflag:$0x4], $0x80, $0x38;
	[tilespmem:$0xE800] =	vst v63  }
0x11d: {  	s23 =	sadd.s32 $0xC820, s20;
	s24 =	sadd.s32 $0x40, s21;
	s19 =	sadd.s32 $0x1, s19  }
0x11e: {  	[hbm4b:s24+s3] =	stream.linear.scatter [tilespmem:s23], [sflag:$0x4], $0x80, $0x38;
	[tilespmem:$0xE800] =	vst v63  }
0x11f: {  	p0 =	sne.s32 s19, $0x64;
	s25 =	sadd.s32 $0xC8A8, s20;
	s26 =	sadd.s32 $0x50, s21  }
0x120: {  	[hbm4b:s26+s3] =	stream.linear.scatter [tilespmem:s25], [sflag:$0x4], $0x80, $0x38;
	[tilespmem:$0xE800] =	vst v63  }
.Ltmp7:
0x121: {  	_ = 	snop;
	(pc) =	sbr.rel @p0 .LBB2_2-.Ltmp7, $4  }
0x122: {  	s28 =	sadd.s32 $0xC930, s20;
	s29 =	sadd.s32 $0x60, s21  }
0x123: {  	[hbm4b:s29+s3] =	stream.linear.scatter [tilespmem:s28], [sflag:$0x4], $0x80, $0x38;
	[tilespmem:$0xE800] =	vst v63  }
0x124: {  	s30 =	sadd.s32 $0xC9B8, s20;
	s31 =	sadd.s32 $0x70, s21  }
0x125: {  	[hbm4b:s31+s3] =	stream.linear.scatter [tilespmem:s30], [sflag:$0x4], $0x80, $0x38;
	[tilespmem:$0xE800] =	vst v63  }
0x126: {  	s18 =	sadd.s32 $0x1, s18  }
0x127: {  	_ =	swait.ge [sflag:s17], $0x2000;
	p0 =	sne.s32 s18, s7  }
.Ltmp8:
0x128: {  	[sflag:s17] =	ssyncset.done $0x0;
	(pc) =	sbr.rel @p0 .LBB2_1-.Ltmp8, $4  }
0x129: {  	[sflag:s17] =	ssyncadd.s32 $0xFFFFE000  }
0x12a: {  	_ =	swait.ge [sflag:s15], $0x2000  }
0x12b: {  	[sflag:s15] =	ssyncset.done $0x0  }
0x12c: {  	[sflag:s15] =	ssyncadd.s32 $0xFFFFE000  }
0x12d: {  	_ =	sfence.sel $0x180000  }
0x12e: {  	[bflag:$0x0] =	sbarrier.arrive $0xFFFF  }
0x12f: {  	p0 =	sne.s32 s0, $0x0;
	_ =	strace $0x9000004A  }
0x130: {  	s0 =	sadd.s32 @!p0 $0x100000, s1;
	[bflag:$0x2] =	sbarrier.arrive $0xFFFF  }
0x131: {  	[sflag:s0] =	ssyncadd.tile.s32 @!p0 $0x1;
	_ =	shalt  }
.Lfunc_end2:
_tile_overlayer_lowered:
.L_overlay_start_2:
0x132: {  	(tag) =	ssettag $0x2  }
0x133: {  	s0 =	rddreg [dreg:$0x0];
	s2 =	stileid.u32  }
0x134: {  	s1 =	rddreg [dreg:$0x1];
	p0 =	sne.s32 s2, $0x0  }
0x135: {  	s3 =	rddreg [dreg:$0x2];
	[bflag:$0x3] =	sbarrier.arrive $0xFFFF;
	s2 =	simm.s32 @!p0 $0x1C05  }
0x136: {  	[timem:s3], [sflag:s2] =	dma.local @!p0 [hbm:s0], s1  }
0x137: {  	s0 =	simm.s32 @!p0 $0x5  }
0x138: {  	_ =	swait.ge @!p0 [sflag:s0], s1  }
0x139: {  	s1 =	ssub.s32 @!p0 $0x0, s1;
	[sflag:s0] =	ssyncset.done @!p0 $0x0  }
0x13a: {  	[sflag:s0] =	ssyncadd.s32 @!p0 s1  }
0x13b: {  	[bflag:$0x3] =	sbarrier.arrive $0xFFFF  }
0x13c: {  	_ =	shalt  }

</sc_bundles>
